<compile_context>
chip_gen: v7x
topology: tpu7x:2x2x1
jax: 0.10.2.dev20260603
libtpu: 0.0.44.dev20260713+nightly
codegen_flags: <defaults>
</compile_context>

<pallas_src>
import jax
import jax.numpy as jnp
from jax import lax
from jax.experimental import pallas as pl
from jax.experimental.pallas import tpu as pltpu
from jax.experimental.pallas import tpu_sc as plsc

_NC = 2
_NS = 16
_LANES = 16
_CHUNK = 128


def kernel(x, positions, diff_coeffs, hmat, times):
    del times
    n, dim = positions.shape
    batch = x.shape[0]
    ncont = diff_coeffs.shape[0]
    deg1 = hmat.shape[-1]
    nw = _NC * _NS
    bw = batch // nw
    nchunks = bw // _CHUNK
    vpc = _CHUNK // _LANES
    nvec = bw // _LANES

    dc = diff_coeffs.reshape(ncont * n, dim)
    hmat0 = jnp.zeros((deg1, _LANES), jnp.float32).at[:, :deg1].set(hmat[0])

    mesh = plsc.VectorSubcoreMesh(
        core_axis_name="c", subcore_axis_name="s",
        num_cores=_NC, num_subcores=_NS)

    def body(x_hbm, pos_hbm, dc_hbm, h_hbm, out_hbm,
             x_v, ia_v, ib_v, ja_v, jb_v, w_v, h_v, r_v, o_v, sem):
        wid = lax.axis_index("s") * _NC + lax.axis_index("c")
        base = wid * bw
        pltpu.sync_copy(x_hbm.at[pl.ds(base, bw)], x_v)
        pltpu.sync_copy(h_hbm, h_v)
        hrows = [h_v[d, :] for d in range(deg1)]
        hs = [[hrows[d][j] for j in range(deg1)] for d in range(deg1)]

        def stage_idx(k, carry):
            xv = x_v[pl.ds(k * _LANES, _LANES)]
            iv = jnp.clip(xv.astype(jnp.int32), 0, n - 2)
            fv = xv - iv.astype(jnp.float32)
            c = k // vpc
            off = (k % vpc) * _LANES
            ia_v[c, pl.ds(off, _LANES)] = iv
            ib_v[c, pl.ds(off, _LANES)] = iv + 1
            ja_v[c, pl.ds(off, _LANES)] = iv + n
            jb_v[c, pl.ds(off, _LANES)] = iv + (n + 1)
            for j in range(deg1):
                wj = jnp.full((_LANES,), hs[deg1 - 1][j], jnp.float32)
                for d in range(deg1 - 2, -1, -1):
                    wj = wj * fv + hs[d][j]
                w_v[j, pl.ds(k * _LANES, _LANES)] = wj
            return carry

        lax.fori_loop(0, nvec, stage_idx, 0)

        def stage_gather(c, carry):
            cps = [
                pltpu.async_copy(pos_hbm.at[ia_v.at[c]], r_v.at[0], sem),
                pltpu.async_copy(dc_hbm.at[ia_v.at[c]], r_v.at[1], sem),
                pltpu.async_copy(dc_hbm.at[ja_v.at[c]], r_v.at[2], sem),
                pltpu.async_copy(pos_hbm.at[ib_v.at[c]], r_v.at[3], sem),
                pltpu.async_copy(dc_hbm.at[ib_v.at[c]], r_v.at[4], sem),
                pltpu.async_copy(dc_hbm.at[jb_v.at[c]], r_v.at[5], sem),
            ]
            for cp in cps:
                cp.wait()
            qbase = c * _CHUNK

            def accum16(g, cc):
                qb = g * _LANES
                wvs = [w_v[j, pl.ds(qbase + qb, _LANES)] for j in range(deg1)]
                for qq in range(_LANES):
                    q = qb + qq
                    acc = r_v[0, q, :] * wvs[0][qq]
                    for j in range(1, deg1):
                        acc = acc + r_v[j, q, :] * wvs[j][qq]
                    o_v[q, :] = acc
                return cc

            lax.fori_loop(0, vpc, accum16, 0)
            pltpu.sync_copy(o_v, out_hbm.at[pl.ds(base + qbase, _CHUNK)])
            return carry

        lax.fori_loop(0, nchunks, stage_gather, 0)

    run = pl.kernel(
        body,
        out_type=jax.ShapeDtypeStruct((batch, dim), jnp.float32),
        mesh=mesh,
        scratch_types=[
            pltpu.VMEM((bw,), jnp.float32),
            pltpu.VMEM((nchunks, _CHUNK), jnp.int32),
            pltpu.VMEM((nchunks, _CHUNK), jnp.int32),
            pltpu.VMEM((nchunks, _CHUNK), jnp.int32),
            pltpu.VMEM((nchunks, _CHUNK), jnp.int32),
            pltpu.VMEM((deg1, bw), jnp.float32),
            pltpu.VMEM((deg1, _LANES), jnp.float32),
            pltpu.VMEM((deg1, _CHUNK, dim), jnp.float32),
            pltpu.VMEM((_CHUNK, dim), jnp.float32),
            pltpu.SemaphoreType.DMA,
        ],
        compiler_params=pltpu.CompilerParams(use_tc_tiling_on_sc=False),
    )
    return run(x, positions, dc, hmat0)

# --- scband reference (transcript-rebuilt; emitter-appended) ---
"""Pipeline reference for scband-hermite-spline-35742717837564 (READ-ONLY COPY).

The authoritative reference and input builder live on the scoring server;
editing this copy changes nothing except your own understanding.
"""

import jax, jax.numpy as jnp
import numpy as np
import math

N = 65536
DIM = 16
BATCH = 131072
DEGREE = 5
CONT = 2


def _build_hmat(t_np):
    dt = (t_np[1:] - t_np[:-1]).astype(np.float64).reshape(-1, 1, 1)
    D = DEGREE + 1
    cmat = np.zeros((D, D), dtype=np.float64)
    emat = np.zeros((D, D), dtype=np.float64)
    for d in range(CONT + 1):
        cmat[d, d] = math.factorial(d)
    cs = np.ones(D, dtype=np.float64)
    es = np.arange(D, dtype=np.float64)
    for d in range(CONT + 1):
        row = CONT + 1 + d
        cmat[row] = cs
        emat[row] = es
        cs = cs * es
        es = np.concatenate((np.zeros(1), es))[:-1]
    for i in range(2 * (CONT + 1), D):
        cmat[i, i] = 1.0
        emat[i, i] = float(i)
    wmat = cmat[None] * dt ** emat[None]
    hmat = np.matmul(wmat.transpose(0, 2, 1), np.linalg.inv(np.matmul(wmat, wmat.transpose(0, 2, 1))))
    return hmat.astype(np.float32)


def setup_inputs(seed: int = 0):
    key = jax.random.key(seed)
    k1, k2, k3 = jax.random.split(key, 3)
    times_np = np.arange(N, dtype=np.float32)
    positions = jax.random.normal(k1, (N, DIM), dtype=jnp.float32)
    diff_coeffs = jax.random.normal(k2, (CONT, N, DIM), dtype=jnp.float32) * 0.01
    x = jnp.sort(jax.random.uniform(k3, (BATCH,), dtype=jnp.float32, minval=0.0, maxval=float(N - 1) - 1e-3))
    hmat = jnp.asarray(_build_hmat(times_np))
    times = jnp.asarray(times_np)
    return {"x": x, "positions": positions, "diff_coeffs": diff_coeffs, "hmat": hmat, "times": times}


def reference(x, positions, diff_coeffs, hmat, times):
    n = positions.shape[0]
    i = jnp.clip(jnp.searchsorted(times, x, side='right') - 1, 0, n - 2)
    # coeff_matrix: vstack([c0[:-1], diff[:, :-1], c0[1:], diff[:, 1:]]).transpose(0, 1)
    c = jnp.concatenate([positions[:-1][None], diff_coeffs[:, :-1], positions[1:][None], diff_coeffs[:, 1:]], axis=0).transpose(1, 0, 2)
    p_mat = jnp.matmul(hmat, c)            # [n-1, degree+1, dim]
    p_sel = jnp.take(p_mat, i, axis=0)     # gather: [batch, degree+1, dim]
    f = (x - jnp.take(times, i))[:, None]  # [batch, 1]
    # t_pow = [1, f, f^2, ..., f^degree]  (cs = ones, es = arange)
    t_pow = jnp.cumprod(jnp.concatenate([jnp.ones_like(f), jnp.broadcast_to(f, (f.shape[0], DEGREE))], axis=1), axis=1)
    p = jnp.einsum('ni,nij->nj', t_pow, p_sel)
    return p

if __name__ == "__main__":
    import jax
    _d = setup_inputs()
    print(jax.jit(kernel)(*tuple(_d.values())))

</pallas_src>

<mosaic_0001>
#map = affine_map<(d0, d1) -> (0)>
#map1 = affine_map<(d0, d1) -> (0, 0)>
module attributes {stable_mosaic.version = 14 : i64} {
  func.func @body(%arg0: i32, %arg1: i32, %arg2: memref<131072xf32, #tpu.memory_space<hbm>>, %arg3: memref<65536x16xf32, #tpu.memory_space<hbm>>, %arg4: memref<131072x16xf32, #tpu.memory_space<hbm>>, %arg5: memref<6x16xf32, #tpu.memory_space<hbm>>, %arg6: memref<131072x16xf32, #tpu.memory_space<hbm>>, %arg7: memref<4096xf32, #tpu.memory_space<vmem>>, %arg8: memref<32x128xi32, #tpu.memory_space<vmem>>, %arg9: memref<32x128xi32, #tpu.memory_space<vmem>>, %arg10: memref<32x128xi32, #tpu.memory_space<vmem>>, %arg11: memref<32x128xi32, #tpu.memory_space<vmem>>, %arg12: memref<6x4096xf32, #tpu.memory_space<vmem>>, %arg13: memref<6x16xf32, #tpu.memory_space<vmem>>, %arg14: memref<6x128x16xf32, #tpu.memory_space<vmem>>, %arg15: memref<128x16xf32, #tpu.memory_space<vmem>>, %arg16: memref<!tpu.dma_semaphore, #tpu.memory_space<semaphore_mem>>) attributes {dimension_semantics = [#tpu.dimension_semantics<core_parallel>, #tpu.dimension_semantics<subcore_parallel>], iteration_bounds = array<i64: 2, 16>, scalar_prefetch = 0 : i64, scratch_operands = 10 : i64, tpu.core_type = #tpu.core_type<sc_vector_subcore>, window_params = [{transform_indices = #map}, {transform_indices = #map1}, {transform_indices = #map1}, {transform_indices = #map1}, {transform_indices = #map1}]} {
    %mul3A = arith.constant 2 : i32
    %mul3A_0 = arith.muli %arg1, %mul3A : i32
    %add3A = arith.addi %mul3A_0, %arg0 : i32
    %mul3A_1 = arith.constant 4096 : i32
    %mul3A_2 = arith.muli %add3A, %mul3A_1 : i32
    "tpu.region"() ({
      %run_scoped3A = tpu.sem_alloc : memref<!tpu.dma_semaphore, #tpu.memory_space<semaphore_mem>>
      %dma_start3A = tpu.memref_slice %arg2[%mul3A_2] : memref<131072xf32, #tpu.memory_space<hbm>> -> memref<4096xf32, #tpu.memory_space<hbm>>
      %dma_start3A_113 = tpu.memref_slice %arg2[%mul3A_2] : memref<131072xf32, #tpu.memory_space<hbm>> -> memref<4096xf32, #tpu.memory_space<hbm>>
      tpu.enqueue_dma source(%dma_start3A_113 : memref<4096xf32, #tpu.memory_space<hbm>>) target(%arg7 : memref<4096xf32, #tpu.memory_space<vmem>>) target_semaphore(%run_scoped3A : memref<!tpu.dma_semaphore, #tpu.memory_space<semaphore_mem>>)
      %dma_wait3A = tpu.memref_slice %arg2[%mul3A_2] : memref<131072xf32, #tpu.memory_space<hbm>> -> memref<4096xf32, #tpu.memory_space<hbm>>
      %dma_wait3A_114 = tpu.memref_slice %arg2[%mul3A_2] : memref<131072xf32, #tpu.memory_space<hbm>> -> memref<4096xf32, #tpu.memory_space<hbm>>
      tpu.wait_dma2 semaphore(%run_scoped3A : memref<!tpu.dma_semaphore, #tpu.memory_space<semaphore_mem>>) src(%dma_wait3A_114 : memref<4096xf32, #tpu.memory_space<hbm>>) dst(%arg7 : memref<4096xf32, #tpu.memory_space<vmem>>)
      tpu.yield
    }) : () -> ()
    "tpu.region"() ({
      %run_scoped3A = tpu.sem_alloc : memref<!tpu.dma_semaphore, #tpu.memory_space<semaphore_mem>>
      tpu.enqueue_dma source(%arg5 : memref<6x16xf32, #tpu.memory_space<hbm>>) target(%arg13 : memref<6x16xf32, #tpu.memory_space<vmem>>) target_semaphore(%run_scoped3A : memref<!tpu.dma_semaphore, #tpu.memory_space<semaphore_mem>>)
      tpu.wait_dma2 semaphore(%run_scoped3A : memref<!tpu.dma_semaphore, #tpu.memory_space<semaphore_mem>>) src(%arg5 : memref<6x16xf32, #tpu.memory_space<hbm>>) dst(%arg13 : memref<6x16xf32, #tpu.memory_space<vmem>>)
      tpu.yield
    }) : () -> ()
    %get3A = arith.constant 0 : i32
    %get3A_3 = arith.index_cast %get3A : i32 to index
    %get3A_4 = arith.constant 0 : index
    %get3A_5 = tpu.vector_load %arg13[%get3A_3, %get3A_4] {strides = array<i32>} : memref<6x16xf32, #tpu.memory_space<vmem>>, vector<1x16xf32>,
    %get3A_6 = vector.shape_cast %get3A_5 : vector<1x16xf32> to vector<16xf32>
    %get3A_7 = arith.constant 1 : i32
    %get3A_8 = arith.index_cast %get3A_7 : i32 to index
    %get3A_9 = arith.constant 0 : index
    %get3A_10 = tpu.vector_load %arg13[%get3A_8, %get3A_9] {strides = array<i32>} : memref<6x16xf32, #tpu.memory_space<vmem>>, vector<1x16xf32>,
    %get3A_11 = vector.shape_cast %get3A_10 : vector<1x16xf32> to vector<16xf32>
    %get3A_12 = arith.constant 2 : i32
    %get3A_13 = arith.index_cast %get3A_12 : i32 to index
    %get3A_14 = arith.constant 0 : index
    %get3A_15 = tpu.vector_load %arg13[%get3A_13, %get3A_14] {strides = array<i32>} : memref<6x16xf32, #tpu.memory_space<vmem>>, vector<1x16xf32>,
    %get3A_16 = vector.shape_cast %get3A_15 : vector<1x16xf32> to vector<16xf32>
    %get3A_17 = arith.constant 3 : i32
    %get3A_18 = arith.index_cast %get3A_17 : i32 to index
    %get3A_19 = arith.constant 0 : index
    %get3A_20 = tpu.vector_load %arg13[%get3A_18, %get3A_19] {strides = array<i32>} : memref<6x16xf32, #tpu.memory_space<vmem>>, vector<1x16xf32>,
    %get3A_21 = vector.shape_cast %get3A_20 : vector<1x16xf32> to vector<16xf32>
    %get3A_22 = arith.constant 4 : i32
    %get3A_23 = arith.index_cast %get3A_22 : i32 to index
    %get3A_24 = arith.constant 0 : index
    %get3A_25 = tpu.vector_load %arg13[%get3A_23, %get3A_24] {strides = array<i32>} : memref<6x16xf32, #tpu.memory_space<vmem>>, vector<1x16xf32>,
    %get3A_26 = vector.shape_cast %get3A_25 : vector<1x16xf32> to vector<16xf32>
    %get3A_27 = arith.constant 5 : i32
    %get3A_28 = arith.index_cast %get3A_27 : i32 to index
    %get3A_29 = arith.constant 0 : index
    %get3A_30 = tpu.vector_load %arg13[%get3A_28, %get3A_29] {strides = array<i32>} : memref<6x16xf32, #tpu.memory_space<vmem>>, vector<1x16xf32>,
    %get3A_31 = vector.shape_cast %get3A_30 : vector<1x16xf32> to vector<16xf32>
    %slice3A = vector.extract_strided_slice %get3A_6 {offsets = [0], sizes = [1], strides = [1]} : vector<16xf32> to vector<1xf32>
    %squeeze3A = vector.extract %slice3A[0] : f32 from vector<1xf32>
    %slice3A_32 = vector.extract_strided_slice %get3A_6 {offsets = [1], sizes = [1], strides = [1]} : vector<16xf32> to vector<1xf32>
    %squeeze3A_33 = vector.extract %slice3A_32[0] : f32 from vector<1xf32>
    %slice3A_34 = vector.extract_strided_slice %get3A_6 {offsets = [2], sizes = [1], strides = [1]} : vector<16xf32> to vector<1xf32>
    %squeeze3A_35 = vector.extract %slice3A_34[0] : f32 from vector<1xf32>
    %slice3A_36 = vector.extract_strided_slice %get3A_6 {offsets = [3], sizes = [1], strides = [1]} : vector<16xf32> to vector<1xf32>
    %squeeze3A_37 = vector.extract %slice3A_36[0] : f32 from vector<1xf32>
    %slice3A_38 = vector.extract_strided_slice %get3A_6 {offsets = [4], sizes = [1], strides = [1]} : vector<16xf32> to vector<1xf32>
    %squeeze3A_39 = vector.extract %slice3A_38[0] : f32 from vector<1xf32>
    %slice3A_40 = vector.extract_strided_slice %get3A_6 {offsets = [5], sizes = [1], strides = [1]} : vector<16xf32> to vector<1xf32>
    %squeeze3A_41 = vector.extract %slice3A_40[0] : f32 from vector<1xf32>
    %slice3A_42 = vector.extract_strided_slice %get3A_11 {offsets = [0], sizes = [1], strides = [1]} : vector<16xf32> to vector<1xf32>
    %squeeze3A_43 = vector.extract %slice3A_42[0] : f32 from vector<1xf32>
    %slice3A_44 = vector.extract_strided_slice %get3A_11 {offsets = [1], sizes = [1], strides = [1]} : vector<16xf32> to vector<1xf32>
    %squeeze3A_45 = vector.extract %slice3A_44[0] : f32 from vector<1xf32>
    %slice3A_46 = vector.extract_strided_slice %get3A_11 {offsets = [2], sizes = [1], strides = [1]} : vector<16xf32> to vector<1xf32>
    %squeeze3A_47 = vector.extract %slice3A_46[0] : f32 from vector<1xf32>
    %slice3A_48 = vector.extract_strided_slice %get3A_11 {offsets = [3], sizes = [1], strides = [1]} : vector<16xf32> to vector<1xf32>
    %squeeze3A_49 = vector.extract %slice3A_48[0] : f32 from vector<1xf32>
    %slice3A_50 = vector.extract_strided_slice %get3A_11 {offsets = [4], sizes = [1], strides = [1]} : vector<16xf32> to vector<1xf32>
    %squeeze3A_51 = vector.extract %slice3A_50[0] : f32 from vector<1xf32>
    %slice3A_52 = vector.extract_strided_slice %get3A_11 {offsets = [5], sizes = [1], strides = [1]} : vector<16xf32> to vector<1xf32>
    %squeeze3A_53 = vector.extract %slice3A_52[0] : f32 from vector<1xf32>
    %slice3A_54 = vector.extract_strided_slice %get3A_16 {offsets = [0], sizes = [1], strides = [1]} : vector<16xf32> to vector<1xf32>
    %squeeze3A_55 = vector.extract %slice3A_54[0] : f32 from vector<1xf32>
    %slice3A_56 = vector.extract_strided_slice %get3A_16 {offsets = [1], sizes = [1], strides = [1]} : vector<16xf32> to vector<1xf32>
    %squeeze3A_57 = vector.extract %slice3A_56[0] : f32 from vector<1xf32>
    %slice3A_58 = vector.extract_strided_slice %get3A_16 {offsets = [2], sizes = [1], strides = [1]} : vector<16xf32> to vector<1xf32>
    %squeeze3A_59 = vector.extract %slice3A_58[0] : f32 from vector<1xf32>
    %slice3A_60 = vector.extract_strided_slice %get3A_16 {offsets = [3], sizes = [1], strides = [1]} : vector<16xf32> to vector<1xf32>
    %squeeze3A_61 = vector.extract %slice3A_60[0] : f32 from vector<1xf32>
    %slice3A_62 = vector.extract_strided_slice %get3A_16 {offsets = [4], sizes = [1], strides = [1]} : vector<16xf32> to vector<1xf32>
    %squeeze3A_63 = vector.extract %slice3A_62[0] : f32 from vector<1xf32>
    %slice3A_64 = vector.extract_strided_slice %get3A_16 {offsets = [5], sizes = [1], strides = [1]} : vector<16xf32> to vector<1xf32>
    %squeeze3A_65 = vector.extract %slice3A_64[0] : f32 from vector<1xf32>
    %slice3A_66 = vector.extract_strided_slice %get3A_21 {offsets = [0], sizes = [1], strides = [1]} : vector<16xf32> to vector<1xf32>
    %squeeze3A_67 = vector.extract %slice3A_66[0] : f32 from vector<1xf32>
    %slice3A_68 = vector.extract_strided_slice %get3A_21 {offsets = [1], sizes = [1], strides = [1]} : vector<16xf32> to vector<1xf32>
    %squeeze3A_69 = vector.extract %slice3A_68[0] : f32 from vector<1xf32>
    %slice3A_70 = vector.extract_strided_slice %get3A_21 {offsets = [2], sizes = [1], strides = [1]} : vector<16xf32> to vector<1xf32>
    %squeeze3A_71 = vector.extract %slice3A_70[0] : f32 from vector<1xf32>
    %slice3A_72 = vector.extract_strided_slice %get3A_21 {offsets = [3], sizes = [1], strides = [1]} : vector<16xf32> to vector<1xf32>
    %squeeze3A_73 = vector.extract %slice3A_72[0] : f32 from vector<1xf32>
    %slice3A_74 = vector.extract_strided_slice %get3A_21 {offsets = [4], sizes = [1], strides = [1]} : vector<16xf32> to vector<1xf32>
    %squeeze3A_75 = vector.extract %slice3A_74[0] : f32 from vector<1xf32>
    %slice3A_76 = vector.extract_strided_slice %get3A_21 {offsets = [5], sizes = [1], strides = [1]} : vector<16xf32> to vector<1xf32>
    %squeeze3A_77 = vector.extract %slice3A_76[0] : f32 from vector<1xf32>
    %slice3A_78 = vector.extract_strided_slice %get3A_26 {offsets = [0], sizes = [1], strides = [1]} : vector<16xf32> to vector<1xf32>
    %squeeze3A_79 = vector.extract %slice3A_78[0] : f32 from vector<1xf32>
    %slice3A_80 = vector.extract_strided_slice %get3A_26 {offsets = [1], sizes = [1], strides = [1]} : vector<16xf32> to vector<1xf32>
    %squeeze3A_81 = vector.extract %slice3A_80[0] : f32 from vector<1xf32>
    %slice3A_82 = vector.extract_strided_slice %get3A_26 {offsets = [2], sizes = [1], strides = [1]} : vector<16xf32> to vector<1xf32>
    %squeeze3A_83 = vector.extract %slice3A_82[0] : f32 from vector<1xf32>
    %slice3A_84 = vector.extract_strided_slice %get3A_26 {offsets = [3], sizes = [1], strides = [1]} : vector<16xf32> to vector<1xf32>
    %squeeze3A_85 = vector.extract %slice3A_84[0] : f32 from vector<1xf32>
    %slice3A_86 = vector.extract_strided_slice %get3A_26 {offsets = [4], sizes = [1], strides = [1]} : vector<16xf32> to vector<1xf32>
    %squeeze3A_87 = vector.extract %slice3A_86[0] : f32 from vector<1xf32>
    %slice3A_88 = vector.extract_strided_slice %get3A_26 {offsets = [5], sizes = [1], strides = [1]} : vector<16xf32> to vector<1xf32>
    %squeeze3A_89 = vector.extract %slice3A_88[0] : f32 from vector<1xf32>
    %slice3A_90 = vector.extract_strided_slice %get3A_31 {offsets = [0], sizes = [1], strides = [1]} : vector<16xf32> to vector<1xf32>
    %squeeze3A_91 = vector.extract %slice3A_90[0] : f32 from vector<1xf32>
    %slice3A_92 = vector.extract_strided_slice %get3A_31 {offsets = [1], sizes = [1], strides = [1]} : vector<16xf32> to vector<1xf32>
    %squeeze3A_93 = vector.extract %slice3A_92[0] : f32 from vector<1xf32>
    %slice3A_94 = vector.extract_strided_slice %get3A_31 {offsets = [2], sizes = [1], strides = [1]} : vector<16xf32> to vector<1xf32>
    %squeeze3A_95 = vector.extract %slice3A_94[0] : f32 from vector<1xf32>
    %slice3A_96 = vector.extract_strided_slice %get3A_31 {offsets = [3], sizes = [1], strides = [1]} : vector<16xf32> to vector<1xf32>
    %squeeze3A_97 = vector.extract %slice3A_96[0] : f32 from vector<1xf32>
    %slice3A_98 = vector.extract_strided_slice %get3A_31 {offsets = [4], sizes = [1], strides = [1]} : vector<16xf32> to vector<1xf32>
    %squeeze3A_99 = vector.extract %slice3A_98[0] : f32 from vector<1xf32>
    %slice3A_100 = vector.extract_strided_slice %get3A_31 {offsets = [5], sizes = [1], strides = [1]} : vector<16xf32> to vector<1xf32>
    %squeeze3A_101 = vector.extract %slice3A_100[0] : f32 from vector<1xf32>
    %scan3A = arith.constant 0 : i32
    %scan3A_102 = arith.constant 0 : i32
    %scan3A_103 = arith.constant 256 : i32
    %scan3A_104 = arith.addi %scan3A_102, %scan3A_103 : i32
    %scan3A_105 = arith.constant 1 : i32
    scf.for %scan3A_113 = %scan3A_102 to %scan3A_104 step %scan3A_105  : i32 {
      %mul3A_114 = arith.constant 16 : i32
      %mul3A_115 = arith.muli %scan3A_113, %mul3A_114 : i32
      %get3A_116 = arith.index_cast %mul3A_115 : i32 to index
      %get3A_117 = tpu.vector_load %arg7[%get3A_116] {strides = array<i32>} : memref<4096xf32, #tpu.memory_space<vmem>>, vector<16xf32>,
      %get3A_118 = vector.shape_cast %get3A_117 : vector<16xf32> to vector<16xf32>
      %convert_element_type3A = arith.fptosi %get3A_118 : vector<16xf32> to vector<16xi32>
      %jit3A = arith.constant 0 : i32
      %jit3A_119 = arith.constant 65534 : i32
      %max3A = vector.broadcast %jit3A : i32 to vector<16xi32>
      %max3A_120 = arith.maxsi %max3A, %convert_element_type3A : vector<16xi32>
      %min3A = vector.broadcast %jit3A_119 : i32 to vector<16xi32>
      %min3A_121 = arith.minsi %min3A, %max3A_120 : vector<16xi32>
      %convert_element_type3A_122 = arith.sitofp %min3A_121 : vector<16xi32> to vector<16xf32>
      %sub3A = arith.subf %get3A_118, %convert_element_type3A_122 : vector<16xf32>
      %jit3A_123 = arith.constant 8 : i32
      %div3A = arith.divsi %scan3A_113, %jit3A_123 : i32
      %sign3A = arith.constant 0 : i32
      %sign3A_124 = arith.cmpi sgt, %scan3A_113, %sign3A : i32
      %sign3A_125 = arith.extui %sign3A_124 : i1 to i32
      %sign3A_126 = arith.constant 0 : i32
      %sign3A_127 = arith.cmpi slt, %scan3A_113, %sign3A_126 : i32
      %sign3A_128 = arith.extui %sign3A_127 : i1 to i32
      %sign3A_129 = arith.subi %sign3A_125, %sign3A_128 : i32
      %sign3A_130 = arith.constant 0 : i32
      %sign3A_131 = arith.cmpi sgt, %jit3A_123, %sign3A_130 : i32
      %sign3A_132 = arith.extui %sign3A_131 : i1 to i32
      %sign3A_133 = arith.constant 0 : i32
      %sign3A_134 = arith.cmpi slt, %jit3A_123, %sign3A_133 : i32
      %sign3A_135 = arith.extui %sign3A_134 : i1 to i32
      %sign3A_136 = arith.subi %sign3A_132, %sign3A_135 : i32
      %ne3A = arith.cmpi ne, %sign3A_129, %sign3A_136 : i32
      %rem3A = arith.remsi %scan3A_113, %jit3A_123 : i32
      %ne3A_137 = arith.constant 0 : i32
      %ne3A_138 = arith.cmpi ne, %rem3A, %ne3A_137 : i32
      %and3A = arith.andi %ne3A, %ne3A_138 : i1
      %sub3A_139 = arith.constant 1 : i32
      %sub3A_140 = arith.subi %div3A, %sub3A_139 : i32
      %select_n3A = arith.select %and3A, %sub3A_140, %div3A : i32
      %jit3A_141 = arith.constant 8 : i32
      %eq3A = arith.constant 0 : i32
      %eq3A_142 = arith.cmpi eq, %jit3A_141, %eq3A : i32
      %jit3A_143 = arith.constant 1 : i32
      %select_n3A_144 = arith.select %eq3A_142, %jit3A_143, %jit3A_141 : i32
      %rem3A_145 = arith.remsi %scan3A_113, %select_n3A_144 : i32
      %ne3A_146 = arith.constant 0 : i32
      %ne3A_147 = arith.cmpi ne, %rem3A_145, %ne3A_146 : i32
      %lt3A = arith.constant 0 : i32
      %lt3A_148 = arith.cmpi slt, %rem3A_145, %lt3A : i32
      %lt3A_149 = arith.constant 0 : i32
      %lt3A_150 = arith.cmpi slt, %select_n3A_144, %lt3A_149 : i32
      %ne3A_151 = arith.xori %lt3A_148, %lt3A_150 : i1
      %and3A_152 = arith.andi %ne3A_151, %ne3A_147 : i1
      %add3A_153 = arith.addi %rem3A_145, %select_n3A_144 : i32
      %select_n3A_154 = arith.select %and3A_152, %add3A_153, %rem3A_145 : i32
      %mul3A_155 = arith.constant 16 : i32
      %mul3A_156 = arith.muli %select_n3A_154, %mul3A_155 : i32
      %swap3A = arith.index_cast %select_n3A : i32 to index
      %swap3A_157 = arith.index_cast %mul3A_156 : i32 to index
      %swap3A_158 = tpu.vector_load %arg8[%swap3A, %swap3A_157] {strides = array<i32>} : memref<32x128xi32, #tpu.memory_space<vmem>>, vector<1x16xi32>,
      %swap3A_159 = vector.shape_cast %swap3A_158 : vector<1x16xi32> to vector<16xi32>
      %swap3A_160 = vector.shape_cast %min3A_121 : vector<16xi32> to vector<1x16xi32>
      tpu.vector_store %arg8[%swap3A, %swap3A_157], %swap3A_160 {strides = array<i32>} : memref<32x128xi32, #tpu.memory_space<vmem>>, vector<1x16xi32>,
      %add3A_161 = arith.constant 1 : i32
      %add3A_162 = vector.broadcast %add3A_161 : i32 to vector<16xi32>
      %add3A_163 = arith.addi %min3A_121, %add3A_162 : vector<16xi32>
      %swap3A_164 = arith.index_cast %select_n3A : i32 to index
      %swap3A_165 = arith.index_cast %mul3A_156 : i32 to index
      %swap3A_166 = tpu.vector_load %arg9[%swap3A_164, %swap3A_165] {strides = array<i32>} : memref<32x128xi32, #tpu.memory_space<vmem>>, vector<1x16xi32>,
      %swap3A_167 = vector.shape_cast %swap3A_166 : vector<1x16xi32> to vector<16xi32>
      %swap3A_168 = vector.shape_cast %add3A_163 : vector<16xi32> to vector<1x16xi32>
      tpu.vector_store %arg9[%swap3A_164, %swap3A_165], %swap3A_168 {strides = array<i32>} : memref<32x128xi32, #tpu.memory_space<vmem>>, vector<1x16xi32>,
      %add3A_169 = arith.constant 65536 : i32
      %add3A_170 = vector.broadcast %add3A_169 : i32 to vector<16xi32>
      %add3A_171 = arith.addi %min3A_121, %add3A_170 : vector<16xi32>
      %swap3A_172 = arith.index_cast %select_n3A : i32 to index
      %swap3A_173 = arith.index_cast %mul3A_156 : i32 to index
      %swap3A_174 = tpu.vector_load %arg10[%swap3A_172, %swap3A_173] {strides = array<i32>} : memref<32x128xi32, #tpu.memory_space<vmem>>, vector<1x16xi32>,
      %swap3A_175 = vector.shape_cast %swap3A_174 : vector<1x16xi32> to vector<16xi32>
      %swap3A_176 = vector.shape_cast %add3A_171 : vector<16xi32> to vector<1x16xi32>
      tpu.vector_store %arg10[%swap3A_172, %swap3A_173], %swap3A_176 {strides = array<i32>} : memref<32x128xi32, #tpu.memory_space<vmem>>, vector<1x16xi32>,
      %add3A_177 = arith.constant 65537 : i32
      %add3A_178 = vector.broadcast %add3A_177 : i32 to vector<16xi32>
      %add3A_179 = arith.addi %min3A_121, %add3A_178 : vector<16xi32>
      %swap3A_180 = arith.index_cast %select_n3A : i32 to index
      %swap3A_181 = arith.index_cast %mul3A_156 : i32 to index
      %swap3A_182 = tpu.vector_load %arg11[%swap3A_180, %swap3A_181] {strides = array<i32>} : memref<32x128xi32, #tpu.memory_space<vmem>>, vector<1x16xi32>,
      %swap3A_183 = vector.shape_cast %swap3A_182 : vector<1x16xi32> to vector<16xi32>
      %swap3A_184 = vector.shape_cast %add3A_179 : vector<16xi32> to vector<1x16xi32>
      tpu.vector_store %arg11[%swap3A_180, %swap3A_181], %swap3A_184 {strides = array<i32>} : memref<32x128xi32, #tpu.memory_space<vmem>>, vector<1x16xi32>,
      %broadcast_in_dim3A = vector.broadcast %squeeze3A_91 : f32 to vector<16xf32>
      %mul3A_185 = arith.mulf %broadcast_in_dim3A, %sub3A : vector<16xf32>
      %add3A_186 = vector.broadcast %squeeze3A_79 : f32 to vector<16xf32>
      %add3A_187 = arith.addf %mul3A_185, %add3A_186 : vector<16xf32>
      %mul3A_188 = arith.mulf %add3A_187, %sub3A : vector<16xf32>
      %add3A_189 = vector.broadcast %squeeze3A_67 : f32 to vector<16xf32>
      %add3A_190 = arith.addf %mul3A_188, %add3A_189 : vector<16xf32>
      %mul3A_191 = arith.mulf %add3A_190, %sub3A : vector<16xf32>
      %add3A_192 = vector.broadcast %squeeze3A_55 : f32 to vector<16xf32>
      %add3A_193 = arith.addf %mul3A_191, %add3A_192 : vector<16xf32>
      %mul3A_194 = arith.mulf %add3A_193, %sub3A : vector<16xf32>
      %add3A_195 = vector.broadcast %squeeze3A_43 : f32 to vector<16xf32>
      %add3A_196 = arith.addf %mul3A_194, %add3A_195 : vector<16xf32>
      %mul3A_197 = arith.mulf %add3A_196, %sub3A : vector<16xf32>
      %add3A_198 = vector.broadcast %squeeze3A : f32 to vector<16xf32>
      %add3A_199 = arith.addf %mul3A_197, %add3A_198 : vector<16xf32>
      %mul3A_200 = arith.constant 16 : i32
      %mul3A_201 = arith.muli %scan3A_113, %mul3A_200 : i32
      %swap3A_202 = arith.constant 0 : i32
      %swap3A_203 = arith.index_cast %swap3A_202 : i32 to index
      %swap3A_204 = arith.index_cast %mul3A_201 : i32 to index
      %swap3A_205 = tpu.vector_load %arg12[%swap3A_203, %swap3A_204] {strides = array<i32>} : memref<6x4096xf32, #tpu.memory_space<vmem>>, vector<1x16xf32>,
      %swap3A_206 = vector.shape_cast %swap3A_205 : vector<1x16xf32> to vector<16xf32>
      %swap3A_207 = vector.shape_cast %add3A_199 : vector<16xf32> to vector<1x16xf32>
      tpu.vector_store %arg12[%swap3A_203, %swap3A_204], %swap3A_207 {strides = array<i32>} : memref<6x4096xf32, #tpu.memory_space<vmem>>, vector<1x16xf32>,
      %broadcast_in_dim3A_208 = vector.broadcast %squeeze3A_93 : f32 to vector<16xf32>
      %mul3A_209 = arith.mulf %broadcast_in_dim3A_208, %sub3A : vector<16xf32>
      %add3A_210 = vector.broadcast %squeeze3A_81 : f32 to vector<16xf32>
      %add3A_211 = arith.addf %mul3A_209, %add3A_210 : vector<16xf32>
      %mul3A_212 = arith.mulf %add3A_211, %sub3A : vector<16xf32>
      %add3A_213 = vector.broadcast %squeeze3A_69 : f32 to vector<16xf32>
      %add3A_214 = arith.addf %mul3A_212, %add3A_213 : vector<16xf32>
      %mul3A_215 = arith.mulf %add3A_214, %sub3A : vector<16xf32>
      %add3A_216 = vector.broadcast %squeeze3A_57 : f32 to vector<16xf32>
      %add3A_217 = arith.addf %mul3A_215, %add3A_216 : vector<16xf32>
      %mul3A_218 = arith.mulf %add3A_217, %sub3A : vector<16xf32>
      %add3A_219 = vector.broadcast %squeeze3A_45 : f32 to vector<16xf32>
      %add3A_220 = arith.addf %mul3A_218, %add3A_219 : vector<16xf32>
      %mul3A_221 = arith.mulf %add3A_220, %sub3A : vector<16xf32>
      %add3A_222 = vector.broadcast %squeeze3A_33 : f32 to vector<16xf32>
      %add3A_223 = arith.addf %mul3A_221, %add3A_222 : vector<16xf32>
      %mul3A_224 = arith.constant 16 : i32
      %mul3A_225 = arith.muli %scan3A_113, %mul3A_224 : i32
      %swap3A_226 = arith.constant 1 : i32
      %swap3A_227 = arith.index_cast %swap3A_226 : i32 to index
      %swap3A_228 = arith.index_cast %mul3A_225 : i32 to index
      %swap3A_229 = tpu.vector_load %arg12[%swap3A_227, %swap3A_228] {strides = array<i32>} : memref<6x4096xf32, #tpu.memory_space<vmem>>, vector<1x16xf32>,
      %swap3A_230 = vector.shape_cast %swap3A_229 : vector<1x16xf32> to vector<16xf32>
      %swap3A_231 = vector.shape_cast %add3A_223 : vector<16xf32> to vector<1x16xf32>
      tpu.vector_store %arg12[%swap3A_227, %swap3A_228], %swap3A_231 {strides = array<i32>} : memref<6x4096xf32, #tpu.memory_space<vmem>>, vector<1x16xf32>,
      %broadcast_in_dim3A_232 = vector.broadcast %squeeze3A_95 : f32 to vector<16xf32>
      %mul3A_233 = arith.mulf %broadcast_in_dim3A_232, %sub3A : vector<16xf32>
      %add3A_234 = vector.broadcast %squeeze3A_83 : f32 to vector<16xf32>
      %add3A_235 = arith.addf %mul3A_233, %add3A_234 : vector<16xf32>
      %mul3A_236 = arith.mulf %add3A_235, %sub3A : vector<16xf32>
      %add3A_237 = vector.broadcast %squeeze3A_71 : f32 to vector<16xf32>
      %add3A_238 = arith.addf %mul3A_236, %add3A_237 : vector<16xf32>
      %mul3A_239 = arith.mulf %add3A_238, %sub3A : vector<16xf32>
      %add3A_240 = vector.broadcast %squeeze3A_59 : f32 to vector<16xf32>
      %add3A_241 = arith.addf %mul3A_239, %add3A_240 : vector<16xf32>
      %mul3A_242 = arith.mulf %add3A_241, %sub3A : vector<16xf32>
      %add3A_243 = vector.broadcast %squeeze3A_47 : f32 to vector<16xf32>
      %add3A_244 = arith.addf %mul3A_242, %add3A_243 : vector<16xf32>
      %mul3A_245 = arith.mulf %add3A_244, %sub3A : vector<16xf32>
      %add3A_246 = vector.broadcast %squeeze3A_35 : f32 to vector<16xf32>
      %add3A_247 = arith.addf %mul3A_245, %add3A_246 : vector<16xf32>
      %mul3A_248 = arith.constant 16 : i32
      %mul3A_249 = arith.muli %scan3A_113, %mul3A_248 : i32
      %swap3A_250 = arith.constant 2 : i32
      %swap3A_251 = arith.index_cast %swap3A_250 : i32 to index
      %swap3A_252 = arith.index_cast %mul3A_249 : i32 to index
      %swap3A_253 = tpu.vector_load %arg12[%swap3A_251, %swap3A_252] {strides = array<i32>} : memref<6x4096xf32, #tpu.memory_space<vmem>>, vector<1x16xf32>,
      %swap3A_254 = vector.shape_cast %swap3A_253 : vector<1x16xf32> to vector<16xf32>
      %swap3A_255 = vector.shape_cast %add3A_247 : vector<16xf32> to vector<1x16xf32>
      tpu.vector_store %arg12[%swap3A_251, %swap3A_252], %swap3A_255 {strides = array<i32>} : memref<6x4096xf32, #tpu.memory_space<vmem>>, vector<1x16xf32>,
      %broadcast_in_dim3A_256 = vector.broadcast %squeeze3A_97 : f32 to vector<16xf32>
      %mul3A_257 = arith.mulf %broadcast_in_dim3A_256, %sub3A : vector<16xf32>
      %add3A_258 = vector.broadcast %squeeze3A_85 : f32 to vector<16xf32>
      %add3A_259 = arith.addf %mul3A_257, %add3A_258 : vector<16xf32>
      %mul3A_260 = arith.mulf %add3A_259, %sub3A : vector<16xf32>
      %add3A_261 = vector.broadcast %squeeze3A_73 : f32 to vector<16xf32>
      %add3A_262 = arith.addf %mul3A_260, %add3A_261 : vector<16xf32>
      %mul3A_263 = arith.mulf %add3A_262, %sub3A : vector<16xf32>
      %add3A_264 = vector.broadcast %squeeze3A_61 : f32 to vector<16xf32>
      %add3A_265 = arith.addf %mul3A_263, %add3A_264 : vector<16xf32>
      %mul3A_266 = arith.mulf %add3A_265, %sub3A : vector<16xf32>
      %add3A_267 = vector.broadcast %squeeze3A_49 : f32 to vector<16xf32>
      %add3A_268 = arith.addf %mul3A_266, %add3A_267 : vector<16xf32>
      %mul3A_269 = arith.mulf %add3A_268, %sub3A : vector<16xf32>
      %add3A_270 = vector.broadcast %squeeze3A_37 : f32 to vector<16xf32>
      %add3A_271 = arith.addf %mul3A_269, %add3A_270 : vector<16xf32>
      %mul3A_272 = arith.constant 16 : i32
      %mul3A_273 = arith.muli %scan3A_113, %mul3A_272 : i32
      %swap3A_274 = arith.constant 3 : i32
      %swap3A_275 = arith.index_cast %swap3A_274 : i32 to index
      %swap3A_276 = arith.index_cast %mul3A_273 : i32 to index
      %swap3A_277 = tpu.vector_load %arg12[%swap3A_275, %swap3A_276] {strides = array<i32>} : memref<6x4096xf32, #tpu.memory_space<vmem>>, vector<1x16xf32>,
      %swap3A_278 = vector.shape_cast %swap3A_277 : vector<1x16xf32> to vector<16xf32>
      %swap3A_279 = vector.shape_cast %add3A_271 : vector<16xf32> to vector<1x16xf32>
      tpu.vector_store %arg12[%swap3A_275, %swap3A_276], %swap3A_279 {strides = array<i32>} : memref<6x4096xf32, #tpu.memory_space<vmem>>, vector<1x16xf32>,
      %broadcast_in_dim3A_280 = vector.broadcast %squeeze3A_99 : f32 to vector<16xf32>
      %mul3A_281 = arith.mulf %broadcast_in_dim3A_280, %sub3A : vector<16xf32>
      %add3A_282 = vector.broadcast %squeeze3A_87 : f32 to vector<16xf32>
      %add3A_283 = arith.addf %mul3A_281, %add3A_282 : vector<16xf32>
      %mul3A_284 = arith.mulf %add3A_283, %sub3A : vector<16xf32>
      %add3A_285 = vector.broadcast %squeeze3A_75 : f32 to vector<16xf32>
      %add3A_286 = arith.addf %mul3A_284, %add3A_285 : vector<16xf32>
      %mul3A_287 = arith.mulf %add3A_286, %sub3A : vector<16xf32>
      %add3A_288 = vector.broadcast %squeeze3A_63 : f32 to vector<16xf32>
      %add3A_289 = arith.addf %mul3A_287, %add3A_288 : vector<16xf32>
      %mul3A_290 = arith.mulf %add3A_289, %sub3A : vector<16xf32>
      %add3A_291 = vector.broadcast %squeeze3A_51 : f32 to vector<16xf32>
      %add3A_292 = arith.addf %mul3A_290, %add3A_291 : vector<16xf32>
      %mul3A_293 = arith.mulf %add3A_292, %sub3A : vector<16xf32>
      %add3A_294 = vector.broadcast %squeeze3A_39 : f32 to vector<16xf32>
      %add3A_295 = arith.addf %mul3A_293, %add3A_294 : vector<16xf32>
      %mul3A_296 = arith.constant 16 : i32
      %mul3A_297 = arith.muli %scan3A_113, %mul3A_296 : i32
      %swap3A_298 = arith.constant 4 : i32
      %swap3A_299 = arith.index_cast %swap3A_298 : i32 to index
      %swap3A_300 = arith.index_cast %mul3A_297 : i32 to index
      %swap3A_301 = tpu.vector_load %arg12[%swap3A_299, %swap3A_300] {strides = array<i32>} : memref<6x4096xf32, #tpu.memory_space<vmem>>, vector<1x16xf32>,
      %swap3A_302 = vector.shape_cast %swap3A_301 : vector<1x16xf32> to vector<16xf32>
      %swap3A_303 = vector.shape_cast %add3A_295 : vector<16xf32> to vector<1x16xf32>
      tpu.vector_store %arg12[%swap3A_299, %swap3A_300], %swap3A_303 {strides = array<i32>} : memref<6x4096xf32, #tpu.memory_space<vmem>>, vector<1x16xf32>,
      %broadcast_in_dim3A_304 = vector.broadcast %squeeze3A_101 : f32 to vector<16xf32>
      %mul3A_305 = arith.mulf %broadcast_in_dim3A_304, %sub3A : vector<16xf32>
      %add3A_306 = vector.broadcast %squeeze3A_89 : f32 to vector<16xf32>
      %add3A_307 = arith.addf %mul3A_305, %add3A_306 : vector<16xf32>
      %mul3A_308 = arith.mulf %add3A_307, %sub3A : vector<16xf32>
      %add3A_309 = vector.broadcast %squeeze3A_77 : f32 to vector<16xf32>
      %add3A_310 = arith.addf %mul3A_308, %add3A_309 : vector<16xf32>
      %mul3A_311 = arith.mulf %add3A_310, %sub3A : vector<16xf32>
      %add3A_312 = vector.broadcast %squeeze3A_65 : f32 to vector<16xf32>
      %add3A_313 = arith.addf %mul3A_311, %add3A_312 : vector<16xf32>
      %mul3A_314 = arith.mulf %add3A_313, %sub3A : vector<16xf32>
      %add3A_315 = vector.broadcast %squeeze3A_53 : f32 to vector<16xf32>
      %add3A_316 = arith.addf %mul3A_314, %add3A_315 : vector<16xf32>
      %mul3A_317 = arith.mulf %add3A_316, %sub3A : vector<16xf32>
      %add3A_318 = vector.broadcast %squeeze3A_41 : f32 to vector<16xf32>
      %add3A_319 = arith.addf %mul3A_317, %add3A_318 : vector<16xf32>
      %mul3A_320 = arith.constant 16 : i32
      %mul3A_321 = arith.muli %scan3A_113, %mul3A_320 : i32
      %swap3A_322 = arith.constant 5 : i32
      %swap3A_323 = arith.index_cast %swap3A_322 : i32 to index
      %swap3A_324 = arith.index_cast %mul3A_321 : i32 to index
      %swap3A_325 = tpu.vector_load %arg12[%swap3A_323, %swap3A_324] {strides = array<i32>} : memref<6x4096xf32, #tpu.memory_space<vmem>>, vector<1x16xf32>,
      %swap3A_326 = vector.shape_cast %swap3A_325 : vector<1x16xf32> to vector<16xf32>
      %swap3A_327 = vector.shape_cast %add3A_319 : vector<16xf32> to vector<1x16xf32>
      tpu.vector_store %arg12[%swap3A_323, %swap3A_324], %swap3A_327 {strides = array<i32>} : memref<6x4096xf32, #tpu.memory_space<vmem>>, vector<1x16xf32>,
    }
    %scan3A_106 = arith.constant 256 : i32
    %scan3A_107 = arith.constant 0 : i32
    %scan3A_108 = arith.constant 0 : i32
    %scan3A_109 = arith.constant 32 : i32
    %scan3A_110 = arith.addi %scan3A_108, %scan3A_109 : i32
    %scan3A_111 = arith.constant 1 : i32
    scf.for %scan3A_113 = %scan3A_108 to %scan3A_110 step %scan3A_111  : i32 {
      %dma_start3A = arith.constant 0 : i32
      %dma_start3A_114 = arith.constant 0 : i32
      %dma_start3A_115 = arith.constant 0 : i32
      %dma_start3A_116 = tpu.memref_slice %arg14[%dma_start3A, %dma_start3A_114, %dma_start3A_115] : memref<6x128x16xf32, #tpu.memory_space<vmem>> -> memref<1x128x16xf32, #tpu.memory_space<vmem>>
      %dma_start3A_117 = tpu.memref_squeeze %dma_start3A_116 : memref<1x128x16xf32, #tpu.memory_space<vmem>> -> memref<128x16xf32, #tpu.memory_space<vmem>>
      %dma_start3A_118 = arith.constant 0 : i32
      %dma_start3A_119 = tpu.memref_slice %arg8[%scan3A_113, %dma_start3A_118] : memref<32x128xi32, #tpu.memory_space<vmem>> -> memref<1x128xi32, #tpu.memory_space<vmem>>
      %dma_start3A_120 = tpu.memref_squeeze %dma_start3A_119 : memref<1x128xi32, #tpu.memory_space<vmem>> -> memref<128xi32, #tpu.memory_space<vmem>>
      %dma_start3A_121 = arith.constant 0 : i32
      %dma_start3A_122 = arith.constant 0 : i32
      %dma_start3A_123 = tpu.memref_slice %arg3[%dma_start3A_121, %dma_start3A_122] : memref<65536x16xf32, #tpu.memory_space<hbm>> -> memref<65536x16xf32, #tpu.memory_space<hbm>>
      tpu.enqueue_indirect_dma source(%dma_start3A_123 : memref<65536x16xf32, #tpu.memory_space<hbm>>) target(%dma_start3A_117 : memref<128x16xf32, #tpu.memory_space<vmem>>) offsets(%dma_start3A_120 : memref<128xi32, #tpu.memory_space<vmem>>) semaphore(%arg16 : memref<!tpu.dma_semaphore, #tpu.memory_space<semaphore_mem>>)
      %dma_start3A_124 = arith.constant 1 : i32
      %dma_start3A_125 = arith.constant 0 : i32
      %dma_start3A_126 = arith.constant 0 : i32
      %dma_start3A_127 = tpu.memref_slice %arg14[%dma_start3A_124, %dma_start3A_125, %dma_start3A_126] : memref<6x128x16xf32, #tpu.memory_space<vmem>> -> memref<1x128x16xf32, #tpu.memory_space<vmem>>
      %dma_start3A_128 = tpu.memref_squeeze %dma_start3A_127 : memref<1x128x16xf32, #tpu.memory_space<vmem>> -> memref<128x16xf32, #tpu.memory_space<vmem>>
      %dma_start3A_129 = arith.constant 0 : i32
      %dma_start3A_130 = tpu.memref_slice %arg8[%scan3A_113, %dma_start3A_129] : memref<32x128xi32, #tpu.memory_space<vmem>> -> memref<1x128xi32, #tpu.memory_space<vmem>>
      %dma_start3A_131 = tpu.memref_squeeze %dma_start3A_130 : memref<1x128xi32, #tpu.memory_space<vmem>> -> memref<128xi32, #tpu.memory_space<vmem>>
      %dma_start3A_132 = arith.constant 0 : i32
      %dma_start3A_133 = arith.constant 0 : i32
      %dma_start3A_134 = tpu.memref_slice %arg4[%dma_start3A_132, %dma_start3A_133] : memref<131072x16xf32, #tpu.memory_space<hbm>> -> memref<131072x16xf32, #tpu.memory_space<hbm>>
      tpu.enqueue_indirect_dma source(%dma_start3A_134 : memref<131072x16xf32, #tpu.memory_space<hbm>>) target(%dma_start3A_128 : memref<128x16xf32, #tpu.memory_space<vmem>>) offsets(%dma_start3A_131 : memref<128xi32, #tpu.memory_space<vmem>>) semaphore(%arg16 : memref<!tpu.dma_semaphore, #tpu.memory_space<semaphore_mem>>)
      %dma_start3A_135 = arith.constant 2 : i32
      %dma_start3A_136 = arith.constant 0 : i32
      %dma_start3A_137 = arith.constant 0 : i32
      %dma_start3A_138 = tpu.memref_slice %arg14[%dma_start3A_135, %dma_start3A_136, %dma_start3A_137] : memref<6x128x16xf32, #tpu.memory_space<vmem>> -> memref<1x128x16xf32, #tpu.memory_space<vmem>>
      %dma_start3A_139 = tpu.memref_squeeze %dma_start3A_138 : memref<1x128x16xf32, #tpu.memory_space<vmem>> -> memref<128x16xf32, #tpu.memory_space<vmem>>
      %dma_start3A_140 = arith.constant 0 : i32
      %dma_start3A_141 = tpu.memref_slice %arg10[%scan3A_113, %dma_start3A_140] : memref<32x128xi32, #tpu.memory_space<vmem>> -> memref<1x128xi32, #tpu.memory_space<vmem>>
      %dma_start3A_142 = tpu.memref_squeeze %dma_start3A_141 : memref<1x128xi32, #tpu.memory_space<vmem>> -> memref<128xi32, #tpu.memory_space<vmem>>
      %dma_start3A_143 = arith.constant 0 : i32
      %dma_start3A_144 = arith.constant 0 : i32
      %dma_start3A_145 = tpu.memref_slice %arg4[%dma_start3A_143, %dma_start3A_144] : memref<131072x16xf32, #tpu.memory_space<hbm>> -> memref<131072x16xf32, #tpu.memory_space<hbm>>
      tpu.enqueue_indirect_dma source(%dma_start3A_145 : memref<131072x16xf32, #tpu.memory_space<hbm>>) target(%dma_start3A_139 : memref<128x16xf32, #tpu.memory_space<vmem>>) offsets(%dma_start3A_142 : memref<128xi32, #tpu.memory_space<vmem>>) semaphore(%arg16 : memref<!tpu.dma_semaphore, #tpu.memory_space<semaphore_mem>>)
      %dma_start3A_146 = arith.constant 3 : i32
      %dma_start3A_147 = arith.constant 0 : i32
      %dma_start3A_148 = arith.constant 0 : i32
      %dma_start3A_149 = tpu.memref_slice %arg14[%dma_start3A_146, %dma_start3A_147, %dma_start3A_148] : memref<6x128x16xf32, #tpu.memory_space<vmem>> -> memref<1x128x16xf32, #tpu.memory_space<vmem>>
      %dma_start3A_150 = tpu.memref_squeeze %dma_start3A_149 : memref<1x128x16xf32, #tpu.memory_space<vmem>> -> memref<128x16xf32, #tpu.memory_space<vmem>>
      %dma_start3A_151 = arith.constant 0 : i32
      %dma_start3A_152 = tpu.memref_slice %arg9[%scan3A_113, %dma_start3A_151] : memref<32x128xi32, #tpu.memory_space<vmem>> -> memref<1x128xi32, #tpu.memory_space<vmem>>
      %dma_start3A_153 = tpu.memref_squeeze %dma_start3A_152 : memref<1x128xi32, #tpu.memory_space<vmem>> -> memref<128xi32, #tpu.memory_space<vmem>>
      %dma_start3A_154 = arith.constant 0 : i32
      %dma_start3A_155 = arith.constant 0 : i32
      %dma_start3A_156 = tpu.memref_slice %arg3[%dma_start3A_154, %dma_start3A_155] : memref<65536x16xf32, #tpu.memory_space<hbm>> -> memref<65536x16xf32, #tpu.memory_space<hbm>>
      tpu.enqueue_indirect_dma source(%dma_start3A_156 : memref<65536x16xf32, #tpu.memory_space<hbm>>) target(%dma_start3A_150 : memref<128x16xf32, #tpu.memory_space<vmem>>) offsets(%dma_start3A_153 : memref<128xi32, #tpu.memory_space<vmem>>) semaphore(%arg16 : memref<!tpu.dma_semaphore, #tpu.memory_space<semaphore_mem>>)
      %dma_start3A_157 = arith.constant 4 : i32
      %dma_start3A_158 = arith.constant 0 : i32
      %dma_start3A_159 = arith.constant 0 : i32
      %dma_start3A_160 = tpu.memref_slice %arg14[%dma_start3A_157, %dma_start3A_158, %dma_start3A_159] : memref<6x128x16xf32, #tpu.memory_space<vmem>> -> memref<1x128x16xf32, #tpu.memory_space<vmem>>
      %dma_start3A_161 = tpu.memref_squeeze %dma_start3A_160 : memref<1x128x16xf32, #tpu.memory_space<vmem>> -> memref<128x16xf32, #tpu.memory_space<vmem>>
      %dma_start3A_162 = arith.constant 0 : i32
      %dma_start3A_163 = tpu.memref_slice %arg9[%scan3A_113, %dma_start3A_162] : memref<32x128xi32, #tpu.memory_space<vmem>> -> memref<1x128xi32, #tpu.memory_space<vmem>>
      %dma_start3A_164 = tpu.memref_squeeze %dma_start3A_163 : memref<1x128xi32, #tpu.memory_space<vmem>> -> memref<128xi32, #tpu.memory_space<vmem>>
      %dma_start3A_165 = arith.constant 0 : i32
      %dma_start3A_166 = arith.constant 0 : i32
      %dma_start3A_167 = tpu.memref_slice %arg4[%dma_start3A_165, %dma_start3A_166] : memref<131072x16xf32, #tpu.memory_space<hbm>> -> memref<131072x16xf32, #tpu.memory_space<hbm>>
      tpu.enqueue_indirect_dma source(%dma_start3A_167 : memref<131072x16xf32, #tpu.memory_space<hbm>>) target(%dma_start3A_161 : memref<128x16xf32, #tpu.memory_space<vmem>>) offsets(%dma_start3A_164 : memref<128xi32, #tpu.memory_space<vmem>>) semaphore(%arg16 : memref<!tpu.dma_semaphore, #tpu.memory_space<semaphore_mem>>)
      %dma_start3A_168 = arith.constant 5 : i32
      %dma_start3A_169 = arith.constant 0 : i32
      %dma_start3A_170 = arith.constant 0 : i32
      %dma_start3A_171 = tpu.memref_slice %arg14[%dma_start3A_168, %dma_start3A_169, %dma_start3A_170] : memref<6x128x16xf32, #tpu.memory_space<vmem>> -> memref<1x128x16xf32, #tpu.memory_space<vmem>>
      %dma_start3A_172 = tpu.memref_squeeze %dma_start3A_171 : memref<1x128x16xf32, #tpu.memory_space<vmem>> -> memref<128x16xf32, #tpu.memory_space<vmem>>
      %dma_start3A_173 = arith.constant 0 : i32
      %dma_start3A_174 = tpu.memref_slice %arg11[%scan3A_113, %dma_start3A_173] : memref<32x128xi32, #tpu.memory_space<vmem>> -> memref<1x128xi32, #tpu.memory_space<vmem>>
      %dma_start3A_175 = tpu.memref_squeeze %dma_start3A_174 : memref<1x128xi32, #tpu.memory_space<vmem>> -> memref<128xi32, #tpu.memory_space<vmem>>
      %dma_start3A_176 = arith.constant 0 : i32
      %dma_start3A_177 = arith.constant 0 : i32
      %dma_start3A_178 = tpu.memref_slice %arg4[%dma_start3A_176, %dma_start3A_177] : memref<131072x16xf32, #tpu.memory_space<hbm>> -> memref<131072x16xf32, #tpu.memory_space<hbm>>
      tpu.enqueue_indirect_dma source(%dma_start3A_178 : memref<131072x16xf32, #tpu.memory_space<hbm>>) target(%dma_start3A_172 : memref<128x16xf32, #tpu.memory_space<vmem>>) offsets(%dma_start3A_175 : memref<128xi32, #tpu.memory_space<vmem>>) semaphore(%arg16 : memref<!tpu.dma_semaphore, #tpu.memory_space<semaphore_mem>>)
      %dma_wait3A = arith.constant 0 : i32
      %dma_wait3A_179 = arith.constant 0 : i32
      %dma_wait3A_180 = arith.constant 0 : i32
      %dma_wait3A_181 = tpu.memref_slice %arg14[%dma_wait3A, %dma_wait3A_179, %dma_wait3A_180] : memref<6x128x16xf32, #tpu.memory_space<vmem>> -> memref<1x128x16xf32, #tpu.memory_space<vmem>>
      %dma_wait3A_182 = tpu.memref_squeeze %dma_wait3A_181 : memref<1x128x16xf32, #tpu.memory_space<vmem>> -> memref<128x16xf32, #tpu.memory_space<vmem>>
      %dma_wait3A_183 = arith.constant 0 : i32
      %dma_wait3A_184 = tpu.memref_slice %arg8[%scan3A_113, %dma_wait3A_183] : memref<32x128xi32, #tpu.memory_space<vmem>> -> memref<1x128xi32, #tpu.memory_space<vmem>>
      %dma_wait3A_185 = tpu.memref_squeeze %dma_wait3A_184 : memref<1x128xi32, #tpu.memory_space<vmem>> -> memref<128xi32, #tpu.memory_space<vmem>>
      %dma_wait3A_186 = arith.constant 0 : i32
      %dma_wait3A_187 = arith.constant 0 : i32
      %dma_wait3A_188 = tpu.memref_slice %arg3[%dma_wait3A_186, %dma_wait3A_187] : memref<65536x16xf32, #tpu.memory_space<hbm>> -> memref<65536x16xf32, #tpu.memory_space<hbm>>
      tpu.wait_indirect_dma semaphore(%arg16 : memref<!tpu.dma_semaphore, #tpu.memory_space<semaphore_mem>>) src(%dma_wait3A_188 : memref<65536x16xf32, #tpu.memory_space<hbm>>) dst(%dma_wait3A_182 : memref<128x16xf32, #tpu.memory_space<vmem>>)
      %dma_wait3A_189 = arith.constant 1 : i32
      %dma_wait3A_190 = arith.constant 0 : i32
      %dma_wait3A_191 = arith.constant 0 : i32
      %dma_wait3A_192 = tpu.memref_slice %arg14[%dma_wait3A_189, %dma_wait3A_190, %dma_wait3A_191] : memref<6x128x16xf32, #tpu.memory_space<vmem>> -> memref<1x128x16xf32, #tpu.memory_space<vmem>>
      %dma_wait3A_193 = tpu.memref_squeeze %dma_wait3A_192 : memref<1x128x16xf32, #tpu.memory_space<vmem>> -> memref<128x16xf32, #tpu.memory_space<vmem>>
      %dma_wait3A_194 = arith.constant 0 : i32
      %dma_wait3A_195 = tpu.memref_slice %arg8[%scan3A_113, %dma_wait3A_194] : memref<32x128xi32, #tpu.memory_space<vmem>> -> memref<1x128xi32, #tpu.memory_space<vmem>>
      %dma_wait3A_196 = tpu.memref_squeeze %dma_wait3A_195 : memref<1x128xi32, #tpu.memory_space<vmem>> -> memref<128xi32, #tpu.memory_space<vmem>>
      %dma_wait3A_197 = arith.constant 0 : i32
      %dma_wait3A_198 = arith.constant 0 : i32
      %dma_wait3A_199 = tpu.memref_slice %arg4[%dma_wait3A_197, %dma_wait3A_198] : memref<131072x16xf32, #tpu.memory_space<hbm>> -> memref<131072x16xf32, #tpu.memory_space<hbm>>
      tpu.wait_indirect_dma semaphore(%arg16 : memref<!tpu.dma_semaphore, #tpu.memory_space<semaphore_mem>>) src(%dma_wait3A_199 : memref<131072x16xf32, #tpu.memory_space<hbm>>) dst(%dma_wait3A_193 : memref<128x16xf32, #tpu.memory_space<vmem>>)
      %dma_wait3A_200 = arith.constant 2 : i32
      %dma_wait3A_201 = arith.constant 0 : i32
      %dma_wait3A_202 = arith.constant 0 : i32
      %dma_wait3A_203 = tpu.memref_slice %arg14[%dma_wait3A_200, %dma_wait3A_201, %dma_wait3A_202] : memref<6x128x16xf32, #tpu.memory_space<vmem>> -> memref<1x128x16xf32, #tpu.memory_space<vmem>>
      %dma_wait3A_204 = tpu.memref_squeeze %dma_wait3A_203 : memref<1x128x16xf32, #tpu.memory_space<vmem>> -> memref<128x16xf32, #tpu.memory_space<vmem>>
      %dma_wait3A_205 = arith.constant 0 : i32
      %dma_wait3A_206 = tpu.memref_slice %arg10[%scan3A_113, %dma_wait3A_205] : memref<32x128xi32, #tpu.memory_space<vmem>> -> memref<1x128xi32, #tpu.memory_space<vmem>>
      %dma_wait3A_207 = tpu.memref_squeeze %dma_wait3A_206 : memref<1x128xi32, #tpu.memory_space<vmem>> -> memref<128xi32, #tpu.memory_space<vmem>>
      %dma_wait3A_208 = arith.constant 0 : i32
      %dma_wait3A_209 = arith.constant 0 : i32
      %dma_wait3A_210 = tpu.memref_slice %arg4[%dma_wait3A_208, %dma_wait3A_209] : memref<131072x16xf32, #tpu.memory_space<hbm>> -> memref<131072x16xf32, #tpu.memory_space<hbm>>
      tpu.wait_indirect_dma semaphore(%arg16 : memref<!tpu.dma_semaphore, #tpu.memory_space<semaphore_mem>>) src(%dma_wait3A_210 : memref<131072x16xf32, #tpu.memory_space<hbm>>) dst(%dma_wait3A_204 : memref<128x16xf32, #tpu.memory_space<vmem>>)
      %dma_wait3A_211 = arith.constant 3 : i32
      %dma_wait3A_212 = arith.constant 0 : i32
      %dma_wait3A_213 = arith.constant 0 : i32
      %dma_wait3A_214 = tpu.memref_slice %arg14[%dma_wait3A_211, %dma_wait3A_212, %dma_wait3A_213] : memref<6x128x16xf32, #tpu.memory_space<vmem>> -> memref<1x128x16xf32, #tpu.memory_space<vmem>>
      %dma_wait3A_215 = tpu.memref_squeeze %dma_wait3A_214 : memref<1x128x16xf32, #tpu.memory_space<vmem>> -> memref<128x16xf32, #tpu.memory_space<vmem>>
      %dma_wait3A_216 = arith.constant 0 : i32
      %dma_wait3A_217 = tpu.memref_slice %arg9[%scan3A_113, %dma_wait3A_216] : memref<32x128xi32, #tpu.memory_space<vmem>> -> memref<1x128xi32, #tpu.memory_space<vmem>>
      %dma_wait3A_218 = tpu.memref_squeeze %dma_wait3A_217 : memref<1x128xi32, #tpu.memory_space<vmem>> -> memref<128xi32, #tpu.memory_space<vmem>>
      %dma_wait3A_219 = arith.constant 0 : i32
      %dma_wait3A_220 = arith.constant 0 : i32
      %dma_wait3A_221 = tpu.memref_slice %arg3[%dma_wait3A_219, %dma_wait3A_220] : memref<65536x16xf32, #tpu.memory_space<hbm>> -> memref<65536x16xf32, #tpu.memory_space<hbm>>
      tpu.wait_indirect_dma semaphore(%arg16 : memref<!tpu.dma_semaphore, #tpu.memory_space<semaphore_mem>>) src(%dma_wait3A_221 : memref<65536x16xf32, #tpu.memory_space<hbm>>) dst(%dma_wait3A_215 : memref<128x16xf32, #tpu.memory_space<vmem>>)
      %dma_wait3A_222 = arith.constant 4 : i32
      %dma_wait3A_223 = arith.constant 0 : i32
      %dma_wait3A_224 = arith.constant 0 : i32
      %dma_wait3A_225 = tpu.memref_slice %arg14[%dma_wait3A_222, %dma_wait3A_223, %dma_wait3A_224] : memref<6x128x16xf32, #tpu.memory_space<vmem>> -> memref<1x128x16xf32, #tpu.memory_space<vmem>>
      %dma_wait3A_226 = tpu.memref_squeeze %dma_wait3A_225 : memref<1x128x16xf32, #tpu.memory_space<vmem>> -> memref<128x16xf32, #tpu.memory_space<vmem>>
      %dma_wait3A_227 = arith.constant 0 : i32
      %dma_wait3A_228 = tpu.memref_slice %arg9[%scan3A_113, %dma_wait3A_227] : memref<32x128xi32, #tpu.memory_space<vmem>> -> memref<1x128xi32, #tpu.memory_space<vmem>>
      %dma_wait3A_229 = tpu.memref_squeeze %dma_wait3A_228 : memref<1x128xi32, #tpu.memory_space<vmem>> -> memref<128xi32, #tpu.memory_space<vmem>>
      %dma_wait3A_230 = arith.constant 0 : i32
      %dma_wait3A_231 = arith.constant 0 : i32
      %dma_wait3A_232 = tpu.memref_slice %arg4[%dma_wait3A_230, %dma_wait3A_231] : memref<131072x16xf32, #tpu.memory_space<hbm>> -> memref<131072x16xf32, #tpu.memory_space<hbm>>
      tpu.wait_indirect_dma semaphore(%arg16 : memref<!tpu.dma_semaphore, #tpu.memory_space<semaphore_mem>>) src(%dma_wait3A_232 : memref<131072x16xf32, #tpu.memory_space<hbm>>) dst(%dma_wait3A_226 : memref<128x16xf32, #tpu.memory_space<vmem>>)
      %dma_wait3A_233 = arith.constant 5 : i32
      %dma_wait3A_234 = arith.constant 0 : i32
      %dma_wait3A_235 = arith.constant 0 : i32
      %dma_wait3A_236 = tpu.memref_slice %arg14[%dma_wait3A_233, %dma_wait3A_234, %dma_wait3A_235] : memref<6x128x16xf32, #tpu.memory_space<vmem>> -> memref<1x128x16xf32, #tpu.memory_space<vmem>>
      %dma_wait3A_237 = tpu.memref_squeeze %dma_wait3A_236 : memref<1x128x16xf32, #tpu.memory_space<vmem>> -> memref<128x16xf32, #tpu.memory_space<vmem>>
      %dma_wait3A_238 = arith.constant 0 : i32
      %dma_wait3A_239 = tpu.memref_slice %arg11[%scan3A_113, %dma_wait3A_238] : memref<32x128xi32, #tpu.memory_space<vmem>> -> memref<1x128xi32, #tpu.memory_space<vmem>>
      %dma_wait3A_240 = tpu.memref_squeeze %dma_wait3A_239 : memref<1x128xi32, #tpu.memory_space<vmem>> -> memref<128xi32, #tpu.memory_space<vmem>>
      %dma_wait3A_241 = arith.constant 0 : i32
      %dma_wait3A_242 = arith.constant 0 : i32
      %dma_wait3A_243 = tpu.memref_slice %arg4[%dma_wait3A_241, %dma_wait3A_242] : memref<131072x16xf32, #tpu.memory_space<hbm>> -> memref<131072x16xf32, #tpu.memory_space<hbm>>
      tpu.wait_indirect_dma semaphore(%arg16 : memref<!tpu.dma_semaphore, #tpu.memory_space<semaphore_mem>>) src(%dma_wait3A_243 : memref<131072x16xf32, #tpu.memory_space<hbm>>) dst(%dma_wait3A_237 : memref<128x16xf32, #tpu.memory_space<vmem>>)
      %mul3A_244 = arith.constant 128 : i32
      %mul3A_245 = arith.muli %scan3A_113, %mul3A_244 : i32
      %scan3A_246 = arith.constant 0 : i32
      %scan3A_247 = arith.constant 0 : i32
      %scan3A_248 = arith.constant 8 : i32
      %scan3A_249 = arith.addi %scan3A_247, %scan3A_248 : i32
      %scan3A_250 = arith.constant 1 : i32
      scf.for %scan3A_253 = %scan3A_247 to %scan3A_249 step %scan3A_250  : i32 {
        %mul3A_254 = arith.constant 16 : i32
        %mul3A_255 = arith.muli %scan3A_253, %mul3A_254 : i32
        %add3A_256 = arith.addi %mul3A_245, %mul3A_255 : i32
        %get3A_257 = arith.constant 0 : i32
        %get3A_258 = arith.index_cast %get3A_257 : i32 to index
        %get3A_259 = arith.index_cast %add3A_256 : i32 to index
        %get3A_260 = tpu.vector_load %arg12[%get3A_258, %get3A_259] {strides = array<i32>} : memref<6x4096xf32, #tpu.memory_space<vmem>>, vector<1x16xf32>,
        %get3A_261 = vector.shape_cast %get3A_260 : vector<1x16xf32> to vector<16xf32>
        %add3A_262 = arith.addi %mul3A_245, %mul3A_255 : i32
        %get3A_263 = arith.constant 1 : i32
        %get3A_264 = arith.index_cast %get3A_263 : i32 to index
        %get3A_265 = arith.index_cast %add3A_262 : i32 to index
        %get3A_266 = tpu.vector_load %arg12[%get3A_264, %get3A_265] {strides = array<i32>} : memref<6x4096xf32, #tpu.memory_space<vmem>>, vector<1x16xf32>,
        %get3A_267 = vector.shape_cast %get3A_266 : vector<1x16xf32> to vector<16xf32>
        %add3A_268 = arith.addi %mul3A_245, %mul3A_255 : i32
        %get3A_269 = arith.constant 2 : i32
        %get3A_270 = arith.index_cast %get3A_269 : i32 to index
        %get3A_271 = arith.index_cast %add3A_268 : i32 to index
        %get3A_272 = tpu.vector_load %arg12[%get3A_270, %get3A_271] {strides = array<i32>} : memref<6x4096xf32, #tpu.memory_space<vmem>>, vector<1x16xf32>,
        %get3A_273 = vector.shape_cast %get3A_272 : vector<1x16xf32> to vector<16xf32>
        %add3A_274 = arith.addi %mul3A_245, %mul3A_255 : i32
        %get3A_275 = arith.constant 3 : i32
        %get3A_276 = arith.index_cast %get3A_275 : i32 to index
        %get3A_277 = arith.index_cast %add3A_274 : i32 to index
        %get3A_278 = tpu.vector_load %arg12[%get3A_276, %get3A_277] {strides = array<i32>} : memref<6x4096xf32, #tpu.memory_space<vmem>>, vector<1x16xf32>,
        %get3A_279 = vector.shape_cast %get3A_278 : vector<1x16xf32> to vector<16xf32>
        %add3A_280 = arith.addi %mul3A_245, %mul3A_255 : i32
        %get3A_281 = arith.constant 4 : i32
        %get3A_282 = arith.index_cast %get3A_281 : i32 to index
        %get3A_283 = arith.index_cast %add3A_280 : i32 to index
        %get3A_284 = tpu.vector_load %arg12[%get3A_282, %get3A_283] {strides = array<i32>} : memref<6x4096xf32, #tpu.memory_space<vmem>>, vector<1x16xf32>,
        %get3A_285 = vector.shape_cast %get3A_284 : vector<1x16xf32> to vector<16xf32>
        %add3A_286 = arith.addi %mul3A_245, %mul3A_255 : i32
        %get3A_287 = arith.constant 5 : i32
        %get3A_288 = arith.index_cast %get3A_287 : i32 to index
        %get3A_289 = arith.index_cast %add3A_286 : i32 to index
        %get3A_290 = tpu.vector_load %arg12[%get3A_288, %get3A_289] {strides = array<i32>} : memref<6x4096xf32, #tpu.memory_space<vmem>>, vector<1x16xf32>,
        %get3A_291 = vector.shape_cast %get3A_290 : vector<1x16xf32> to vector<16xf32>
        %add3A_292 = arith.constant 0 : i32
        %add3A_293 = arith.addi %mul3A_255, %add3A_292 : i32
        %get3A_294 = arith.constant 0 : i32
        %get3A_295 = arith.index_cast %get3A_294 : i32 to index
        %get3A_296 = arith.index_cast %add3A_293 : i32 to index
        %get3A_297 = arith.constant 0 : index
        %get3A_298 = tpu.vector_load %arg14[%get3A_295, %get3A_296, %get3A_297] {strides = array<i32>} : memref<6x128x16xf32, #tpu.memory_space<vmem>>, vector<1x1x16xf32>,
        %get3A_299 = vector.shape_cast %get3A_298 : vector<1x1x16xf32> to vector<16xf32>
        %slice3A_300 = vector.extract_strided_slice %get3A_261 {offsets = [0], sizes = [1], strides = [1]} : vector<16xf32> to vector<1xf32>
        %squeeze3A_301 = vector.extract %slice3A_300[0] : f32 from vector<1xf32>
        %mul3A_302 = vector.broadcast %squeeze3A_301 : f32 to vector<16xf32>
        %mul3A_303 = arith.mulf %get3A_299, %mul3A_302 : vector<16xf32>
        %get3A_304 = arith.constant 1 : i32
        %get3A_305 = arith.index_cast %get3A_304 : i32 to index
        %get3A_306 = arith.index_cast %add3A_293 : i32 to index
        %get3A_307 = arith.constant 0 : index
        %get3A_308 = tpu.vector_load %arg14[%get3A_305, %get3A_306, %get3A_307] {strides = array<i32>} : memref<6x128x16xf32, #tpu.memory_space<vmem>>, vector<1x1x16xf32>,
        %get3A_309 = vector.shape_cast %get3A_308 : vector<1x1x16xf32> to vector<16xf32>
        %slice3A_310 = vector.extract_strided_slice %get3A_267 {offsets = [0], sizes = [1], strides = [1]} : vector<16xf32> to vector<1xf32>
        %squeeze3A_311 = vector.extract %slice3A_310[0] : f32 from vector<1xf32>
        %mul3A_312 = vector.broadcast %squeeze3A_311 : f32 to vector<16xf32>
        %mul3A_313 = arith.mulf %get3A_309, %mul3A_312 : vector<16xf32>
        %add3A_314 = arith.addf %mul3A_303, %mul3A_313 : vector<16xf32>
        %get3A_315 = arith.constant 2 : i32
        %get3A_316 = arith.index_cast %get3A_315 : i32 to index
        %get3A_317 = arith.index_cast %add3A_293 : i32 to index
        %get3A_318 = arith.constant 0 : index
        %get3A_319 = tpu.vector_load %arg14[%get3A_316, %get3A_317, %get3A_318] {strides = array<i32>} : memref<6x128x16xf32, #tpu.memory_space<vmem>>, vector<1x1x16xf32>,
        %get3A_320 = vector.shape_cast %get3A_319 : vector<1x1x16xf32> to vector<16xf32>
        %slice3A_321 = vector.extract_strided_slice %get3A_273 {offsets = [0], sizes = [1], strides = [1]} : vector<16xf32> to vector<1xf32>
        %squeeze3A_322 = vector.extract %slice3A_321[0] : f32 from vector<1xf32>
        %mul3A_323 = vector.broadcast %squeeze3A_322 : f32 to vector<16xf32>
        %mul3A_324 = arith.mulf %get3A_320, %mul3A_323 : vector<16xf32>
        %add3A_325 = arith.addf %add3A_314, %mul3A_324 : vector<16xf32>
        %get3A_326 = arith.constant 3 : i32
        %get3A_327 = arith.index_cast %get3A_326 : i32 to index
        %get3A_328 = arith.index_cast %add3A_293 : i32 to index
        %get3A_329 = arith.constant 0 : index
        %get3A_330 = tpu.vector_load %arg14[%get3A_327, %get3A_328, %get3A_329] {strides = array<i32>} : memref<6x128x16xf32, #tpu.memory_space<vmem>>, vector<1x1x16xf32>,
        %get3A_331 = vector.shape_cast %get3A_330 : vector<1x1x16xf32> to vector<16xf32>
        %slice3A_332 = vector.extract_strided_slice %get3A_279 {offsets = [0], sizes = [1], strides = [1]} : vector<16xf32> to vector<1xf32>
        %squeeze3A_333 = vector.extract %slice3A_332[0] : f32 from vector<1xf32>
        %mul3A_334 = vector.broadcast %squeeze3A_333 : f32 to vector<16xf32>
        %mul3A_335 = arith.mulf %get3A_331, %mul3A_334 : vector<16xf32>
        %add3A_336 = arith.addf %add3A_325, %mul3A_335 : vector<16xf32>
        %get3A_337 = arith.constant 4 : i32
        %get3A_338 = arith.index_cast %get3A_337 : i32 to index
        %get3A_339 = arith.index_cast %add3A_293 : i32 to index
        %get3A_340 = arith.constant 0 : index
        %get3A_341 = tpu.vector_load %arg14[%get3A_338, %get3A_339, %get3A_340] {strides = array<i32>} : memref<6x128x16xf32, #tpu.memory_space<vmem>>, vector<1x1x16xf32>,
        %get3A_342 = vector.shape_cast %get3A_341 : vector<1x1x16xf32> to vector<16xf32>
        %slice3A_343 = vector.extract_strided_slice %get3A_285 {offsets = [0], sizes = [1], strides = [1]} : vector<16xf32> to vector<1xf32>
        %squeeze3A_344 = vector.extract %slice3A_343[0] : f32 from vector<1xf32>
        %mul3A_345 = vector.broadcast %squeeze3A_344 : f32 to vector<16xf32>
        %mul3A_346 = arith.mulf %get3A_342, %mul3A_345 : vector<16xf32>
        %add3A_347 = arith.addf %add3A_336, %mul3A_346 : vector<16xf32>
        %get3A_348 = arith.constant 5 : i32
        %get3A_349 = arith.index_cast %get3A_348 : i32 to index
        %get3A_350 = arith.index_cast %add3A_293 : i32 to index
        %get3A_351 = arith.constant 0 : index
        %get3A_352 = tpu.vector_load %arg14[%get3A_349, %get3A_350, %get3A_351] {strides = array<i32>} : memref<6x128x16xf32, #tpu.memory_space<vmem>>, vector<1x1x16xf32>,
        %get3A_353 = vector.shape_cast %get3A_352 : vector<1x1x16xf32> to vector<16xf32>
        %slice3A_354 = vector.extract_strided_slice %get3A_291 {offsets = [0], sizes = [1], strides = [1]} : vector<16xf32> to vector<1xf32>
        %squeeze3A_355 = vector.extract %slice3A_354[0] : f32 from vector<1xf32>
        %mul3A_356 = vector.broadcast %squeeze3A_355 : f32 to vector<16xf32>
        %mul3A_357 = arith.mulf %get3A_353, %mul3A_356 : vector<16xf32>
        %add3A_358 = arith.addf %add3A_347, %mul3A_357 : vector<16xf32>
        %swap3A = arith.index_cast %add3A_293 : i32 to index
        %swap3A_359 = arith.constant 0 : index
        %swap3A_360 = tpu.vector_load %arg15[%swap3A, %swap3A_359] {strides = array<i32>} : memref<128x16xf32, #tpu.memory_space<vmem>>, vector<1x16xf32>,
        %swap3A_361 = vector.shape_cast %swap3A_360 : vector<1x16xf32> to vector<16xf32>
        %swap3A_362 = vector.shape_cast %add3A_358 : vector<16xf32> to vector<1x16xf32>
        tpu.vector_store %arg15[%swap3A, %swap3A_359], %swap3A_362 {strides = array<i32>} : memref<128x16xf32, #tpu.memory_space<vmem>>, vector<1x16xf32>,
        %add3A_363 = arith.constant 1 : i32
        %add3A_364 = arith.addi %mul3A_255, %add3A_363 : i32
        %get3A_365 = arith.constant 0 : i32
        %get3A_366 = arith.index_cast %get3A_365 : i32 to index
        %get3A_367 = arith.index_cast %add3A_364 : i32 to index
        %get3A_368 = arith.constant 0 : index
        %get3A_369 = tpu.vector_load %arg14[%get3A_366, %get3A_367, %get3A_368] {strides = array<i32>} : memref<6x128x16xf32, #tpu.memory_space<vmem>>, vector<1x1x16xf32>,
        %get3A_370 = vector.shape_cast %get3A_369 : vector<1x1x16xf32> to vector<16xf32>
        %slice3A_371 = vector.extract_strided_slice %get3A_261 {offsets = [1], sizes = [1], strides = [1]} : vector<16xf32> to vector<1xf32>
        %squeeze3A_372 = vector.extract %slice3A_371[0] : f32 from vector<1xf32>
        %mul3A_373 = vector.broadcast %squeeze3A_372 : f32 to vector<16xf32>
        %mul3A_374 = arith.mulf %get3A_370, %mul3A_373 : vector<16xf32>
        %get3A_375 = arith.constant 1 : i32
        %get3A_376 = arith.index_cast %get3A_375 : i32 to index
        %get3A_377 = arith.index_cast %add3A_364 : i32 to index
        %get3A_378 = arith.constant 0 : index
        %get3A_379 = tpu.vector_load %arg14[%get3A_376, %get3A_377, %get3A_378] {strides = array<i32>} : memref<6x128x16xf32, #tpu.memory_space<vmem>>, vector<1x1x16xf32>,
        %get3A_380 = vector.shape_cast %get3A_379 : vector<1x1x16xf32> to vector<16xf32>
        %slice3A_381 = vector.extract_strided_slice %get3A_267 {offsets = [1], sizes = [1], strides = [1]} : vector<16xf32> to vector<1xf32>
        %squeeze3A_382 = vector.extract %slice3A_381[0] : f32 from vector<1xf32>
        %mul3A_383 = vector.broadcast %squeeze3A_382 : f32 to vector<16xf32>
        %mul3A_384 = arith.mulf %get3A_380, %mul3A_383 : vector<16xf32>
        %add3A_385 = arith.addf %mul3A_374, %mul3A_384 : vector<16xf32>
        %get3A_386 = arith.constant 2 : i32
        %get3A_387 = arith.index_cast %get3A_386 : i32 to index
        %get3A_388 = arith.index_cast %add3A_364 : i32 to index
        %get3A_389 = arith.constant 0 : index
        %get3A_390 = tpu.vector_load %arg14[%get3A_387, %get3A_388, %get3A_389] {strides = array<i32>} : memref<6x128x16xf32, #tpu.memory_space<vmem>>, vector<1x1x16xf32>,
        %get3A_391 = vector.shape_cast %get3A_390 : vector<1x1x16xf32> to vector<16xf32>
        %slice3A_392 = vector.extract_strided_slice %get3A_273 {offsets = [1], sizes = [1], strides = [1]} : vector<16xf32> to vector<1xf32>
        %squeeze3A_393 = vector.extract %slice3A_392[0] : f32 from vector<1xf32>
        %mul3A_394 = vector.broadcast %squeeze3A_393 : f32 to vector<16xf32>
        %mul3A_395 = arith.mulf %get3A_391, %mul3A_394 : vector<16xf32>
        %add3A_396 = arith.addf %add3A_385, %mul3A_395 : vector<16xf32>
        %get3A_397 = arith.constant 3 : i32
        %get3A_398 = arith.index_cast %get3A_397 : i32 to index
        %get3A_399 = arith.index_cast %add3A_364 : i32 to index
        %get3A_400 = arith.constant 0 : index
        %get3A_401 = tpu.vector_load %arg14[%get3A_398, %get3A_399, %get3A_400] {strides = array<i32>} : memref<6x128x16xf32, #tpu.memory_space<vmem>>, vector<1x1x16xf32>,
        %get3A_402 = vector.shape_cast %get3A_401 : vector<1x1x16xf32> to vector<16xf32>
        %slice3A_403 = vector.extract_strided_slice %get3A_279 {offsets = [1], sizes = [1], strides = [1]} : vector<16xf32> to vector<1xf32>
        %squeeze3A_404 = vector.extract %slice3A_403[0] : f32 from vector<1xf32>
        %mul3A_405 = vector.broadcast %squeeze3A_404 : f32 to vector<16xf32>
        %mul3A_406 = arith.mulf %get3A_402, %mul3A_405 : vector<16xf32>
        %add3A_407 = arith.addf %add3A_396, %mul3A_406 : vector<16xf32>
        %get3A_408 = arith.constant 4 : i32
        %get3A_409 = arith.index_cast %get3A_408 : i32 to index
        %get3A_410 = arith.index_cast %add3A_364 : i32 to index
        %get3A_411 = arith.constant 0 : index
        %get3A_412 = tpu.vector_load %arg14[%get3A_409, %get3A_410, %get3A_411] {strides = array<i32>} : memref<6x128x16xf32, #tpu.memory_space<vmem>>, vector<1x1x16xf32>,
        %get3A_413 = vector.shape_cast %get3A_412 : vector<1x1x16xf32> to vector<16xf32>
        %slice3A_414 = vector.extract_strided_slice %get3A_285 {offsets = [1], sizes = [1], strides = [1]} : vector<16xf32> to vector<1xf32>
        %squeeze3A_415 = vector.extract %slice3A_414[0] : f32 from vector<1xf32>
        %mul3A_416 = vector.broadcast %squeeze3A_415 : f32 to vector<16xf32>
        %mul3A_417 = arith.mulf %get3A_413, %mul3A_416 : vector<16xf32>
        %add3A_418 = arith.addf %add3A_407, %mul3A_417 : vector<16xf32>
        %get3A_419 = arith.constant 5 : i32
        %get3A_420 = arith.index_cast %get3A_419 : i32 to index
        %get3A_421 = arith.index_cast %add3A_364 : i32 to index
        %get3A_422 = arith.constant 0 : index
        %get3A_423 = tpu.vector_load %arg14[%get3A_420, %get3A_421, %get3A_422] {strides = array<i32>} : memref<6x128x16xf32, #tpu.memory_space<vmem>>, vector<1x1x16xf32>,
        %get3A_424 = vector.shape_cast %get3A_423 : vector<1x1x16xf32> to vector<16xf32>
        %slice3A_425 = vector.extract_strided_slice %get3A_291 {offsets = [1], sizes = [1], strides = [1]} : vector<16xf32> to vector<1xf32>
        %squeeze3A_426 = vector.extract %slice3A_425[0] : f32 from vector<1xf32>
        %mul3A_427 = vector.broadcast %squeeze3A_426 : f32 to vector<16xf32>
        %mul3A_428 = arith.mulf %get3A_424, %mul3A_427 : vector<16xf32>
        %add3A_429 = arith.addf %add3A_418, %mul3A_428 : vector<16xf32>
        %swap3A_430 = arith.index_cast %add3A_364 : i32 to index
        %swap3A_431 = arith.constant 0 : index
        %swap3A_432 = tpu.vector_load %arg15[%swap3A_430, %swap3A_431] {strides = array<i32>} : memref<128x16xf32, #tpu.memory_space<vmem>>, vector<1x16xf32>,
        %swap3A_433 = vector.shape_cast %swap3A_432 : vector<1x16xf32> to vector<16xf32>
        %swap3A_434 = vector.shape_cast %add3A_429 : vector<16xf32> to vector<1x16xf32>
        tpu.vector_store %arg15[%swap3A_430, %swap3A_431], %swap3A_434 {strides = array<i32>} : memref<128x16xf32, #tpu.memory_space<vmem>>, vector<1x16xf32>,
        %add3A_435 = arith.constant 2 : i32
        %add3A_436 = arith.addi %mul3A_255, %add3A_435 : i32
        %get3A_437 = arith.constant 0 : i32
        %get3A_438 = arith.index_cast %get3A_437 : i32 to index
        %get3A_439 = arith.index_cast %add3A_436 : i32 to index
        %get3A_440 = arith.constant 0 : index
        %get3A_441 = tpu.vector_load %arg14[%get3A_438, %get3A_439, %get3A_440] {strides = array<i32>} : memref<6x128x16xf32, #tpu.memory_space<vmem>>, vector<1x1x16xf32>,
        %get3A_442 = vector.shape_cast %get3A_441 : vector<1x1x16xf32> to vector<16xf32>
        %slice3A_443 = vector.extract_strided_slice %get3A_261 {offsets = [2], sizes = [1], strides = [1]} : vector<16xf32> to vector<1xf32>
        %squeeze3A_444 = vector.extract %slice3A_443[0] : f32 from vector<1xf32>
        %mul3A_445 = vector.broadcast %squeeze3A_444 : f32 to vector<16xf32>
        %mul3A_446 = arith.mulf %get3A_442, %mul3A_445 : vector<16xf32>
        %get3A_447 = arith.constant 1 : i32
        %get3A_448 = arith.index_cast %get3A_447 : i32 to index
        %get3A_449 = arith.index_cast %add3A_436 : i32 to index
        %get3A_450 = arith.constant 0 : index
        %get3A_451 = tpu.vector_load %arg14[%get3A_448, %get3A_449, %get3A_450] {strides = array<i32>} : memref<6x128x16xf32, #tpu.memory_space<vmem>>, vector<1x1x16xf32>,
        %get3A_452 = vector.shape_cast %get3A_451 : vector<1x1x16xf32> to vector<16xf32>
        %slice3A_453 = vector.extract_strided_slice %get3A_267 {offsets = [2], sizes = [1], strides = [1]} : vector<16xf32> to vector<1xf32>
        %squeeze3A_454 = vector.extract %slice3A_453[0] : f32 from vector<1xf32>
        %mul3A_455 = vector.broadcast %squeeze3A_454 : f32 to vector<16xf32>
        %mul3A_456 = arith.mulf %get3A_452, %mul3A_455 : vector<16xf32>
        %add3A_457 = arith.addf %mul3A_446, %mul3A_456 : vector<16xf32>
        %get3A_458 = arith.constant 2 : i32
        %get3A_459 = arith.index_cast %get3A_458 : i32 to index
        %get3A_460 = arith.index_cast %add3A_436 : i32 to index
        %get3A_461 = arith.constant 0 : index
        %get3A_462 = tpu.vector_load %arg14[%get3A_459, %get3A_460, %get3A_461] {strides = array<i32>} : memref<6x128x16xf32, #tpu.memory_space<vmem>>, vector<1x1x16xf32>,
        %get3A_463 = vector.shape_cast %get3A_462 : vector<1x1x16xf32> to vector<16xf32>
        %slice3A_464 = vector.extract_strided_slice %get3A_273 {offsets = [2], sizes = [1], strides = [1]} : vector<16xf32> to vector<1xf32>
        %squeeze3A_465 = vector.extract %slice3A_464[0] : f32 from vector<1xf32>
        %mul3A_466 = vector.broadcast %squeeze3A_465 : f32 to vector<16xf32>
        %mul3A_467 = arith.mulf %get3A_463, %mul3A_466 : vector<16xf32>
        %add3A_468 = arith.addf %add3A_457, %mul3A_467 : vector<16xf32>
        %get3A_469 = arith.constant 3 : i32
        %get3A_470 = arith.index_cast %get3A_469 : i32 to index
        %get3A_471 = arith.index_cast %add3A_436 : i32 to index
        %get3A_472 = arith.constant 0 : index
        %get3A_473 = tpu.vector_load %arg14[%get3A_470, %get3A_471, %get3A_472] {strides = array<i32>} : memref<6x128x16xf32, #tpu.memory_space<vmem>>, vector<1x1x16xf32>,
        %get3A_474 = vector.shape_cast %get3A_473 : vector<1x1x16xf32> to vector<16xf32>
        %slice3A_475 = vector.extract_strided_slice %get3A_279 {offsets = [2], sizes = [1], strides = [1]} : vector<16xf32> to vector<1xf32>
        %squeeze3A_476 = vector.extract %slice3A_475[0] : f32 from vector<1xf32>
        %mul3A_477 = vector.broadcast %squeeze3A_476 : f32 to vector<16xf32>
        %mul3A_478 = arith.mulf %get3A_474, %mul3A_477 : vector<16xf32>
        %add3A_479 = arith.addf %add3A_468, %mul3A_478 : vector<16xf32>
        %get3A_480 = arith.constant 4 : i32
        %get3A_481 = arith.index_cast %get3A_480 : i32 to index
        %get3A_482 = arith.index_cast %add3A_436 : i32 to index
        %get3A_483 = arith.constant 0 : index
        %get3A_484 = tpu.vector_load %arg14[%get3A_481, %get3A_482, %get3A_483] {strides = array<i32>} : memref<6x128x16xf32, #tpu.memory_space<vmem>>, vector<1x1x16xf32>,
        %get3A_485 = vector.shape_cast %get3A_484 : vector<1x1x16xf32> to vector<16xf32>
        %slice3A_486 = vector.extract_strided_slice %get3A_285 {offsets = [2], sizes = [1], strides = [1]} : vector<16xf32> to vector<1xf32>
        %squeeze3A_487 = vector.extract %slice3A_486[0] : f32 from vector<1xf32>
        %mul3A_488 = vector.broadcast %squeeze3A_487 : f32 to vector<16xf32>
        %mul3A_489 = arith.mulf %get3A_485, %mul3A_488 : vector<16xf32>
        %add3A_490 = arith.addf %add3A_479, %mul3A_489 : vector<16xf32>
        %get3A_491 = arith.constant 5 : i32
        %get3A_492 = arith.index_cast %get3A_491 : i32 to index
        %get3A_493 = arith.index_cast %add3A_436 : i32 to index
        %get3A_494 = arith.constant 0 : index
        %get3A_495 = tpu.vector_load %arg14[%get3A_492, %get3A_493, %get3A_494] {strides = array<i32>} : memref<6x128x16xf32, #tpu.memory_space<vmem>>, vector<1x1x16xf32>,
        %get3A_496 = vector.shape_cast %get3A_495 : vector<1x1x16xf32> to vector<16xf32>
        %slice3A_497 = vector.extract_strided_slice %get3A_291 {offsets = [2], sizes = [1], strides = [1]} : vector<16xf32> to vector<1xf32>
        %squeeze3A_498 = vector.extract %slice3A_497[0] : f32 from vector<1xf32>
        %mul3A_499 = vector.broadcast %squeeze3A_498 : f32 to vector<16xf32>
        %mul3A_500 = arith.mulf %get3A_496, %mul3A_499 : vector<16xf32>
        %add3A_501 = arith.addf %add3A_490, %mul3A_500 : vector<16xf32>
        %swap3A_502 = arith.index_cast %add3A_436 : i32 to index
        %swap3A_503 = arith.constant 0 : index
        %swap3A_504 = tpu.vector_load %arg15[%swap3A_502, %swap3A_503] {strides = array<i32>} : memref<128x16xf32, #tpu.memory_space<vmem>>, vector<1x16xf32>,
        %swap3A_505 = vector.shape_cast %swap3A_504 : vector<1x16xf32> to vector<16xf32>
        %swap3A_506 = vector.shape_cast %add3A_501 : vector<16xf32> to vector<1x16xf32>
        tpu.vector_store %arg15[%swap3A_502, %swap3A_503], %swap3A_506 {strides = array<i32>} : memref<128x16xf32, #tpu.memory_space<vmem>>, vector<1x16xf32>,
        %add3A_507 = arith.constant 3 : i32
        %add3A_508 = arith.addi %mul3A_255, %add3A_507 : i32
        %get3A_509 = arith.constant 0 : i32
        %get3A_510 = arith.index_cast %get3A_509 : i32 to index
        %get3A_511 = arith.index_cast %add3A_508 : i32 to index
        %get3A_512 = arith.constant 0 : index
        %get3A_513 = tpu.vector_load %arg14[%get3A_510, %get3A_511, %get3A_512] {strides = array<i32>} : memref<6x128x16xf32, #tpu.memory_space<vmem>>, vector<1x1x16xf32>,
        %get3A_514 = vector.shape_cast %get3A_513 : vector<1x1x16xf32> to vector<16xf32>
        %slice3A_515 = vector.extract_strided_slice %get3A_261 {offsets = [3], sizes = [1], strides = [1]} : vector<16xf32> to vector<1xf32>
        %squeeze3A_516 = vector.extract %slice3A_515[0] : f32 from vector<1xf32>
        %mul3A_517 = vector.broadcast %squeeze3A_516 : f32 to vector<16xf32>
        %mul3A_518 = arith.mulf %get3A_514, %mul3A_517 : vector<16xf32>
        %get3A_519 = arith.constant 1 : i32
        %get3A_520 = arith.index_cast %get3A_519 : i32 to index
        %get3A_521 = arith.index_cast %add3A_508 : i32 to index
        %get3A_522 = arith.constant 0 : index
        %get3A_523 = tpu.vector_load %arg14[%get3A_520, %get3A_521, %get3A_522] {strides = array<i32>} : memref<6x128x16xf32, #tpu.memory_space<vmem>>, vector<1x1x16xf32>,
        %get3A_524 = vector.shape_cast %get3A_523 : vector<1x1x16xf32> to vector<16xf32>
        %slice3A_525 = vector.extract_strided_slice %get3A_267 {offsets = [3], sizes = [1], strides = [1]} : vector<16xf32> to vector<1xf32>
        %squeeze3A_526 = vector.extract %slice3A_525[0] : f32 from vector<1xf32>
        %mul3A_527 = vector.broadcast %squeeze3A_526 : f32 to vector<16xf32>
        %mul3A_528 = arith.mulf %get3A_524, %mul3A_527 : vector<16xf32>
        %add3A_529 = arith.addf %mul3A_518, %mul3A_528 : vector<16xf32>
        %get3A_530 = arith.constant 2 : i32
        %get3A_531 = arith.index_cast %get3A_530 : i32 to index
        %get3A_532 = arith.index_cast %add3A_508 : i32 to index
        %get3A_533 = arith.constant 0 : index
        %get3A_534 = tpu.vector_load %arg14[%get3A_531, %get3A_532, %get3A_533] {strides = array<i32>} : memref<6x128x16xf32, #tpu.memory_space<vmem>>, vector<1x1x16xf32>,
        %get3A_535 = vector.shape_cast %get3A_534 : vector<1x1x16xf32> to vector<16xf32>
        %slice3A_536 = vector.extract_strided_slice %get3A_273 {offsets = [3], sizes = [1], strides = [1]} : vector<16xf32> to vector<1xf32>
        %squeeze3A_537 = vector.extract %slice3A_536[0] : f32 from vector<1xf32>
        %mul3A_538 = vector.broadcast %squeeze3A_537 : f32 to vector<16xf32>
        %mul3A_539 = arith.mulf %get3A_535, %mul3A_538 : vector<16xf32>
        %add3A_540 = arith.addf %add3A_529, %mul3A_539 : vector<16xf32>
        %get3A_541 = arith.constant 3 : i32
        %get3A_542 = arith.index_cast %get3A_541 : i32 to index
        %get3A_543 = arith.index_cast %add3A_508 : i32 to index
        %get3A_544 = arith.constant 0 : index
        %get3A_545 = tpu.vector_load %arg14[%get3A_542, %get3A_543, %get3A_544] {strides = array<i32>} : memref<6x128x16xf32, #tpu.memory_space<vmem>>, vector<1x1x16xf32>,
        %get3A_546 = vector.shape_cast %get3A_545 : vector<1x1x16xf32> to vector<16xf32>
        %slice3A_547 = vector.extract_strided_slice %get3A_279 {offsets = [3], sizes = [1], strides = [1]} : vector<16xf32> to vector<1xf32>
        %squeeze3A_548 = vector.extract %slice3A_547[0] : f32 from vector<1xf32>
        %mul3A_549 = vector.broadcast %squeeze3A_548 : f32 to vector<16xf32>
        %mul3A_550 = arith.mulf %get3A_546, %mul3A_549 : vector<16xf32>
        %add3A_551 = arith.addf %add3A_540, %mul3A_550 : vector<16xf32>
        %get3A_552 = arith.constant 4 : i32
        %get3A_553 = arith.index_cast %get3A_552 : i32 to index
        %get3A_554 = arith.index_cast %add3A_508 : i32 to index
        %get3A_555 = arith.constant 0 : index
        %get3A_556 = tpu.vector_load %arg14[%get3A_553, %get3A_554, %get3A_555] {strides = array<i32>} : memref<6x128x16xf32, #tpu.memory_space<vmem>>, vector<1x1x16xf32>,
        %get3A_557 = vector.shape_cast %get3A_556 : vector<1x1x16xf32> to vector<16xf32>
        %slice3A_558 = vector.extract_strided_slice %get3A_285 {offsets = [3], sizes = [1], strides = [1]} : vector<16xf32> to vector<1xf32>
        %squeeze3A_559 = vector.extract %slice3A_558[0] : f32 from vector<1xf32>
        %mul3A_560 = vector.broadcast %squeeze3A_559 : f32 to vector<16xf32>
        %mul3A_561 = arith.mulf %get3A_557, %mul3A_560 : vector<16xf32>
        %add3A_562 = arith.addf %add3A_551, %mul3A_561 : vector<16xf32>
        %get3A_563 = arith.constant 5 : i32
        %get3A_564 = arith.index_cast %get3A_563 : i32 to index
        %get3A_565 = arith.index_cast %add3A_508 : i32 to index
        %get3A_566 = arith.constant 0 : index
        %get3A_567 = tpu.vector_load %arg14[%get3A_564, %get3A_565, %get3A_566] {strides = array<i32>} : memref<6x128x16xf32, #tpu.memory_space<vmem>>, vector<1x1x16xf32>,
        %get3A_568 = vector.shape_cast %get3A_567 : vector<1x1x16xf32> to vector<16xf32>
        %slice3A_569 = vector.extract_strided_slice %get3A_291 {offsets = [3], sizes = [1], strides = [1]} : vector<16xf32> to vector<1xf32>
        %squeeze3A_570 = vector.extract %slice3A_569[0] : f32 from vector<1xf32>
        %mul3A_571 = vector.broadcast %squeeze3A_570 : f32 to vector<16xf32>
        %mul3A_572 = arith.mulf %get3A_568, %mul3A_571 : vector<16xf32>
        %add3A_573 = arith.addf %add3A_562, %mul3A_572 : vector<16xf32>
        %swap3A_574 = arith.index_cast %add3A_508 : i32 to index
        %swap3A_575 = arith.constant 0 : index
        %swap3A_576 = tpu.vector_load %arg15[%swap3A_574, %swap3A_575] {strides = array<i32>} : memref<128x16xf32, #tpu.memory_space<vmem>>, vector<1x16xf32>,
        %swap3A_577 = vector.shape_cast %swap3A_576 : vector<1x16xf32> to vector<16xf32>
        %swap3A_578 = vector.shape_cast %add3A_573 : vector<16xf32> to vector<1x16xf32>
        tpu.vector_store %arg15[%swap3A_574, %swap3A_575], %swap3A_578 {strides = array<i32>} : memref<128x16xf32, #tpu.memory_space<vmem>>, vector<1x16xf32>,
        %add3A_579 = arith.constant 4 : i32
        %add3A_580 = arith.addi %mul3A_255, %add3A_579 : i32
        %get3A_581 = arith.constant 0 : i32
        %get3A_582 = arith.index_cast %get3A_581 : i32 to index
        %get3A_583 = arith.index_cast %add3A_580 : i32 to index
        %get3A_584 = arith.constant 0 : index
        %get3A_585 = tpu.vector_load %arg14[%get3A_582, %get3A_583, %get3A_584] {strides = array<i32>} : memref<6x128x16xf32, #tpu.memory_space<vmem>>, vector<1x1x16xf32>,
        %get3A_586 = vector.shape_cast %get3A_585 : vector<1x1x16xf32> to vector<16xf32>
        %slice3A_587 = vector.extract_strided_slice %get3A_261 {offsets = [4], sizes = [1], strides = [1]} : vector<16xf32> to vector<1xf32>
        %squeeze3A_588 = vector.extract %slice3A_587[0] : f32 from vector<1xf32>
        %mul3A_589 = vector.broadcast %squeeze3A_588 : f32 to vector<16xf32>
        %mul3A_590 = arith.mulf %get3A_586, %mul3A_589 : vector<16xf32>
        %get3A_591 = arith.constant 1 : i32
        %get3A_592 = arith.index_cast %get3A_591 : i32 to index
        %get3A_593 = arith.index_cast %add3A_580 : i32 to index
        %get3A_594 = arith.constant 0 : index
        %get3A_595 = tpu.vector_load %arg14[%get3A_592, %get3A_593, %get3A_594] {strides = array<i32>} : memref<6x128x16xf32, #tpu.memory_space<vmem>>, vector<1x1x16xf32>,
        %get3A_596 = vector.shape_cast %get3A_595 : vector<1x1x16xf32> to vector<16xf32>
        %slice3A_597 = vector.extract_strided_slice %get3A_267 {offsets = [4], sizes = [1], strides = [1]} : vector<16xf32> to vector<1xf32>
        %squeeze3A_598 = vector.extract %slice3A_597[0] : f32 from vector<1xf32>
        %mul3A_599 = vector.broadcast %squeeze3A_598 : f32 to vector<16xf32>
        %mul3A_600 = arith.mulf %get3A_596, %mul3A_599 : vector<16xf32>
        %add3A_601 = arith.addf %mul3A_590, %mul3A_600 : vector<16xf32>
        %get3A_602 = arith.constant 2 : i32
        %get3A_603 = arith.index_cast %get3A_602 : i32 to index
        %get3A_604 = arith.index_cast %add3A_580 : i32 to index
        %get3A_605 = arith.constant 0 : index
        %get3A_606 = tpu.vector_load %arg14[%get3A_603, %get3A_604, %get3A_605] {strides = array<i32>} : memref<6x128x16xf32, #tpu.memory_space<vmem>>, vector<1x1x16xf32>,
        %get3A_607 = vector.shape_cast %get3A_606 : vector<1x1x16xf32> to vector<16xf32>
        %slice3A_608 = vector.extract_strided_slice %get3A_273 {offsets = [4], sizes = [1], strides = [1]} : vector<16xf32> to vector<1xf32>
        %squeeze3A_609 = vector.extract %slice3A_608[0] : f32 from vector<1xf32>
        %mul3A_610 = vector.broadcast %squeeze3A_609 : f32 to vector<16xf32>
        %mul3A_611 = arith.mulf %get3A_607, %mul3A_610 : vector<16xf32>
        %add3A_612 = arith.addf %add3A_601, %mul3A_611 : vector<16xf32>
        %get3A_613 = arith.constant 3 : i32
        %get3A_614 = arith.index_cast %get3A_613 : i32 to index
        %get3A_615 = arith.index_cast %add3A_580 : i32 to index
        %get3A_616 = arith.constant 0 : index
        %get3A_617 = tpu.vector_load %arg14[%get3A_614, %get3A_615, %get3A_616] {strides = array<i32>} : memref<6x128x16xf32, #tpu.memory_space<vmem>>, vector<1x1x16xf32>,
        %get3A_618 = vector.shape_cast %get3A_617 : vector<1x1x16xf32> to vector<16xf32>
        %slice3A_619 = vector.extract_strided_slice %get3A_279 {offsets = [4], sizes = [1], strides = [1]} : vector<16xf32> to vector<1xf32>
        %squeeze3A_620 = vector.extract %slice3A_619[0] : f32 from vector<1xf32>
        %mul3A_621 = vector.broadcast %squeeze3A_620 : f32 to vector<16xf32>
        %mul3A_622 = arith.mulf %get3A_618, %mul3A_621 : vector<16xf32>
        %add3A_623 = arith.addf %add3A_612, %mul3A_622 : vector<16xf32>
        %get3A_624 = arith.constant 4 : i32
        %get3A_625 = arith.index_cast %get3A_624 : i32 to index
        %get3A_626 = arith.index_cast %add3A_580 : i32 to index
        %get3A_627 = arith.constant 0 : index
        %get3A_628 = tpu.vector_load %arg14[%get3A_625, %get3A_626, %get3A_627] {strides = array<i32>} : memref<6x128x16xf32, #tpu.memory_space<vmem>>, vector<1x1x16xf32>,
        %get3A_629 = vector.shape_cast %get3A_628 : vector<1x1x16xf32> to vector<16xf32>
        %slice3A_630 = vector.extract_strided_slice %get3A_285 {offsets = [4], sizes = [1], strides = [1]} : vector<16xf32> to vector<1xf32>
        %squeeze3A_631 = vector.extract %slice3A_630[0] : f32 from vector<1xf32>
        %mul3A_632 = vector.broadcast %squeeze3A_631 : f32 to vector<16xf32>
        %mul3A_633 = arith.mulf %get3A_629, %mul3A_632 : vector<16xf32>
        %add3A_634 = arith.addf %add3A_623, %mul3A_633 : vector<16xf32>
        %get3A_635 = arith.constant 5 : i32
        %get3A_636 = arith.index_cast %get3A_635 : i32 to index
        %get3A_637 = arith.index_cast %add3A_580 : i32 to index
        %get3A_638 = arith.constant 0 : index
        %get3A_639 = tpu.vector_load %arg14[%get3A_636, %get3A_637, %get3A_638] {strides = array<i32>} : memref<6x128x16xf32, #tpu.memory_space<vmem>>, vector<1x1x16xf32>,
        %get3A_640 = vector.shape_cast %get3A_639 : vector<1x1x16xf32> to vector<16xf32>
        %slice3A_641 = vector.extract_strided_slice %get3A_291 {offsets = [4], sizes = [1], strides = [1]} : vector<16xf32> to vector<1xf32>
        %squeeze3A_642 = vector.extract %slice3A_641[0] : f32 from vector<1xf32>
        %mul3A_643 = vector.broadcast %squeeze3A_642 : f32 to vector<16xf32>
        %mul3A_644 = arith.mulf %get3A_640, %mul3A_643 : vector<16xf32>
        %add3A_645 = arith.addf %add3A_634, %mul3A_644 : vector<16xf32>
        %swap3A_646 = arith.index_cast %add3A_580 : i32 to index
        %swap3A_647 = arith.constant 0 : index
        %swap3A_648 = tpu.vector_load %arg15[%swap3A_646, %swap3A_647] {strides = array<i32>} : memref<128x16xf32, #tpu.memory_space<vmem>>, vector<1x16xf32>,
        %swap3A_649 = vector.shape_cast %swap3A_648 : vector<1x16xf32> to vector<16xf32>
        %swap3A_650 = vector.shape_cast %add3A_645 : vector<16xf32> to vector<1x16xf32>
        tpu.vector_store %arg15[%swap3A_646, %swap3A_647], %swap3A_650 {strides = array<i32>} : memref<128x16xf32, #tpu.memory_space<vmem>>, vector<1x16xf32>,
        %add3A_651 = arith.constant 5 : i32
        %add3A_652 = arith.addi %mul3A_255, %add3A_651 : i32
        %get3A_653 = arith.constant 0 : i32
        %get3A_654 = arith.index_cast %get3A_653 : i32 to index
        %get3A_655 = arith.index_cast %add3A_652 : i32 to index
        %get3A_656 = arith.constant 0 : index
        %get3A_657 = tpu.vector_load %arg14[%get3A_654, %get3A_655, %get3A_656] {strides = array<i32>} : memref<6x128x16xf32, #tpu.memory_space<vmem>>, vector<1x1x16xf32>,
        %get3A_658 = vector.shape_cast %get3A_657 : vector<1x1x16xf32> to vector<16xf32>
        %slice3A_659 = vector.extract_strided_slice %get3A_261 {offsets = [5], sizes = [1], strides = [1]} : vector<16xf32> to vector<1xf32>
        %squeeze3A_660 = vector.extract %slice3A_659[0] : f32 from vector<1xf32>
        %mul3A_661 = vector.broadcast %squeeze3A_660 : f32 to vector<16xf32>
        %mul3A_662 = arith.mulf %get3A_658, %mul3A_661 : vector<16xf32>
        %get3A_663 = arith.constant 1 : i32
        %get3A_664 = arith.index_cast %get3A_663 : i32 to index
        %get3A_665 = arith.index_cast %add3A_652 : i32 to index
        %get3A_666 = arith.constant 0 : index
        %get3A_667 = tpu.vector_load %arg14[%get3A_664, %get3A_665, %get3A_666] {strides = array<i32>} : memref<6x128x16xf32, #tpu.memory_space<vmem>>, vector<1x1x16xf32>,
        %get3A_668 = vector.shape_cast %get3A_667 : vector<1x1x16xf32> to vector<16xf32>
        %slice3A_669 = vector.extract_strided_slice %get3A_267 {offsets = [5], sizes = [1], strides = [1]} : vector<16xf32> to vector<1xf32>
        %squeeze3A_670 = vector.extract %slice3A_669[0] : f32 from vector<1xf32>
        %mul3A_671 = vector.broadcast %squeeze3A_670 : f32 to vector<16xf32>
        %mul3A_672 = arith.mulf %get3A_668, %mul3A_671 : vector<16xf32>
        %add3A_673 = arith.addf %mul3A_662, %mul3A_672 : vector<16xf32>
        %get3A_674 = arith.constant 2 : i32
        %get3A_675 = arith.index_cast %get3A_674 : i32 to index
        %get3A_676 = arith.index_cast %add3A_652 : i32 to index
        %get3A_677 = arith.constant 0 : index
        %get3A_678 = tpu.vector_load %arg14[%get3A_675, %get3A_676, %get3A_677] {strides = array<i32>} : memref<6x128x16xf32, #tpu.memory_space<vmem>>, vector<1x1x16xf32>,
        %get3A_679 = vector.shape_cast %get3A_678 : vector<1x1x16xf32> to vector<16xf32>
        %slice3A_680 = vector.extract_strided_slice %get3A_273 {offsets = [5], sizes = [1], strides = [1]} : vector<16xf32> to vector<1xf32>
        %squeeze3A_681 = vector.extract %slice3A_680[0] : f32 from vector<1xf32>
        %mul3A_682 = vector.broadcast %squeeze3A_681 : f32 to vector<16xf32>
        %mul3A_683 = arith.mulf %get3A_679, %mul3A_682 : vector<16xf32>
        %add3A_684 = arith.addf %add3A_673, %mul3A_683 : vector<16xf32>
        %get3A_685 = arith.constant 3 : i32
        %get3A_686 = arith.index_cast %get3A_685 : i32 to index
        %get3A_687 = arith.index_cast %add3A_652 : i32 to index
        %get3A_688 = arith.constant 0 : index
        %get3A_689 = tpu.vector_load %arg14[%get3A_686, %get3A_687, %get3A_688] {strides = array<i32>} : memref<6x128x16xf32, #tpu.memory_space<vmem>>, vector<1x1x16xf32>,
        %get3A_690 = vector.shape_cast %get3A_689 : vector<1x1x16xf32> to vector<16xf32>
        %slice3A_691 = vector.extract_strided_slice %get3A_279 {offsets = [5], sizes = [1], strides = [1]} : vector<16xf32> to vector<1xf32>
        %squeeze3A_692 = vector.extract %slice3A_691[0] : f32 from vector<1xf32>
        %mul3A_693 = vector.broadcast %squeeze3A_692 : f32 to vector<16xf32>
        %mul3A_694 = arith.mulf %get3A_690, %mul3A_693 : vector<16xf32>
        %add3A_695 = arith.addf %add3A_684, %mul3A_694 : vector<16xf32>
        %get3A_696 = arith.constant 4 : i32
        %get3A_697 = arith.index_cast %get3A_696 : i32 to index
        %get3A_698 = arith.index_cast %add3A_652 : i32 to index
        %get3A_699 = arith.constant 0 : index
        %get3A_700 = tpu.vector_load %arg14[%get3A_697, %get3A_698, %get3A_699] {strides = array<i32>} : memref<6x128x16xf32, #tpu.memory_space<vmem>>, vector<1x1x16xf32>,
        %get3A_701 = vector.shape_cast %get3A_700 : vector<1x1x16xf32> to vector<16xf32>
        %slice3A_702 = vector.extract_strided_slice %get3A_285 {offsets = [5], sizes = [1], strides = [1]} : vector<16xf32> to vector<1xf32>
        %squeeze3A_703 = vector.extract %slice3A_702[0] : f32 from vector<1xf32>
        %mul3A_704 = vector.broadcast %squeeze3A_703 : f32 to vector<16xf32>
        %mul3A_705 = arith.mulf %get3A_701, %mul3A_704 : vector<16xf32>
        %add3A_706 = arith.addf %add3A_695, %mul3A_705 : vector<16xf32>
        %get3A_707 = arith.constant 5 : i32
        %get3A_708 = arith.index_cast %get3A_707 : i32 to index
        %get3A_709 = arith.index_cast %add3A_652 : i32 to index
        %get3A_710 = arith.constant 0 : index
        %get3A_711 = tpu.vector_load %arg14[%get3A_708, %get3A_709, %get3A_710] {strides = array<i32>} : memref<6x128x16xf32, #tpu.memory_space<vmem>>, vector<1x1x16xf32>,
        %get3A_712 = vector.shape_cast %get3A_711 : vector<1x1x16xf32> to vector<16xf32>
        %slice3A_713 = vector.extract_strided_slice %get3A_291 {offsets = [5], sizes = [1], strides = [1]} : vector<16xf32> to vector<1xf32>
        %squeeze3A_714 = vector.extract %slice3A_713[0] : f32 from vector<1xf32>
        %mul3A_715 = vector.broadcast %squeeze3A_714 : f32 to vector<16xf32>
        %mul3A_716 = arith.mulf %get3A_712, %mul3A_715 : vector<16xf32>
        %add3A_717 = arith.addf %add3A_706, %mul3A_716 : vector<16xf32>
        %swap3A_718 = arith.index_cast %add3A_652 : i32 to index
        %swap3A_719 = arith.constant 0 : index
        %swap3A_720 = tpu.vector_load %arg15[%swap3A_718, %swap3A_719] {strides = array<i32>} : memref<128x16xf32, #tpu.memory_space<vmem>>, vector<1x16xf32>,
        %swap3A_721 = vector.shape_cast %swap3A_720 : vector<1x16xf32> to vector<16xf32>
        %swap3A_722 = vector.shape_cast %add3A_717 : vector<16xf32> to vector<1x16xf32>
        tpu.vector_store %arg15[%swap3A_718, %swap3A_719], %swap3A_722 {strides = array<i32>} : memref<128x16xf32, #tpu.memory_space<vmem>>, vector<1x16xf32>,
        %add3A_723 = arith.constant 6 : i32
        %add3A_724 = arith.addi %mul3A_255, %add3A_723 : i32
        %get3A_725 = arith.constant 0 : i32
        %get3A_726 = arith.index_cast %get3A_725 : i32 to index
        %get3A_727 = arith.index_cast %add3A_724 : i32 to index
        %get3A_728 = arith.constant 0 : index
        %get3A_729 = tpu.vector_load %arg14[%get3A_726, %get3A_727, %get3A_728] {strides = array<i32>} : memref<6x128x16xf32, #tpu.memory_space<vmem>>, vector<1x1x16xf32>,
        %get3A_730 = vector.shape_cast %get3A_729 : vector<1x1x16xf32> to vector<16xf32>
        %slice3A_731 = vector.extract_strided_slice %get3A_261 {offsets = [6], sizes = [1], strides = [1]} : vector<16xf32> to vector<1xf32>
        %squeeze3A_732 = vector.extract %slice3A_731[0] : f32 from vector<1xf32>
        %mul3A_733 = vector.broadcast %squeeze3A_732 : f32 to vector<16xf32>
        %mul3A_734 = arith.mulf %get3A_730, %mul3A_733 : vector<16xf32>
        %get3A_735 = arith.constant 1 : i32
        %get3A_736 = arith.index_cast %get3A_735 : i32 to index
        %get3A_737 = arith.index_cast %add3A_724 : i32 to index
        %get3A_738 = arith.constant 0 : index
        %get3A_739 = tpu.vector_load %arg14[%get3A_736, %get3A_737, %get3A_738] {strides = array<i32>} : memref<6x128x16xf32, #tpu.memory_space<vmem>>, vector<1x1x16xf32>,
        %get3A_740 = vector.shape_cast %get3A_739 : vector<1x1x16xf32> to vector<16xf32>
        %slice3A_741 = vector.extract_strided_slice %get3A_267 {offsets = [6], sizes = [1], strides = [1]} : vector<16xf32> to vector<1xf32>
        %squeeze3A_742 = vector.extract %slice3A_741[0] : f32 from vector<1xf32>
        %mul3A_743 = vector.broadcast %squeeze3A_742 : f32 to vector<16xf32>
        %mul3A_744 = arith.mulf %get3A_740, %mul3A_743 : vector<16xf32>
        %add3A_745 = arith.addf %mul3A_734, %mul3A_744 : vector<16xf32>
        %get3A_746 = arith.constant 2 : i32
        %get3A_747 = arith.index_cast %get3A_746 : i32 to index
        %get3A_748 = arith.index_cast %add3A_724 : i32 to index
        %get3A_749 = arith.constant 0 : index
        %get3A_750 = tpu.vector_load %arg14[%get3A_747, %get3A_748, %get3A_749] {strides = array<i32>} : memref<6x128x16xf32, #tpu.memory_space<vmem>>, vector<1x1x16xf32>,
        %get3A_751 = vector.shape_cast %get3A_750 : vector<1x1x16xf32> to vector<16xf32>
        %slice3A_752 = vector.extract_strided_slice %get3A_273 {offsets = [6], sizes = [1], strides = [1]} : vector<16xf32> to vector<1xf32>
        %squeeze3A_753 = vector.extract %slice3A_752[0] : f32 from vector<1xf32>
        %mul3A_754 = vector.broadcast %squeeze3A_753 : f32 to vector<16xf32>
        %mul3A_755 = arith.mulf %get3A_751, %mul3A_754 : vector<16xf32>
        %add3A_756 = arith.addf %add3A_745, %mul3A_755 : vector<16xf32>
        %get3A_757 = arith.constant 3 : i32
        %get3A_758 = arith.index_cast %get3A_757 : i32 to index
        %get3A_759 = arith.index_cast %add3A_724 : i32 to index
        %get3A_760 = arith.constant 0 : index
        %get3A_761 = tpu.vector_load %arg14[%get3A_758, %get3A_759, %get3A_760] {strides = array<i32>} : memref<6x128x16xf32, #tpu.memory_space<vmem>>, vector<1x1x16xf32>,
        %get3A_762 = vector.shape_cast %get3A_761 : vector<1x1x16xf32> to vector<16xf32>
        %slice3A_763 = vector.extract_strided_slice %get3A_279 {offsets = [6], sizes = [1], strides = [1]} : vector<16xf32> to vector<1xf32>
        %squeeze3A_764 = vector.extract %slice3A_763[0] : f32 from vector<1xf32>
        %mul3A_765 = vector.broadcast %squeeze3A_764 : f32 to vector<16xf32>
        %mul3A_766 = arith.mulf %get3A_762, %mul3A_765 : vector<16xf32>
        %add3A_767 = arith.addf %add3A_756, %mul3A_766 : vector<16xf32>
        %get3A_768 = arith.constant 4 : i32
        %get3A_769 = arith.index_cast %get3A_768 : i32 to index
        %get3A_770 = arith.index_cast %add3A_724 : i32 to index
        %get3A_771 = arith.constant 0 : index
        %get3A_772 = tpu.vector_load %arg14[%get3A_769, %get3A_770, %get3A_771] {strides = array<i32>} : memref<6x128x16xf32, #tpu.memory_space<vmem>>, vector<1x1x16xf32>,
        %get3A_773 = vector.shape_cast %get3A_772 : vector<1x1x16xf32> to vector<16xf32>
        %slice3A_774 = vector.extract_strided_slice %get3A_285 {offsets = [6], sizes = [1], strides = [1]} : vector<16xf32> to vector<1xf32>
        %squeeze3A_775 = vector.extract %slice3A_774[0] : f32 from vector<1xf32>
        %mul3A_776 = vector.broadcast %squeeze3A_775 : f32 to vector<16xf32>
        %mul3A_777 = arith.mulf %get3A_773, %mul3A_776 : vector<16xf32>
        %add3A_778 = arith.addf %add3A_767, %mul3A_777 : vector<16xf32>
        %get3A_779 = arith.constant 5 : i32
        %get3A_780 = arith.index_cast %get3A_779 : i32 to index
        %get3A_781 = arith.index_cast %add3A_724 : i32 to index
        %get3A_782 = arith.constant 0 : index
        %get3A_783 = tpu.vector_load %arg14[%get3A_780, %get3A_781, %get3A_782] {strides = array<i32>} : memref<6x128x16xf32, #tpu.memory_space<vmem>>, vector<1x1x16xf32>,
        %get3A_784 = vector.shape_cast %get3A_783 : vector<1x1x16xf32> to vector<16xf32>
        %slice3A_785 = vector.extract_strided_slice %get3A_291 {offsets = [6], sizes = [1], strides = [1]} : vector<16xf32> to vector<1xf32>
        %squeeze3A_786 = vector.extract %slice3A_785[0] : f32 from vector<1xf32>
        %mul3A_787 = vector.broadcast %squeeze3A_786 : f32 to vector<16xf32>
        %mul3A_788 = arith.mulf %get3A_784, %mul3A_787 : vector<16xf32>
        %add3A_789 = arith.addf %add3A_778, %mul3A_788 : vector<16xf32>
        %swap3A_790 = arith.index_cast %add3A_724 : i32 to index
        %swap3A_791 = arith.constant 0 : index
        %swap3A_792 = tpu.vector_load %arg15[%swap3A_790, %swap3A_791] {strides = array<i32>} : memref<128x16xf32, #tpu.memory_space<vmem>>, vector<1x16xf32>,
        %swap3A_793 = vector.shape_cast %swap3A_792 : vector<1x16xf32> to vector<16xf32>
        %swap3A_794 = vector.shape_cast %add3A_789 : vector<16xf32> to vector<1x16xf32>
        tpu.vector_store %arg15[%swap3A_790, %swap3A_791], %swap3A_794 {strides = array<i32>} : memref<128x16xf32, #tpu.memory_space<vmem>>, vector<1x16xf32>,
        %add3A_795 = arith.constant 7 : i32
        %add3A_796 = arith.addi %mul3A_255, %add3A_795 : i32
        %get3A_797 = arith.constant 0 : i32
        %get3A_798 = arith.index_cast %get3A_797 : i32 to index
        %get3A_799 = arith.index_cast %add3A_796 : i32 to index
        %get3A_800 = arith.constant 0 : index
        %get3A_801 = tpu.vector_load %arg14[%get3A_798, %get3A_799, %get3A_800] {strides = array<i32>} : memref<6x128x16xf32, #tpu.memory_space<vmem>>, vector<1x1x16xf32>,
        %get3A_802 = vector.shape_cast %get3A_801 : vector<1x1x16xf32> to vector<16xf32>
        %slice3A_803 = vector.extract_strided_slice %get3A_261 {offsets = [7], sizes = [1], strides = [1]} : vector<16xf32> to vector<1xf32>
        %squeeze3A_804 = vector.extract %slice3A_803[0] : f32 from vector<1xf32>
        %mul3A_805 = vector.broadcast %squeeze3A_804 : f32 to vector<16xf32>
        %mul3A_806 = arith.mulf %get3A_802, %mul3A_805 : vector<16xf32>
        %get3A_807 = arith.constant 1 : i32
        %get3A_808 = arith.index_cast %get3A_807 : i32 to index
        %get3A_809 = arith.index_cast %add3A_796 : i32 to index
        %get3A_810 = arith.constant 0 : index
        %get3A_811 = tpu.vector_load %arg14[%get3A_808, %get3A_809, %get3A_810] {strides = array<i32>} : memref<6x128x16xf32, #tpu.memory_space<vmem>>, vector<1x1x16xf32>,
        %get3A_812 = vector.shape_cast %get3A_811 : vector<1x1x16xf32> to vector<16xf32>
        %slice3A_813 = vector.extract_strided_slice %get3A_267 {offsets = [7], sizes = [1], strides = [1]} : vector<16xf32> to vector<1xf32>
        %squeeze3A_814 = vector.extract %slice3A_813[0] : f32 from vector<1xf32>
        %mul3A_815 = vector.broadcast %squeeze3A_814 : f32 to vector<16xf32>
        %mul3A_816 = arith.mulf %get3A_812, %mul3A_815 : vector<16xf32>
        %add3A_817 = arith.addf %mul3A_806, %mul3A_816 : vector<16xf32>
        %get3A_818 = arith.constant 2 : i32
        %get3A_819 = arith.index_cast %get3A_818 : i32 to index
        %get3A_820 = arith.index_cast %add3A_796 : i32 to index
        %get3A_821 = arith.constant 0 : index
        %get3A_822 = tpu.vector_load %arg14[%get3A_819, %get3A_820, %get3A_821] {strides = array<i32>} : memref<6x128x16xf32, #tpu.memory_space<vmem>>, vector<1x1x16xf32>,
        %get3A_823 = vector.shape_cast %get3A_822 : vector<1x1x16xf32> to vector<16xf32>
        %slice3A_824 = vector.extract_strided_slice %get3A_273 {offsets = [7], sizes = [1], strides = [1]} : vector<16xf32> to vector<1xf32>
        %squeeze3A_825 = vector.extract %slice3A_824[0] : f32 from vector<1xf32>
        %mul3A_826 = vector.broadcast %squeeze3A_825 : f32 to vector<16xf32>
        %mul3A_827 = arith.mulf %get3A_823, %mul3A_826 : vector<16xf32>
        %add3A_828 = arith.addf %add3A_817, %mul3A_827 : vector<16xf32>
        %get3A_829 = arith.constant 3 : i32
        %get3A_830 = arith.index_cast %get3A_829 : i32 to index
        %get3A_831 = arith.index_cast %add3A_796 : i32 to index
        %get3A_832 = arith.constant 0 : index
        %get3A_833 = tpu.vector_load %arg14[%get3A_830, %get3A_831, %get3A_832] {strides = array<i32>} : memref<6x128x16xf32, #tpu.memory_space<vmem>>, vector<1x1x16xf32>,
        %get3A_834 = vector.shape_cast %get3A_833 : vector<1x1x16xf32> to vector<16xf32>
        %slice3A_835 = vector.extract_strided_slice %get3A_279 {offsets = [7], sizes = [1], strides = [1]} : vector<16xf32> to vector<1xf32>
        %squeeze3A_836 = vector.extract %slice3A_835[0] : f32 from vector<1xf32>
        %mul3A_837 = vector.broadcast %squeeze3A_836 : f32 to vector<16xf32>
        %mul3A_838 = arith.mulf %get3A_834, %mul3A_837 : vector<16xf32>
        %add3A_839 = arith.addf %add3A_828, %mul3A_838 : vector<16xf32>
        %get3A_840 = arith.constant 4 : i32
        %get3A_841 = arith.index_cast %get3A_840 : i32 to index
        %get3A_842 = arith.index_cast %add3A_796 : i32 to index
        %get3A_843 = arith.constant 0 : index
        %get3A_844 = tpu.vector_load %arg14[%get3A_841, %get3A_842, %get3A_843] {strides = array<i32>} : memref<6x128x16xf32, #tpu.memory_space<vmem>>, vector<1x1x16xf32>,
        %get3A_845 = vector.shape_cast %get3A_844 : vector<1x1x16xf32> to vector<16xf32>
        %slice3A_846 = vector.extract_strided_slice %get3A_285 {offsets = [7], sizes = [1], strides = [1]} : vector<16xf32> to vector<1xf32>
        %squeeze3A_847 = vector.extract %slice3A_846[0] : f32 from vector<1xf32>
        %mul3A_848 = vector.broadcast %squeeze3A_847 : f32 to vector<16xf32>
        %mul3A_849 = arith.mulf %get3A_845, %mul3A_848 : vector<16xf32>
        %add3A_850 = arith.addf %add3A_839, %mul3A_849 : vector<16xf32>
        %get3A_851 = arith.constant 5 : i32
        %get3A_852 = arith.index_cast %get3A_851 : i32 to index
        %get3A_853 = arith.index_cast %add3A_796 : i32 to index
        %get3A_854 = arith.constant 0 : index
        %get3A_855 = tpu.vector_load %arg14[%get3A_852, %get3A_853, %get3A_854] {strides = array<i32>} : memref<6x128x16xf32, #tpu.memory_space<vmem>>, vector<1x1x16xf32>,
        %get3A_856 = vector.shape_cast %get3A_855 : vector<1x1x16xf32> to vector<16xf32>
        %slice3A_857 = vector.extract_strided_slice %get3A_291 {offsets = [7], sizes = [1], strides = [1]} : vector<16xf32> to vector<1xf32>
        %squeeze3A_858 = vector.extract %slice3A_857[0] : f32 from vector<1xf32>
        %mul3A_859 = vector.broadcast %squeeze3A_858 : f32 to vector<16xf32>
        %mul3A_860 = arith.mulf %get3A_856, %mul3A_859 : vector<16xf32>
        %add3A_861 = arith.addf %add3A_850, %mul3A_860 : vector<16xf32>
        %swap3A_862 = arith.index_cast %add3A_796 : i32 to index
        %swap3A_863 = arith.constant 0 : index
        %swap3A_864 = tpu.vector_load %arg15[%swap3A_862, %swap3A_863] {strides = array<i32>} : memref<128x16xf32, #tpu.memory_space<vmem>>, vector<1x16xf32>,
        %swap3A_865 = vector.shape_cast %swap3A_864 : vector<1x16xf32> to vector<16xf32>
        %swap3A_866 = vector.shape_cast %add3A_861 : vector<16xf32> to vector<1x16xf32>
        tpu.vector_store %arg15[%swap3A_862, %swap3A_863], %swap3A_866 {strides = array<i32>} : memref<128x16xf32, #tpu.memory_space<vmem>>, vector<1x16xf32>,
        %add3A_867 = arith.constant 8 : i32
        %add3A_868 = arith.addi %mul3A_255, %add3A_867 : i32
        %get3A_869 = arith.constant 0 : i32
        %get3A_870 = arith.index_cast %get3A_869 : i32 to index
        %get3A_871 = arith.index_cast %add3A_868 : i32 to index
        %get3A_872 = arith.constant 0 : index
        %get3A_873 = tpu.vector_load %arg14[%get3A_870, %get3A_871, %get3A_872] {strides = array<i32>} : memref<6x128x16xf32, #tpu.memory_space<vmem>>, vector<1x1x16xf32>,
        %get3A_874 = vector.shape_cast %get3A_873 : vector<1x1x16xf32> to vector<16xf32>
        %slice3A_875 = vector.extract_strided_slice %get3A_261 {offsets = [8], sizes = [1], strides = [1]} : vector<16xf32> to vector<1xf32>
        %squeeze3A_876 = vector.extract %slice3A_875[0] : f32 from vector<1xf32>
        %mul3A_877 = vector.broadcast %squeeze3A_876 : f32 to vector<16xf32>
        %mul3A_878 = arith.mulf %get3A_874, %mul3A_877 : vector<16xf32>
        %get3A_879 = arith.constant 1 : i32
        %get3A_880 = arith.index_cast %get3A_879 : i32 to index
        %get3A_881 = arith.index_cast %add3A_868 : i32 to index
        %get3A_882 = arith.constant 0 : index
        %get3A_883 = tpu.vector_load %arg14[%get3A_880, %get3A_881, %get3A_882] {strides = array<i32>} : memref<6x128x16xf32, #tpu.memory_space<vmem>>, vector<1x1x16xf32>,
        %get3A_884 = vector.shape_cast %get3A_883 : vector<1x1x16xf32> to vector<16xf32>
        %slice3A_885 = vector.extract_strided_slice %get3A_267 {offsets = [8], sizes = [1], strides = [1]} : vector<16xf32> to vector<1xf32>
        %squeeze3A_886 = vector.extract %slice3A_885[0] : f32 from vector<1xf32>
        %mul3A_887 = vector.broadcast %squeeze3A_886 : f32 to vector<16xf32>
        %mul3A_888 = arith.mulf %get3A_884, %mul3A_887 : vector<16xf32>
        %add3A_889 = arith.addf %mul3A_878, %mul3A_888 : vector<16xf32>
        %get3A_890 = arith.constant 2 : i32
        %get3A_891 = arith.index_cast %get3A_890 : i32 to index
        %get3A_892 = arith.index_cast %add3A_868 : i32 to index
        %get3A_893 = arith.constant 0 : index
        %get3A_894 = tpu.vector_load %arg14[%get3A_891, %get3A_892, %get3A_893] {strides = array<i32>} : memref<6x128x16xf32, #tpu.memory_space<vmem>>, vector<1x1x16xf32>,
        %get3A_895 = vector.shape_cast %get3A_894 : vector<1x1x16xf32> to vector<16xf32>
        %slice3A_896 = vector.extract_strided_slice %get3A_273 {offsets = [8], sizes = [1], strides = [1]} : vector<16xf32> to vector<1xf32>
        %squeeze3A_897 = vector.extract %slice3A_896[0] : f32 from vector<1xf32>
        %mul3A_898 = vector.broadcast %squeeze3A_897 : f32 to vector<16xf32>
        %mul3A_899 = arith.mulf %get3A_895, %mul3A_898 : vector<16xf32>
        %add3A_900 = arith.addf %add3A_889, %mul3A_899 : vector<16xf32>
        %get3A_901 = arith.constant 3 : i32
        %get3A_902 = arith.index_cast %get3A_901 : i32 to index
        %get3A_903 = arith.index_cast %add3A_868 : i32 to index
        %get3A_904 = arith.constant 0 : index
        %get3A_905 = tpu.vector_load %arg14[%get3A_902, %get3A_903, %get3A_904] {strides = array<i32>} : memref<6x128x16xf32, #tpu.memory_space<vmem>>, vector<1x1x16xf32>,
        %get3A_906 = vector.shape_cast %get3A_905 : vector<1x1x16xf32> to vector<16xf32>
        %slice3A_907 = vector.extract_strided_slice %get3A_279 {offsets = [8], sizes = [1], strides = [1]} : vector<16xf32> to vector<1xf32>
        %squeeze3A_908 = vector.extract %slice3A_907[0] : f32 from vector<1xf32>
        %mul3A_909 = vector.broadcast %squeeze3A_908 : f32 to vector<16xf32>
        %mul3A_910 = arith.mulf %get3A_906, %mul3A_909 : vector<16xf32>
        %add3A_911 = arith.addf %add3A_900, %mul3A_910 : vector<16xf32>
        %get3A_912 = arith.constant 4 : i32
        %get3A_913 = arith.index_cast %get3A_912 : i32 to index
        %get3A_914 = arith.index_cast %add3A_868 : i32 to index
        %get3A_915 = arith.constant 0 : index
        %get3A_916 = tpu.vector_load %arg14[%get3A_913, %get3A_914, %get3A_915] {strides = array<i32>} : memref<6x128x16xf32, #tpu.memory_space<vmem>>, vector<1x1x16xf32>,
        %get3A_917 = vector.shape_cast %get3A_916 : vector<1x1x16xf32> to vector<16xf32>
        %slice3A_918 = vector.extract_strided_slice %get3A_285 {offsets = [8], sizes = [1], strides = [1]} : vector<16xf32> to vector<1xf32>
        %squeeze3A_919 = vector.extract %slice3A_918[0] : f32 from vector<1xf32>
        %mul3A_920 = vector.broadcast %squeeze3A_919 : f32 to vector<16xf32>
        %mul3A_921 = arith.mulf %get3A_917, %mul3A_920 : vector<16xf32>
        %add3A_922 = arith.addf %add3A_911, %mul3A_921 : vector<16xf32>
        %get3A_923 = arith.constant 5 : i32
        %get3A_924 = arith.index_cast %get3A_923 : i32 to index
        %get3A_925 = arith.index_cast %add3A_868 : i32 to index
        %get3A_926 = arith.constant 0 : index
        %get3A_927 = tpu.vector_load %arg14[%get3A_924, %get3A_925, %get3A_926] {strides = array<i32>} : memref<6x128x16xf32, #tpu.memory_space<vmem>>, vector<1x1x16xf32>,
        %get3A_928 = vector.shape_cast %get3A_927 : vector<1x1x16xf32> to vector<16xf32>
        %slice3A_929 = vector.extract_strided_slice %get3A_291 {offsets = [8], sizes = [1], strides = [1]} : vector<16xf32> to vector<1xf32>
        %squeeze3A_930 = vector.extract %slice3A_929[0] : f32 from vector<1xf32>
        %mul3A_931 = vector.broadcast %squeeze3A_930 : f32 to vector<16xf32>
        %mul3A_932 = arith.mulf %get3A_928, %mul3A_931 : vector<16xf32>
        %add3A_933 = arith.addf %add3A_922, %mul3A_932 : vector<16xf32>
        %swap3A_934 = arith.index_cast %add3A_868 : i32 to index
        %swap3A_935 = arith.constant 0 : index
        %swap3A_936 = tpu.vector_load %arg15[%swap3A_934, %swap3A_935] {strides = array<i32>} : memref<128x16xf32, #tpu.memory_space<vmem>>, vector<1x16xf32>,
        %swap3A_937 = vector.shape_cast %swap3A_936 : vector<1x16xf32> to vector<16xf32>
        %swap3A_938 = vector.shape_cast %add3A_933 : vector<16xf32> to vector<1x16xf32>
        tpu.vector_store %arg15[%swap3A_934, %swap3A_935], %swap3A_938 {strides = array<i32>} : memref<128x16xf32, #tpu.memory_space<vmem>>, vector<1x16xf32>,
        %add3A_939 = arith.constant 9 : i32
        %add3A_940 = arith.addi %mul3A_255, %add3A_939 : i32
        %get3A_941 = arith.constant 0 : i32
        %get3A_942 = arith.index_cast %get3A_941 : i32 to index
        %get3A_943 = arith.index_cast %add3A_940 : i32 to index
        %get3A_944 = arith.constant 0 : index
        %get3A_945 = tpu.vector_load %arg14[%get3A_942, %get3A_943, %get3A_944] {strides = array<i32>} : memref<6x128x16xf32, #tpu.memory_space<vmem>>, vector<1x1x16xf32>,
        %get3A_946 = vector.shape_cast %get3A_945 : vector<1x1x16xf32> to vector<16xf32>
        %slice3A_947 = vector.extract_strided_slice %get3A_261 {offsets = [9], sizes = [1], strides = [1]} : vector<16xf32> to vector<1xf32>
        %squeeze3A_948 = vector.extract %slice3A_947[0] : f32 from vector<1xf32>
        %mul3A_949 = vector.broadcast %squeeze3A_948 : f32 to vector<16xf32>
        %mul3A_950 = arith.mulf %get3A_946, %mul3A_949 : vector<16xf32>
        %get3A_951 = arith.constant 1 : i32
        %get3A_952 = arith.index_cast %get3A_951 : i32 to index
        %get3A_953 = arith.index_cast %add3A_940 : i32 to index
        %get3A_954 = arith.constant 0 : index
        %get3A_955 = tpu.vector_load %arg14[%get3A_952, %get3A_953, %get3A_954] {strides = array<i32>} : memref<6x128x16xf32, #tpu.memory_space<vmem>>, vector<1x1x16xf32>,
        %get3A_956 = vector.shape_cast %get3A_955 : vector<1x1x16xf32> to vector<16xf32>
        %slice3A_957 = vector.extract_strided_slice %get3A_267 {offsets = [9], sizes = [1], strides = [1]} : vector<16xf32> to vector<1xf32>
        %squeeze3A_958 = vector.extract %slice3A_957[0] : f32 from vector<1xf32>
        %mul3A_959 = vector.broadcast %squeeze3A_958 : f32 to vector<16xf32>
        %mul3A_960 = arith.mulf %get3A_956, %mul3A_959 : vector<16xf32>
        %add3A_961 = arith.addf %mul3A_950, %mul3A_960 : vector<16xf32>
        %get3A_962 = arith.constant 2 : i32
        %get3A_963 = arith.index_cast %get3A_962 : i32 to index
        %get3A_964 = arith.index_cast %add3A_940 : i32 to index
        %get3A_965 = arith.constant 0 : index
        %get3A_966 = tpu.vector_load %arg14[%get3A_963, %get3A_964, %get3A_965] {strides = array<i32>} : memref<6x128x16xf32, #tpu.memory_space<vmem>>, vector<1x1x16xf32>,
        %get3A_967 = vector.shape_cast %get3A_966 : vector<1x1x16xf32> to vector<16xf32>
        %slice3A_968 = vector.extract_strided_slice %get3A_273 {offsets = [9], sizes = [1], strides = [1]} : vector<16xf32> to vector<1xf32>
        %squeeze3A_969 = vector.extract %slice3A_968[0] : f32 from vector<1xf32>
        %mul3A_970 = vector.broadcast %squeeze3A_969 : f32 to vector<16xf32>
        %mul3A_971 = arith.mulf %get3A_967, %mul3A_970 : vector<16xf32>
        %add3A_972 = arith.addf %add3A_961, %mul3A_971 : vector<16xf32>
        %get3A_973 = arith.constant 3 : i32
        %get3A_974 = arith.index_cast %get3A_973 : i32 to index
        %get3A_975 = arith.index_cast %add3A_940 : i32 to index
        %get3A_976 = arith.constant 0 : index
        %get3A_977 = tpu.vector_load %arg14[%get3A_974, %get3A_975, %get3A_976] {strides = array<i32>} : memref<6x128x16xf32, #tpu.memory_space<vmem>>, vector<1x1x16xf32>,
        %get3A_978 = vector.shape_cast %get3A_977 : vector<1x1x16xf32> to vector<16xf32>
        %slice3A_979 = vector.extract_strided_slice %get3A_279 {offsets = [9], sizes = [1], strides = [1]} : vector<16xf32> to vector<1xf32>
        %squeeze3A_980 = vector.extract %slice3A_979[0] : f32 from vector<1xf32>
        %mul3A_981 = vector.broadcast %squeeze3A_980 : f32 to vector<16xf32>
        %mul3A_982 = arith.mulf %get3A_978, %mul3A_981 : vector<16xf32>
        %add3A_983 = arith.addf %add3A_972, %mul3A_982 : vector<16xf32>
        %get3A_984 = arith.constant 4 : i32
        %get3A_985 = arith.index_cast %get3A_984 : i32 to index
        %get3A_986 = arith.index_cast %add3A_940 : i32 to index
        %get3A_987 = arith.constant 0 : index
        %get3A_988 = tpu.vector_load %arg14[%get3A_985, %get3A_986, %get3A_987] {strides = array<i32>} : memref<6x128x16xf32, #tpu.memory_space<vmem>>, vector<1x1x16xf32>,
        %get3A_989 = vector.shape_cast %get3A_988 : vector<1x1x16xf32> to vector<16xf32>
        %slice3A_990 = vector.extract_strided_slice %get3A_285 {offsets = [9], sizes = [1], strides = [1]} : vector<16xf32> to vector<1xf32>
        %squeeze3A_991 = vector.extract %slice3A_990[0] : f32 from vector<1xf32>
        %mul3A_992 = vector.broadcast %squeeze3A_991 : f32 to vector<16xf32>
        %mul3A_993 = arith.mulf %get3A_989, %mul3A_992 : vector<16xf32>
        %add3A_994 = arith.addf %add3A_983, %mul3A_993 : vector<16xf32>
        %get3A_995 = arith.constant 5 : i32
        %get3A_996 = arith.index_cast %get3A_995 : i32 to index
        %get3A_997 = arith.index_cast %add3A_940 : i32 to index
        %get3A_998 = arith.constant 0 : index
        %get3A_999 = tpu.vector_load %arg14[%get3A_996, %get3A_997, %get3A_998] {strides = array<i32>} : memref<6x128x16xf32, #tpu.memory_space<vmem>>, vector<1x1x16xf32>,
        %get3A_1000 = vector.shape_cast %get3A_999 : vector<1x1x16xf32> to vector<16xf32>
        %slice3A_1001 = vector.extract_strided_slice %get3A_291 {offsets = [9], sizes = [1], strides = [1]} : vector<16xf32> to vector<1xf32>
        %squeeze3A_1002 = vector.extract %slice3A_1001[0] : f32 from vector<1xf32>
        %mul3A_1003 = vector.broadcast %squeeze3A_1002 : f32 to vector<16xf32>
        %mul3A_1004 = arith.mulf %get3A_1000, %mul3A_1003 : vector<16xf32>
        %add3A_1005 = arith.addf %add3A_994, %mul3A_1004 : vector<16xf32>
        %swap3A_1006 = arith.index_cast %add3A_940 : i32 to index
        %swap3A_1007 = arith.constant 0 : index
        %swap3A_1008 = tpu.vector_load %arg15[%swap3A_1006, %swap3A_1007] {strides = array<i32>} : memref<128x16xf32, #tpu.memory_space<vmem>>, vector<1x16xf32>,
        %swap3A_1009 = vector.shape_cast %swap3A_1008 : vector<1x16xf32> to vector<16xf32>
        %swap3A_1010 = vector.shape_cast %add3A_1005 : vector<16xf32> to vector<1x16xf32>
        tpu.vector_store %arg15[%swap3A_1006, %swap3A_1007], %swap3A_1010 {strides = array<i32>} : memref<128x16xf32, #tpu.memory_space<vmem>>, vector<1x16xf32>,
        %add3A_1011 = arith.constant 10 : i32
        %add3A_1012 = arith.addi %mul3A_255, %add3A_1011 : i32
        %get3A_1013 = arith.constant 0 : i32
        %get3A_1014 = arith.index_cast %get3A_1013 : i32 to index
        %get3A_1015 = arith.index_cast %add3A_1012 : i32 to index
        %get3A_1016 = arith.constant 0 : index
        %get3A_1017 = tpu.vector_load %arg14[%get3A_1014, %get3A_1015, %get3A_1016] {strides = array<i32>} : memref<6x128x16xf32, #tpu.memory_space<vmem>>, vector<1x1x16xf32>,
        %get3A_1018 = vector.shape_cast %get3A_1017 : vector<1x1x16xf32> to vector<16xf32>
        %slice3A_1019 = vector.extract_strided_slice %get3A_261 {offsets = [10], sizes = [1], strides = [1]} : vector<16xf32> to vector<1xf32>
        %squeeze3A_1020 = vector.extract %slice3A_1019[0] : f32 from vector<1xf32>
        %mul3A_1021 = vector.broadcast %squeeze3A_1020 : f32 to vector<16xf32>
        %mul3A_1022 = arith.mulf %get3A_1018, %mul3A_1021 : vector<16xf32>
        %get3A_1023 = arith.constant 1 : i32
        %get3A_1024 = arith.index_cast %get3A_1023 : i32 to index
        %get3A_1025 = arith.index_cast %add3A_1012 : i32 to index
        %get3A_1026 = arith.constant 0 : index
        %get3A_1027 = tpu.vector_load %arg14[%get3A_1024, %get3A_1025, %get3A_1026] {strides = array<i32>} : memref<6x128x16xf32, #tpu.memory_space<vmem>>, vector<1x1x16xf32>,
        %get3A_1028 = vector.shape_cast %get3A_1027 : vector<1x1x16xf32> to vector<16xf32>
        %slice3A_1029 = vector.extract_strided_slice %get3A_267 {offsets = [10], sizes = [1], strides = [1]} : vector<16xf32> to vector<1xf32>
        %squeeze3A_1030 = vector.extract %slice3A_1029[0] : f32 from vector<1xf32>
        %mul3A_1031 = vector.broadcast %squeeze3A_1030 : f32 to vector<16xf32>
        %mul3A_1032 = arith.mulf %get3A_1028, %mul3A_1031 : vector<16xf32>
        %add3A_1033 = arith.addf %mul3A_1022, %mul3A_1032 : vector<16xf32>
        %get3A_1034 = arith.constant 2 : i32
        %get3A_1035 = arith.index_cast %get3A_1034 : i32 to index
        %get3A_1036 = arith.index_cast %add3A_1012 : i32 to index
        %get3A_1037 = arith.constant 0 : index
        %get3A_1038 = tpu.vector_load %arg14[%get3A_1035, %get3A_1036, %get3A_1037] {strides = array<i32>} : memref<6x128x16xf32, #tpu.memory_space<vmem>>, vector<1x1x16xf32>,
        %get3A_1039 = vector.shape_cast %get3A_1038 : vector<1x1x16xf32> to vector<16xf32>
        %slice3A_1040 = vector.extract_strided_slice %get3A_273 {offsets = [10], sizes = [1], strides = [1]} : vector<16xf32> to vector<1xf32>
        %squeeze3A_1041 = vector.extract %slice3A_1040[0] : f32 from vector<1xf32>
        %mul3A_1042 = vector.broadcast %squeeze3A_1041 : f32 to vector<16xf32>
        %mul3A_1043 = arith.mulf %get3A_1039, %mul3A_1042 : vector<16xf32>
        %add3A_1044 = arith.addf %add3A_1033, %mul3A_1043 : vector<16xf32>
        %get3A_1045 = arith.constant 3 : i32
        %get3A_1046 = arith.index_cast %get3A_1045 : i32 to index
        %get3A_1047 = arith.index_cast %add3A_1012 : i32 to index
        %get3A_1048 = arith.constant 0 : index
        %get3A_1049 = tpu.vector_load %arg14[%get3A_1046, %get3A_1047, %get3A_1048] {strides = array<i32>} : memref<6x128x16xf32, #tpu.memory_space<vmem>>, vector<1x1x16xf32>,
        %get3A_1050 = vector.shape_cast %get3A_1049 : vector<1x1x16xf32> to vector<16xf32>
        %slice3A_1051 = vector.extract_strided_slice %get3A_279 {offsets = [10], sizes = [1], strides = [1]} : vector<16xf32> to vector<1xf32>
        %squeeze3A_1052 = vector.extract %slice3A_1051[0] : f32 from vector<1xf32>
        %mul3A_1053 = vector.broadcast %squeeze3A_1052 : f32 to vector<16xf32>
        %mul3A_1054 = arith.mulf %get3A_1050, %mul3A_1053 : vector<16xf32>
        %add3A_1055 = arith.addf %add3A_1044, %mul3A_1054 : vector<16xf32>
        %get3A_1056 = arith.constant 4 : i32
        %get3A_1057 = arith.index_cast %get3A_1056 : i32 to index
        %get3A_1058 = arith.index_cast %add3A_1012 : i32 to index
        %get3A_1059 = arith.constant 0 : index
        %get3A_1060 = tpu.vector_load %arg14[%get3A_1057, %get3A_1058, %get3A_1059] {strides = array<i32>} : memref<6x128x16xf32, #tpu.memory_space<vmem>>, vector<1x1x16xf32>,
        %get3A_1061 = vector.shape_cast %get3A_1060 : vector<1x1x16xf32> to vector<16xf32>
        %slice3A_1062 = vector.extract_strided_slice %get3A_285 {offsets = [10], sizes = [1], strides = [1]} : vector<16xf32> to vector<1xf32>
        %squeeze3A_1063 = vector.extract %slice3A_1062[0] : f32 from vector<1xf32>
        %mul3A_1064 = vector.broadcast %squeeze3A_1063 : f32 to vector<16xf32>
        %mul3A_1065 = arith.mulf %get3A_1061, %mul3A_1064 : vector<16xf32>
        %add3A_1066 = arith.addf %add3A_1055, %mul3A_1065 : vector<16xf32>
        %get3A_1067 = arith.constant 5 : i32
        %get3A_1068 = arith.index_cast %get3A_1067 : i32 to index
        %get3A_1069 = arith.index_cast %add3A_1012 : i32 to index
        %get3A_1070 = arith.constant 0 : index
        %get3A_1071 = tpu.vector_load %arg14[%get3A_1068, %get3A_1069, %get3A_1070] {strides = array<i32>} : memref<6x128x16xf32, #tpu.memory_space<vmem>>, vector<1x1x16xf32>,
        %get3A_1072 = vector.shape_cast %get3A_1071 : vector<1x1x16xf32> to vector<16xf32>
        %slice3A_1073 = vector.extract_strided_slice %get3A_291 {offsets = [10], sizes = [1], strides = [1]} : vector<16xf32> to vector<1xf32>
        %squeeze3A_1074 = vector.extract %slice3A_1073[0] : f32 from vector<1xf32>
        %mul3A_1075 = vector.broadcast %squeeze3A_1074 : f32 to vector<16xf32>
        %mul3A_1076 = arith.mulf %get3A_1072, %mul3A_1075 : vector<16xf32>
        %add3A_1077 = arith.addf %add3A_1066, %mul3A_1076 : vector<16xf32>
        %swap3A_1078 = arith.index_cast %add3A_1012 : i32 to index
        %swap3A_1079 = arith.constant 0 : index
        %swap3A_1080 = tpu.vector_load %arg15[%swap3A_1078, %swap3A_1079] {strides = array<i32>} : memref<128x16xf32, #tpu.memory_space<vmem>>, vector<1x16xf32>,
        %swap3A_1081 = vector.shape_cast %swap3A_1080 : vector<1x16xf32> to vector<16xf32>
        %swap3A_1082 = vector.shape_cast %add3A_1077 : vector<16xf32> to vector<1x16xf32>
        tpu.vector_store %arg15[%swap3A_1078, %swap3A_1079], %swap3A_1082 {strides = array<i32>} : memref<128x16xf32, #tpu.memory_space<vmem>>, vector<1x16xf32>,
        %add3A_1083 = arith.constant 11 : i32
        %add3A_1084 = arith.addi %mul3A_255, %add3A_1083 : i32
        %get3A_1085 = arith.constant 0 : i32
        %get3A_1086 = arith.index_cast %get3A_1085 : i32 to index
        %get3A_1087 = arith.index_cast %add3A_1084 : i32 to index
        %get3A_1088 = arith.constant 0 : index
        %get3A_1089 = tpu.vector_load %arg14[%get3A_1086, %get3A_1087, %get3A_1088] {strides = array<i32>} : memref<6x128x16xf32, #tpu.memory_space<vmem>>, vector<1x1x16xf32>,
        %get3A_1090 = vector.shape_cast %get3A_1089 : vector<1x1x16xf32> to vector<16xf32>
        %slice3A_1091 = vector.extract_strided_slice %get3A_261 {offsets = [11], sizes = [1], strides = [1]} : vector<16xf32> to vector<1xf32>
        %squeeze3A_1092 = vector.extract %slice3A_1091[0] : f32 from vector<1xf32>
        %mul3A_1093 = vector.broadcast %squeeze3A_1092 : f32 to vector<16xf32>
        %mul3A_1094 = arith.mulf %get3A_1090, %mul3A_1093 : vector<16xf32>
        %get3A_1095 = arith.constant 1 : i32
        %get3A_1096 = arith.index_cast %get3A_1095 : i32 to index
        %get3A_1097 = arith.index_cast %add3A_1084 : i32 to index
        %get3A_1098 = arith.constant 0 : index
        %get3A_1099 = tpu.vector_load %arg14[%get3A_1096, %get3A_1097, %get3A_1098] {strides = array<i32>} : memref<6x128x16xf32, #tpu.memory_space<vmem>>, vector<1x1x16xf32>,
        %get3A_1100 = vector.shape_cast %get3A_1099 : vector<1x1x16xf32> to vector<16xf32>
        %slice3A_1101 = vector.extract_strided_slice %get3A_267 {offsets = [11], sizes = [1], strides = [1]} : vector<16xf32> to vector<1xf32>
        %squeeze3A_1102 = vector.extract %slice3A_1101[0] : f32 from vector<1xf32>
        %mul3A_1103 = vector.broadcast %squeeze3A_1102 : f32 to vector<16xf32>
        %mul3A_1104 = arith.mulf %get3A_1100, %mul3A_1103 : vector<16xf32>
        %add3A_1105 = arith.addf %mul3A_1094, %mul3A_1104 : vector<16xf32>
        %get3A_1106 = arith.constant 2 : i32
        %get3A_1107 = arith.index_cast %get3A_1106 : i32 to index
        %get3A_1108 = arith.index_cast %add3A_1084 : i32 to index
        %get3A_1109 = arith.constant 0 : index
        %get3A_1110 = tpu.vector_load %arg14[%get3A_1107, %get3A_1108, %get3A_1109] {strides = array<i32>} : memref<6x128x16xf32, #tpu.memory_space<vmem>>, vector<1x1x16xf32>,
        %get3A_1111 = vector.shape_cast %get3A_1110 : vector<1x1x16xf32> to vector<16xf32>
        %slice3A_1112 = vector.extract_strided_slice %get3A_273 {offsets = [11], sizes = [1], strides = [1]} : vector<16xf32> to vector<1xf32>
        %squeeze3A_1113 = vector.extract %slice3A_1112[0] : f32 from vector<1xf32>
        %mul3A_1114 = vector.broadcast %squeeze3A_1113 : f32 to vector<16xf32>
        %mul3A_1115 = arith.mulf %get3A_1111, %mul3A_1114 : vector<16xf32>
        %add3A_1116 = arith.addf %add3A_1105, %mul3A_1115 : vector<16xf32>
        %get3A_1117 = arith.constant 3 : i32
        %get3A_1118 = arith.index_cast %get3A_1117 : i32 to index
        %get3A_1119 = arith.index_cast %add3A_1084 : i32 to index
        %get3A_1120 = arith.constant 0 : index
        %get3A_1121 = tpu.vector_load %arg14[%get3A_1118, %get3A_1119, %get3A_1120] {strides = array<i32>} : memref<6x128x16xf32, #tpu.memory_space<vmem>>, vector<1x1x16xf32>,
        %get3A_1122 = vector.shape_cast %get3A_1121 : vector<1x1x16xf32> to vector<16xf32>
        %slice3A_1123 = vector.extract_strided_slice %get3A_279 {offsets = [11], sizes = [1], strides = [1]} : vector<16xf32> to vector<1xf32>
        %squeeze3A_1124 = vector.extract %slice3A_1123[0] : f32 from vector<1xf32>
        %mul3A_1125 = vector.broadcast %squeeze3A_1124 : f32 to vector<16xf32>
        %mul3A_1126 = arith.mulf %get3A_1122, %mul3A_1125 : vector<16xf32>
        %add3A_1127 = arith.addf %add3A_1116, %mul3A_1126 : vector<16xf32>
        %get3A_1128 = arith.constant 4 : i32
        %get3A_1129 = arith.index_cast %get3A_1128 : i32 to index
        %get3A_1130 = arith.index_cast %add3A_1084 : i32 to index
        %get3A_1131 = arith.constant 0 : index
        %get3A_1132 = tpu.vector_load %arg14[%get3A_1129, %get3A_1130, %get3A_1131] {strides = array<i32>} : memref<6x128x16xf32, #tpu.memory_space<vmem>>, vector<1x1x16xf32>,
        %get3A_1133 = vector.shape_cast %get3A_1132 : vector<1x1x16xf32> to vector<16xf32>
        %slice3A_1134 = vector.extract_strided_slice %get3A_285 {offsets = [11], sizes = [1], strides = [1]} : vector<16xf32> to vector<1xf32>
        %squeeze3A_1135 = vector.extract %slice3A_1134[0] : f32 from vector<1xf32>
        %mul3A_1136 = vector.broadcast %squeeze3A_1135 : f32 to vector<16xf32>
        %mul3A_1137 = arith.mulf %get3A_1133, %mul3A_1136 : vector<16xf32>
        %add3A_1138 = arith.addf %add3A_1127, %mul3A_1137 : vector<16xf32>
        %get3A_1139 = arith.constant 5 : i32
        %get3A_1140 = arith.index_cast %get3A_1139 : i32 to index
        %get3A_1141 = arith.index_cast %add3A_1084 : i32 to index
        %get3A_1142 = arith.constant 0 : index
        %get3A_1143 = tpu.vector_load %arg14[%get3A_1140, %get3A_1141, %get3A_1142] {strides = array<i32>} : memref<6x128x16xf32, #tpu.memory_space<vmem>>, vector<1x1x16xf32>,
        %get3A_1144 = vector.shape_cast %get3A_1143 : vector<1x1x16xf32> to vector<16xf32>
        %slice3A_1145 = vector.extract_strided_slice %get3A_291 {offsets = [11], sizes = [1], strides = [1]} : vector<16xf32> to vector<1xf32>
        %squeeze3A_1146 = vector.extract %slice3A_1145[0] : f32 from vector<1xf32>
        %mul3A_1147 = vector.broadcast %squeeze3A_1146 : f32 to vector<16xf32>
        %mul3A_1148 = arith.mulf %get3A_1144, %mul3A_1147 : vector<16xf32>
        %add3A_1149 = arith.addf %add3A_1138, %mul3A_1148 : vector<16xf32>
        %swap3A_1150 = arith.index_cast %add3A_1084 : i32 to index
        %swap3A_1151 = arith.constant 0 : index
        %swap3A_1152 = tpu.vector_load %arg15[%swap3A_1150, %swap3A_1151] {strides = array<i32>} : memref<128x16xf32, #tpu.memory_space<vmem>>, vector<1x16xf32>,
        %swap3A_1153 = vector.shape_cast %swap3A_1152 : vector<1x16xf32> to vector<16xf32>
        %swap3A_1154 = vector.shape_cast %add3A_1149 : vector<16xf32> to vector<1x16xf32>
        tpu.vector_store %arg15[%swap3A_1150, %swap3A_1151], %swap3A_1154 {strides = array<i32>} : memref<128x16xf32, #tpu.memory_space<vmem>>, vector<1x16xf32>,
        %add3A_1155 = arith.constant 12 : i32
        %add3A_1156 = arith.addi %mul3A_255, %add3A_1155 : i32
        %get3A_1157 = arith.constant 0 : i32
        %get3A_1158 = arith.index_cast %get3A_1157 : i32 to index
        %get3A_1159 = arith.index_cast %add3A_1156 : i32 to index
        %get3A_1160 = arith.constant 0 : index
        %get3A_1161 = tpu.vector_load %arg14[%get3A_1158, %get3A_1159, %get3A_1160] {strides = array<i32>} : memref<6x128x16xf32, #tpu.memory_space<vmem>>, vector<1x1x16xf32>,
        %get3A_1162 = vector.shape_cast %get3A_1161 : vector<1x1x16xf32> to vector<16xf32>
        %slice3A_1163 = vector.extract_strided_slice %get3A_261 {offsets = [12], sizes = [1], strides = [1]} : vector<16xf32> to vector<1xf32>
        %squeeze3A_1164 = vector.extract %slice3A_1163[0] : f32 from vector<1xf32>
        %mul3A_1165 = vector.broadcast %squeeze3A_1164 : f32 to vector<16xf32>
        %mul3A_1166 = arith.mulf %get3A_1162, %mul3A_1165 : vector<16xf32>
        %get3A_1167 = arith.constant 1 : i32
        %get3A_1168 = arith.index_cast %get3A_1167 : i32 to index
        %get3A_1169 = arith.index_cast %add3A_1156 : i32 to index
        %get3A_1170 = arith.constant 0 : index
        %get3A_1171 = tpu.vector_load %arg14[%get3A_1168, %get3A_1169, %get3A_1170] {strides = array<i32>} : memref<6x128x16xf32, #tpu.memory_space<vmem>>, vector<1x1x16xf32>,
        %get3A_1172 = vector.shape_cast %get3A_1171 : vector<1x1x16xf32> to vector<16xf32>
        %slice3A_1173 = vector.extract_strided_slice %get3A_267 {offsets = [12], sizes = [1], strides = [1]} : vector<16xf32> to vector<1xf32>
        %squeeze3A_1174 = vector.extract %slice3A_1173[0] : f32 from vector<1xf32>
        %mul3A_1175 = vector.broadcast %squeeze3A_1174 : f32 to vector<16xf32>
        %mul3A_1176 = arith.mulf %get3A_1172, %mul3A_1175 : vector<16xf32>
        %add3A_1177 = arith.addf %mul3A_1166, %mul3A_1176 : vector<16xf32>
        %get3A_1178 = arith.constant 2 : i32
        %get3A_1179 = arith.index_cast %get3A_1178 : i32 to index
        %get3A_1180 = arith.index_cast %add3A_1156 : i32 to index
        %get3A_1181 = arith.constant 0 : index
        %get3A_1182 = tpu.vector_load %arg14[%get3A_1179, %get3A_1180, %get3A_1181] {strides = array<i32>} : memref<6x128x16xf32, #tpu.memory_space<vmem>>, vector<1x1x16xf32>,
        %get3A_1183 = vector.shape_cast %get3A_1182 : vector<1x1x16xf32> to vector<16xf32>
        %slice3A_1184 = vector.extract_strided_slice %get3A_273 {offsets = [12], sizes = [1], strides = [1]} : vector<16xf32> to vector<1xf32>
        %squeeze3A_1185 = vector.extract %slice3A_1184[0] : f32 from vector<1xf32>
        %mul3A_1186 = vector.broadcast %squeeze3A_1185 : f32 to vector<16xf32>
        %mul3A_1187 = arith.mulf %get3A_1183, %mul3A_1186 : vector<16xf32>
        %add3A_1188 = arith.addf %add3A_1177, %mul3A_1187 : vector<16xf32>
        %get3A_1189 = arith.constant 3 : i32
        %get3A_1190 = arith.index_cast %get3A_1189 : i32 to index
        %get3A_1191 = arith.index_cast %add3A_1156 : i32 to index
        %get3A_1192 = arith.constant 0 : index
        %get3A_1193 = tpu.vector_load %arg14[%get3A_1190, %get3A_1191, %get3A_1192] {strides = array<i32>} : memref<6x128x16xf32, #tpu.memory_space<vmem>>, vector<1x1x16xf32>,
        %get3A_1194 = vector.shape_cast %get3A_1193 : vector<1x1x16xf32> to vector<16xf32>
        %slice3A_1195 = vector.extract_strided_slice %get3A_279 {offsets = [12], sizes = [1], strides = [1]} : vector<16xf32> to vector<1xf32>
        %squeeze3A_1196 = vector.extract %slice3A_1195[0] : f32 from vector<1xf32>
        %mul3A_1197 = vector.broadcast %squeeze3A_1196 : f32 to vector<16xf32>
        %mul3A_1198 = arith.mulf %get3A_1194, %mul3A_1197 : vector<16xf32>
        %add3A_1199 = arith.addf %add3A_1188, %mul3A_1198 : vector<16xf32>
        %get3A_1200 = arith.constant 4 : i32
        %get3A_1201 = arith.index_cast %get3A_1200 : i32 to index
        %get3A_1202 = arith.index_cast %add3A_1156 : i32 to index
        %get3A_1203 = arith.constant 0 : index
        %get3A_1204 = tpu.vector_load %arg14[%get3A_1201, %get3A_1202, %get3A_1203] {strides = array<i32>} : memref<6x128x16xf32, #tpu.memory_space<vmem>>, vector<1x1x16xf32>,
        %get3A_1205 = vector.shape_cast %get3A_1204 : vector<1x1x16xf32> to vector<16xf32>
        %slice3A_1206 = vector.extract_strided_slice %get3A_285 {offsets = [12], sizes = [1], strides = [1]} : vector<16xf32> to vector<1xf32>
        %squeeze3A_1207 = vector.extract %slice3A_1206[0] : f32 from vector<1xf32>
        %mul3A_1208 = vector.broadcast %squeeze3A_1207 : f32 to vector<16xf32>
        %mul3A_1209 = arith.mulf %get3A_1205, %mul3A_1208 : vector<16xf32>
        %add3A_1210 = arith.addf %add3A_1199, %mul3A_1209 : vector<16xf32>
        %get3A_1211 = arith.constant 5 : i32
        %get3A_1212 = arith.index_cast %get3A_1211 : i32 to index
        %get3A_1213 = arith.index_cast %add3A_1156 : i32 to index
        %get3A_1214 = arith.constant 0 : index
        %get3A_1215 = tpu.vector_load %arg14[%get3A_1212, %get3A_1213, %get3A_1214] {strides = array<i32>} : memref<6x128x16xf32, #tpu.memory_space<vmem>>, vector<1x1x16xf32>,
        %get3A_1216 = vector.shape_cast %get3A_1215 : vector<1x1x16xf32> to vector<16xf32>
        %slice3A_1217 = vector.extract_strided_slice %get3A_291 {offsets = [12], sizes = [1], strides = [1]} : vector<16xf32> to vector<1xf32>
        %squeeze3A_1218 = vector.extract %slice3A_1217[0] : f32 from vector<1xf32>
        %mul3A_1219 = vector.broadcast %squeeze3A_1218 : f32 to vector<16xf32>
        %mul3A_1220 = arith.mulf %get3A_1216, %mul3A_1219 : vector<16xf32>
        %add3A_1221 = arith.addf %add3A_1210, %mul3A_1220 : vector<16xf32>
        %swap3A_1222 = arith.index_cast %add3A_1156 : i32 to index
        %swap3A_1223 = arith.constant 0 : index
        %swap3A_1224 = tpu.vector_load %arg15[%swap3A_1222, %swap3A_1223] {strides = array<i32>} : memref<128x16xf32, #tpu.memory_space<vmem>>, vector<1x16xf32>,
        %swap3A_1225 = vector.shape_cast %swap3A_1224 : vector<1x16xf32> to vector<16xf32>
        %swap3A_1226 = vector.shape_cast %add3A_1221 : vector<16xf32> to vector<1x16xf32>
        tpu.vector_store %arg15[%swap3A_1222, %swap3A_1223], %swap3A_1226 {strides = array<i32>} : memref<128x16xf32, #tpu.memory_space<vmem>>, vector<1x16xf32>,
        %add3A_1227 = arith.constant 13 : i32
        %add3A_1228 = arith.addi %mul3A_255, %add3A_1227 : i32
        %get3A_1229 = arith.constant 0 : i32
        %get3A_1230 = arith.index_cast %get3A_1229 : i32 to index
        %get3A_1231 = arith.index_cast %add3A_1228 : i32 to index
        %get3A_1232 = arith.constant 0 : index
        %get3A_1233 = tpu.vector_load %arg14[%get3A_1230, %get3A_1231, %get3A_1232] {strides = array<i32>} : memref<6x128x16xf32, #tpu.memory_space<vmem>>, vector<1x1x16xf32>,
        %get3A_1234 = vector.shape_cast %get3A_1233 : vector<1x1x16xf32> to vector<16xf32>
        %slice3A_1235 = vector.extract_strided_slice %get3A_261 {offsets = [13], sizes = [1], strides = [1]} : vector<16xf32> to vector<1xf32>
        %squeeze3A_1236 = vector.extract %slice3A_1235[0] : f32 from vector<1xf32>
        %mul3A_1237 = vector.broadcast %squeeze3A_1236 : f32 to vector<16xf32>
        %mul3A_1238 = arith.mulf %get3A_1234, %mul3A_1237 : vector<16xf32>
        %get3A_1239 = arith.constant 1 : i32
        %get3A_1240 = arith.index_cast %get3A_1239 : i32 to index
        %get3A_1241 = arith.index_cast %add3A_1228 : i32 to index
        %get3A_1242 = arith.constant 0 : index
        %get3A_1243 = tpu.vector_load %arg14[%get3A_1240, %get3A_1241, %get3A_1242] {strides = array<i32>} : memref<6x128x16xf32, #tpu.memory_space<vmem>>, vector<1x1x16xf32>,
        %get3A_1244 = vector.shape_cast %get3A_1243 : vector<1x1x16xf32> to vector<16xf32>
        %slice3A_1245 = vector.extract_strided_slice %get3A_267 {offsets = [13], sizes = [1], strides = [1]} : vector<16xf32> to vector<1xf32>
        %squeeze3A_1246 = vector.extract %slice3A_1245[0] : f32 from vector<1xf32>
        %mul3A_1247 = vector.broadcast %squeeze3A_1246 : f32 to vector<16xf32>
        %mul3A_1248 = arith.mulf %get3A_1244, %mul3A_1247 : vector<16xf32>
        %add3A_1249 = arith.addf %mul3A_1238, %mul3A_1248 : vector<16xf32>
        %get3A_1250 = arith.constant 2 : i32
        %get3A_1251 = arith.index_cast %get3A_1250 : i32 to index
        %get3A_1252 = arith.index_cast %add3A_1228 : i32 to index
        %get3A_1253 = arith.constant 0 : index
        %get3A_1254 = tpu.vector_load %arg14[%get3A_1251, %get3A_1252, %get3A_1253] {strides = array<i32>} : memref<6x128x16xf32, #tpu.memory_space<vmem>>, vector<1x1x16xf32>,
        %get3A_1255 = vector.shape_cast %get3A_1254 : vector<1x1x16xf32> to vector<16xf32>
        %slice3A_1256 = vector.extract_strided_slice %get3A_273 {offsets = [13], sizes = [1], strides = [1]} : vector<16xf32> to vector<1xf32>
        %squeeze3A_1257 = vector.extract %slice3A_1256[0] : f32 from vector<1xf32>
        %mul3A_1258 = vector.broadcast %squeeze3A_1257 : f32 to vector<16xf32>
        %mul3A_1259 = arith.mulf %get3A_1255, %mul3A_1258 : vector<16xf32>
        %add3A_1260 = arith.addf %add3A_1249, %mul3A_1259 : vector<16xf32>
        %get3A_1261 = arith.constant 3 : i32
        %get3A_1262 = arith.index_cast %get3A_1261 : i32 to index
        %get3A_1263 = arith.index_cast %add3A_1228 : i32 to index
        %get3A_1264 = arith.constant 0 : index
        %get3A_1265 = tpu.vector_load %arg14[%get3A_1262, %get3A_1263, %get3A_1264] {strides = array<i32>} : memref<6x128x16xf32, #tpu.memory_space<vmem>>, vector<1x1x16xf32>,
        %get3A_1266 = vector.shape_cast %get3A_1265 : vector<1x1x16xf32> to vector<16xf32>
        %slice3A_1267 = vector.extract_strided_slice %get3A_279 {offsets = [13], sizes = [1], strides = [1]} : vector<16xf32> to vector<1xf32>
        %squeeze3A_1268 = vector.extract %slice3A_1267[0] : f32 from vector<1xf32>
        %mul3A_1269 = vector.broadcast %squeeze3A_1268 : f32 to vector<16xf32>
        %mul3A_1270 = arith.mulf %get3A_1266, %mul3A_1269 : vector<16xf32>
        %add3A_1271 = arith.addf %add3A_1260, %mul3A_1270 : vector<16xf32>
        %get3A_1272 = arith.constant 4 : i32
        %get3A_1273 = arith.index_cast %get3A_1272 : i32 to index
        %get3A_1274 = arith.index_cast %add3A_1228 : i32 to index
        %get3A_1275 = arith.constant 0 : index
        %get3A_1276 = tpu.vector_load %arg14[%get3A_1273, %get3A_1274, %get3A_1275] {strides = array<i32>} : memref<6x128x16xf32, #tpu.memory_space<vmem>>, vector<1x1x16xf32>,
        %get3A_1277 = vector.shape_cast %get3A_1276 : vector<1x1x16xf32> to vector<16xf32>
        %slice3A_1278 = vector.extract_strided_slice %get3A_285 {offsets = [13], sizes = [1], strides = [1]} : vector<16xf32> to vector<1xf32>
        %squeeze3A_1279 = vector.extract %slice3A_1278[0] : f32 from vector<1xf32>
        %mul3A_1280 = vector.broadcast %squeeze3A_1279 : f32 to vector<16xf32>
        %mul3A_1281 = arith.mulf %get3A_1277, %mul3A_1280 : vector<16xf32>
        %add3A_1282 = arith.addf %add3A_1271, %mul3A_1281 : vector<16xf32>
        %get3A_1283 = arith.constant 5 : i32
        %get3A_1284 = arith.index_cast %get3A_1283 : i32 to index
        %get3A_1285 = arith.index_cast %add3A_1228 : i32 to index
        %get3A_1286 = arith.constant 0 : index
        %get3A_1287 = tpu.vector_load %arg14[%get3A_1284, %get3A_1285, %get3A_1286] {strides = array<i32>} : memref<6x128x16xf32, #tpu.memory_space<vmem>>, vector<1x1x16xf32>,
        %get3A_1288 = vector.shape_cast %get3A_1287 : vector<1x1x16xf32> to vector<16xf32>
        %slice3A_1289 = vector.extract_strided_slice %get3A_291 {offsets = [13], sizes = [1], strides = [1]} : vector<16xf32> to vector<1xf32>
        %squeeze3A_1290 = vector.extract %slice3A_1289[0] : f32 from vector<1xf32>
        %mul3A_1291 = vector.broadcast %squeeze3A_1290 : f32 to vector<16xf32>
        %mul3A_1292 = arith.mulf %get3A_1288, %mul3A_1291 : vector<16xf32>
        %add3A_1293 = arith.addf %add3A_1282, %mul3A_1292 : vector<16xf32>
        %swap3A_1294 = arith.index_cast %add3A_1228 : i32 to index
        %swap3A_1295 = arith.constant 0 : index
        %swap3A_1296 = tpu.vector_load %arg15[%swap3A_1294, %swap3A_1295] {strides = array<i32>} : memref<128x16xf32, #tpu.memory_space<vmem>>, vector<1x16xf32>,
        %swap3A_1297 = vector.shape_cast %swap3A_1296 : vector<1x16xf32> to vector<16xf32>
        %swap3A_1298 = vector.shape_cast %add3A_1293 : vector<16xf32> to vector<1x16xf32>
        tpu.vector_store %arg15[%swap3A_1294, %swap3A_1295], %swap3A_1298 {strides = array<i32>} : memref<128x16xf32, #tpu.memory_space<vmem>>, vector<1x16xf32>,
        %add3A_1299 = arith.constant 14 : i32
        %add3A_1300 = arith.addi %mul3A_255, %add3A_1299 : i32
        %get3A_1301 = arith.constant 0 : i32
        %get3A_1302 = arith.index_cast %get3A_1301 : i32 to index
        %get3A_1303 = arith.index_cast %add3A_1300 : i32 to index
        %get3A_1304 = arith.constant 0 : index
        %get3A_1305 = tpu.vector_load %arg14[%get3A_1302, %get3A_1303, %get3A_1304] {strides = array<i32>} : memref<6x128x16xf32, #tpu.memory_space<vmem>>, vector<1x1x16xf32>,
        %get3A_1306 = vector.shape_cast %get3A_1305 : vector<1x1x16xf32> to vector<16xf32>
        %slice3A_1307 = vector.extract_strided_slice %get3A_261 {offsets = [14], sizes = [1], strides = [1]} : vector<16xf32> to vector<1xf32>
        %squeeze3A_1308 = vector.extract %slice3A_1307[0] : f32 from vector<1xf32>
        %mul3A_1309 = vector.broadcast %squeeze3A_1308 : f32 to vector<16xf32>
        %mul3A_1310 = arith.mulf %get3A_1306, %mul3A_1309 : vector<16xf32>
        %get3A_1311 = arith.constant 1 : i32
        %get3A_1312 = arith.index_cast %get3A_1311 : i32 to index
        %get3A_1313 = arith.index_cast %add3A_1300 : i32 to index
        %get3A_1314 = arith.constant 0 : index
        %get3A_1315 = tpu.vector_load %arg14[%get3A_1312, %get3A_1313, %get3A_1314] {strides = array<i32>} : memref<6x128x16xf32, #tpu.memory_space<vmem>>, vector<1x1x16xf32>,
        %get3A_1316 = vector.shape_cast %get3A_1315 : vector<1x1x16xf32> to vector<16xf32>
        %slice3A_1317 = vector.extract_strided_slice %get3A_267 {offsets = [14], sizes = [1], strides = [1]} : vector<16xf32> to vector<1xf32>
        %squeeze3A_1318 = vector.extract %slice3A_1317[0] : f32 from vector<1xf32>
        %mul3A_1319 = vector.broadcast %squeeze3A_1318 : f32 to vector<16xf32>
        %mul3A_1320 = arith.mulf %get3A_1316, %mul3A_1319 : vector<16xf32>
        %add3A_1321 = arith.addf %mul3A_1310, %mul3A_1320 : vector<16xf32>
        %get3A_1322 = arith.constant 2 : i32
        %get3A_1323 = arith.index_cast %get3A_1322 : i32 to index
        %get3A_1324 = arith.index_cast %add3A_1300 : i32 to index
        %get3A_1325 = arith.constant 0 : index
        %get3A_1326 = tpu.vector_load %arg14[%get3A_1323, %get3A_1324, %get3A_1325] {strides = array<i32>} : memref<6x128x16xf32, #tpu.memory_space<vmem>>, vector<1x1x16xf32>,
        %get3A_1327 = vector.shape_cast %get3A_1326 : vector<1x1x16xf32> to vector<16xf32>
        %slice3A_1328 = vector.extract_strided_slice %get3A_273 {offsets = [14], sizes = [1], strides = [1]} : vector<16xf32> to vector<1xf32>
        %squeeze3A_1329 = vector.extract %slice3A_1328[0] : f32 from vector<1xf32>
        %mul3A_1330 = vector.broadcast %squeeze3A_1329 : f32 to vector<16xf32>
        %mul3A_1331 = arith.mulf %get3A_1327, %mul3A_1330 : vector<16xf32>
        %add3A_1332 = arith.addf %add3A_1321, %mul3A_1331 : vector<16xf32>
        %get3A_1333 = arith.constant 3 : i32
        %get3A_1334 = arith.index_cast %get3A_1333 : i32 to index
        %get3A_1335 = arith.index_cast %add3A_1300 : i32 to index
        %get3A_1336 = arith.constant 0 : index
        %get3A_1337 = tpu.vector_load %arg14[%get3A_1334, %get3A_1335, %get3A_1336] {strides = array<i32>} : memref<6x128x16xf32, #tpu.memory_space<vmem>>, vector<1x1x16xf32>,
        %get3A_1338 = vector.shape_cast %get3A_1337 : vector<1x1x16xf32> to vector<16xf32>
        %slice3A_1339 = vector.extract_strided_slice %get3A_279 {offsets = [14], sizes = [1], strides = [1]} : vector<16xf32> to vector<1xf32>
        %squeeze3A_1340 = vector.extract %slice3A_1339[0] : f32 from vector<1xf32>
        %mul3A_1341 = vector.broadcast %squeeze3A_1340 : f32 to vector<16xf32>
        %mul3A_1342 = arith.mulf %get3A_1338, %mul3A_1341 : vector<16xf32>
        %add3A_1343 = arith.addf %add3A_1332, %mul3A_1342 : vector<16xf32>
        %get3A_1344 = arith.constant 4 : i32
        %get3A_1345 = arith.index_cast %get3A_1344 : i32 to index
        %get3A_1346 = arith.index_cast %add3A_1300 : i32 to index
        %get3A_1347 = arith.constant 0 : index
        %get3A_1348 = tpu.vector_load %arg14[%get3A_1345, %get3A_1346, %get3A_1347] {strides = array<i32>} : memref<6x128x16xf32, #tpu.memory_space<vmem>>, vector<1x1x16xf32>,
        %get3A_1349 = vector.shape_cast %get3A_1348 : vector<1x1x16xf32> to vector<16xf32>
        %slice3A_1350 = vector.extract_strided_slice %get3A_285 {offsets = [14], sizes = [1], strides = [1]} : vector<16xf32> to vector<1xf32>
        %squeeze3A_1351 = vector.extract %slice3A_1350[0] : f32 from vector<1xf32>
        %mul3A_1352 = vector.broadcast %squeeze3A_1351 : f32 to vector<16xf32>
        %mul3A_1353 = arith.mulf %get3A_1349, %mul3A_1352 : vector<16xf32>
        %add3A_1354 = arith.addf %add3A_1343, %mul3A_1353 : vector<16xf32>
        %get3A_1355 = arith.constant 5 : i32
        %get3A_1356 = arith.index_cast %get3A_1355 : i32 to index
        %get3A_1357 = arith.index_cast %add3A_1300 : i32 to index
        %get3A_1358 = arith.constant 0 : index
        %get3A_1359 = tpu.vector_load %arg14[%get3A_1356, %get3A_1357, %get3A_1358] {strides = array<i32>} : memref<6x128x16xf32, #tpu.memory_space<vmem>>, vector<1x1x16xf32>,
        %get3A_1360 = vector.shape_cast %get3A_1359 : vector<1x1x16xf32> to vector<16xf32>
        %slice3A_1361 = vector.extract_strided_slice %get3A_291 {offsets = [14], sizes = [1], strides = [1]} : vector<16xf32> to vector<1xf32>
        %squeeze3A_1362 = vector.extract %slice3A_1361[0] : f32 from vector<1xf32>
        %mul3A_1363 = vector.broadcast %squeeze3A_1362 : f32 to vector<16xf32>
        %mul3A_1364 = arith.mulf %get3A_1360, %mul3A_1363 : vector<16xf32>
        %add3A_1365 = arith.addf %add3A_1354, %mul3A_1364 : vector<16xf32>
        %swap3A_1366 = arith.index_cast %add3A_1300 : i32 to index
        %swap3A_1367 = arith.constant 0 : index
        %swap3A_1368 = tpu.vector_load %arg15[%swap3A_1366, %swap3A_1367] {strides = array<i32>} : memref<128x16xf32, #tpu.memory_space<vmem>>, vector<1x16xf32>,
        %swap3A_1369 = vector.shape_cast %swap3A_1368 : vector<1x16xf32> to vector<16xf32>
        %swap3A_1370 = vector.shape_cast %add3A_1365 : vector<16xf32> to vector<1x16xf32>
        tpu.vector_store %arg15[%swap3A_1366, %swap3A_1367], %swap3A_1370 {strides = array<i32>} : memref<128x16xf32, #tpu.memory_space<vmem>>, vector<1x16xf32>,
        %add3A_1371 = arith.constant 15 : i32
        %add3A_1372 = arith.addi %mul3A_255, %add3A_1371 : i32
        %get3A_1373 = arith.constant 0 : i32
        %get3A_1374 = arith.index_cast %get3A_1373 : i32 to index
        %get3A_1375 = arith.index_cast %add3A_1372 : i32 to index
        %get3A_1376 = arith.constant 0 : index
        %get3A_1377 = tpu.vector_load %arg14[%get3A_1374, %get3A_1375, %get3A_1376] {strides = array<i32>} : memref<6x128x16xf32, #tpu.memory_space<vmem>>, vector<1x1x16xf32>,
        %get3A_1378 = vector.shape_cast %get3A_1377 : vector<1x1x16xf32> to vector<16xf32>
        %slice3A_1379 = vector.extract_strided_slice %get3A_261 {offsets = [15], sizes = [1], strides = [1]} : vector<16xf32> to vector<1xf32>
        %squeeze3A_1380 = vector.extract %slice3A_1379[0] : f32 from vector<1xf32>
        %mul3A_1381 = vector.broadcast %squeeze3A_1380 : f32 to vector<16xf32>
        %mul3A_1382 = arith.mulf %get3A_1378, %mul3A_1381 : vector<16xf32>
        %get3A_1383 = arith.constant 1 : i32
        %get3A_1384 = arith.index_cast %get3A_1383 : i32 to index
        %get3A_1385 = arith.index_cast %add3A_1372 : i32 to index
        %get3A_1386 = arith.constant 0 : index
        %get3A_1387 = tpu.vector_load %arg14[%get3A_1384, %get3A_1385, %get3A_1386] {strides = array<i32>} : memref<6x128x16xf32, #tpu.memory_space<vmem>>, vector<1x1x16xf32>,
        %get3A_1388 = vector.shape_cast %get3A_1387 : vector<1x1x16xf32> to vector<16xf32>
        %slice3A_1389 = vector.extract_strided_slice %get3A_267 {offsets = [15], sizes = [1], strides = [1]} : vector<16xf32> to vector<1xf32>
        %squeeze3A_1390 = vector.extract %slice3A_1389[0] : f32 from vector<1xf32>
        %mul3A_1391 = vector.broadcast %squeeze3A_1390 : f32 to vector<16xf32>
        %mul3A_1392 = arith.mulf %get3A_1388, %mul3A_1391 : vector<16xf32>
        %add3A_1393 = arith.addf %mul3A_1382, %mul3A_1392 : vector<16xf32>
        %get3A_1394 = arith.constant 2 : i32
        %get3A_1395 = arith.index_cast %get3A_1394 : i32 to index
        %get3A_1396 = arith.index_cast %add3A_1372 : i32 to index
        %get3A_1397 = arith.constant 0 : index
        %get3A_1398 = tpu.vector_load %arg14[%get3A_1395, %get3A_1396, %get3A_1397] {strides = array<i32>} : memref<6x128x16xf32, #tpu.memory_space<vmem>>, vector<1x1x16xf32>,
        %get3A_1399 = vector.shape_cast %get3A_1398 : vector<1x1x16xf32> to vector<16xf32>
        %slice3A_1400 = vector.extract_strided_slice %get3A_273 {offsets = [15], sizes = [1], strides = [1]} : vector<16xf32> to vector<1xf32>
        %squeeze3A_1401 = vector.extract %slice3A_1400[0] : f32 from vector<1xf32>
        %mul3A_1402 = vector.broadcast %squeeze3A_1401 : f32 to vector<16xf32>
        %mul3A_1403 = arith.mulf %get3A_1399, %mul3A_1402 : vector<16xf32>
        %add3A_1404 = arith.addf %add3A_1393, %mul3A_1403 : vector<16xf32>
        %get3A_1405 = arith.constant 3 : i32
        %get3A_1406 = arith.index_cast %get3A_1405 : i32 to index
        %get3A_1407 = arith.index_cast %add3A_1372 : i32 to index
        %get3A_1408 = arith.constant 0 : index
        %get3A_1409 = tpu.vector_load %arg14[%get3A_1406, %get3A_1407, %get3A_1408] {strides = array<i32>} : memref<6x128x16xf32, #tpu.memory_space<vmem>>, vector<1x1x16xf32>,
        %get3A_1410 = vector.shape_cast %get3A_1409 : vector<1x1x16xf32> to vector<16xf32>
        %slice3A_1411 = vector.extract_strided_slice %get3A_279 {offsets = [15], sizes = [1], strides = [1]} : vector<16xf32> to vector<1xf32>
        %squeeze3A_1412 = vector.extract %slice3A_1411[0] : f32 from vector<1xf32>
        %mul3A_1413 = vector.broadcast %squeeze3A_1412 : f32 to vector<16xf32>
        %mul3A_1414 = arith.mulf %get3A_1410, %mul3A_1413 : vector<16xf32>
        %add3A_1415 = arith.addf %add3A_1404, %mul3A_1414 : vector<16xf32>
        %get3A_1416 = arith.constant 4 : i32
        %get3A_1417 = arith.index_cast %get3A_1416 : i32 to index
        %get3A_1418 = arith.index_cast %add3A_1372 : i32 to index
        %get3A_1419 = arith.constant 0 : index
        %get3A_1420 = tpu.vector_load %arg14[%get3A_1417, %get3A_1418, %get3A_1419] {strides = array<i32>} : memref<6x128x16xf32, #tpu.memory_space<vmem>>, vector<1x1x16xf32>,
        %get3A_1421 = vector.shape_cast %get3A_1420 : vector<1x1x16xf32> to vector<16xf32>
        %slice3A_1422 = vector.extract_strided_slice %get3A_285 {offsets = [15], sizes = [1], strides = [1]} : vector<16xf32> to vector<1xf32>
        %squeeze3A_1423 = vector.extract %slice3A_1422[0] : f32 from vector<1xf32>
        %mul3A_1424 = vector.broadcast %squeeze3A_1423 : f32 to vector<16xf32>
        %mul3A_1425 = arith.mulf %get3A_1421, %mul3A_1424 : vector<16xf32>
        %add3A_1426 = arith.addf %add3A_1415, %mul3A_1425 : vector<16xf32>
        %get3A_1427 = arith.constant 5 : i32
        %get3A_1428 = arith.index_cast %get3A_1427 : i32 to index
        %get3A_1429 = arith.index_cast %add3A_1372 : i32 to index
        %get3A_1430 = arith.constant 0 : index
        %get3A_1431 = tpu.vector_load %arg14[%get3A_1428, %get3A_1429, %get3A_1430] {strides = array<i32>} : memref<6x128x16xf32, #tpu.memory_space<vmem>>, vector<1x1x16xf32>,
        %get3A_1432 = vector.shape_cast %get3A_1431 : vector<1x1x16xf32> to vector<16xf32>
        %slice3A_1433 = vector.extract_strided_slice %get3A_291 {offsets = [15], sizes = [1], strides = [1]} : vector<16xf32> to vector<1xf32>
        %squeeze3A_1434 = vector.extract %slice3A_1433[0] : f32 from vector<1xf32>
        %mul3A_1435 = vector.broadcast %squeeze3A_1434 : f32 to vector<16xf32>
        %mul3A_1436 = arith.mulf %get3A_1432, %mul3A_1435 : vector<16xf32>
        %add3A_1437 = arith.addf %add3A_1426, %mul3A_1436 : vector<16xf32>
        %swap3A_1438 = arith.index_cast %add3A_1372 : i32 to index
        %swap3A_1439 = arith.constant 0 : index
        %swap3A_1440 = tpu.vector_load %arg15[%swap3A_1438, %swap3A_1439] {strides = array<i32>} : memref<128x16xf32, #tpu.memory_space<vmem>>, vector<1x16xf32>,
        %swap3A_1441 = vector.shape_cast %swap3A_1440 : vector<1x16xf32> to vector<16xf32>
        %swap3A_1442 = vector.shape_cast %add3A_1437 : vector<16xf32> to vector<1x16xf32>
        tpu.vector_store %arg15[%swap3A_1438, %swap3A_1439], %swap3A_1442 {strides = array<i32>} : memref<128x16xf32, #tpu.memory_space<vmem>>, vector<1x16xf32>,
      }
      %scan3A_251 = arith.constant 8 : i32
      %add3A_252 = arith.addi %mul3A_2, %mul3A_245 : i32
      "tpu.region"() ({
        %run_scoped3A = tpu.sem_alloc : memref<!tpu.dma_semaphore, #tpu.memory_space<semaphore_mem>>
        %dma_start3A_253 = arith.constant 0 : i32
        %dma_start3A_254 = tpu.memref_slice %arg6[%add3A_252, %dma_start3A_253] : memref<131072x16xf32, #tpu.memory_space<hbm>> -> memref<128x16xf32, #tpu.memory_space<hbm>>
        %dma_start3A_255 = arith.constant 0 : i32
        %dma_start3A_256 = tpu.memref_slice %arg6[%add3A_252, %dma_start3A_255] : memref<131072x16xf32, #tpu.memory_space<hbm>> -> memref<128x16xf32, #tpu.memory_space<hbm>>
        tpu.enqueue_dma source(%arg15 : memref<128x16xf32, #tpu.memory_space<vmem>>) target(%dma_start3A_256 : memref<128x16xf32, #tpu.memory_space<hbm>>) target_semaphore(%run_scoped3A : memref<!tpu.dma_semaphore, #tpu.memory_space<semaphore_mem>>)
        %dma_wait3A_257 = arith.constant 0 : i32
        %dma_wait3A_258 = tpu.memref_slice %arg6[%add3A_252, %dma_wait3A_257] : memref<131072x16xf32, #tpu.memory_space<hbm>> -> memref<128x16xf32, #tpu.memory_space<hbm>>
        %dma_wait3A_259 = arith.constant 0 : i32
        %dma_wait3A_260 = tpu.memref_slice %arg6[%add3A_252, %dma_wait3A_259] : memref<131072x16xf32, #tpu.memory_space<hbm>> -> memref<128x16xf32, #tpu.memory_space<hbm>>
        tpu.wait_dma2 semaphore(%run_scoped3A : memref<!tpu.dma_semaphore, #tpu.memory_space<semaphore_mem>>) src(%arg15 : memref<128x16xf32, #tpu.memory_space<vmem>>) dst(%dma_wait3A_260 : memref<128x16xf32, #tpu.memory_space<hbm>>)
        tpu.yield
      }) : () -> ()
    }
    %scan3A_112 = arith.constant 32 : i32
    return
  }
}

</mosaic_0001>

<sc_bundles>
// kernel: kernel.3.cloned.1.call-start
scs
__scs_entry_jumppad:
0x0: {  	(pc) =	sbr.rel $0x88, $3  }
0x1: {  	(tag) =	ssettag $0x0;
	lr =	simm.s32 $0x1  }
0x2: {  	[smem:$0x3F9D] =	sst lr;
	_ =	strace $0xD0000000  }
0x3: {  	_ = 	snop  }
0x4: {  	_ = 	snop  }
0x5: {  	_ = 	snop  }
0x6: {  	_ = 	snop  }
0x7: {  	_ = 	snop  }
__scs_overlays_trampoline_lowered:
0x8: {  	[smem:$0x3FAC] =	sst s0  }
0x9: {  	[smem:$0x3FAD] =	sst s1  }
0xa: {  	[smem:$0x3FAE] =	sst s2  }
0xb: {  	[smem:$0x3FAF] =	sst s3  }
0xc: {  	[smem:$0x3FB0] =	sst s4  }
0xd: {  	[smem:$0x3FB1] =	sst s5  }
0xe: {  	[smem:$0x3FB2] =	sst s6  }
0xf: {  	[smem:$0x3FB3] =	sst s7  }
0x10: {  	[smem:$0x3FB4] =	sst s8  }
0x11: {  	[smem:$0x3FB5] =	sst s9;
	s0 =	simm.s32 @!p0 $0x0  }
0x12: {  	s1 =	sld [smem:$0x3F9B];
	s0 =	simm.s32 @p0 $0x1  }
0x13: {  	[smem:$0x3FB6] =	sst s0;
	s0 =	simm.s32 @!p1 $0x0  }
0x14: {  	s2 =	sld [smem:$0x3F9A];
	s0 =	simm.s32 @p1 $0x1  }
0x15: {  	[smem:$0x3FB7] =	sst s0;
	s0 =	simm.s32 @!p2 $0x0  }
0x16: {  	s3 =	sld [smem:$0x3FDB];
	s0 =	simm.s32 @p2 $0x1  }
0x17: {  	s4 =	simm.s32 $0x1BF5;
	[smem:$0x3FB9] =	sst s0  }
0x18: {  	s0 =	sld [smem:$0x3F9C];
	_ =	swait.ge [sflag:s4], $0x0  }
0x19: {  	s7 =	sld [smem:$0x3F9D]  }
0x1a: {  	s8 =	sadd.s32 $0xFFFFE003, lr  }
0x1b: {  	s9 =	sadd.s32 $0xFFFFFEF7, lr;
	s5 =	simm.s32 $0xFFFFFFFF;
	p2 =	slt.u32 s8, $0xFFFFF086  }
0x1c: {  	p1 =	slt.u32 s9, $0xF7A;
	s5 =	simm.s32 @!p2 $0x0  }
0x1d: {  	s5 =	simm.s32 @p1 $0x1;
	p0 =	seq.s32 s7, s2  }
0x1e: {  	s7 =	smul.u32 @!p0 $0xF7A, s2;
	p2 =	seq.s32 @!p0 s5, $0x0  }
0x1f: {  	s9 =	smul.u32 $0xF7A, s1;
	s8 =	simm.s32 @!p0 $0x1BF5;
	p2 =	por !p2, p0  }
0x20: {  	[sflag:s8] =	ssyncset.s32 @!p0 $0xFFFFF086;
	s6 =	sadd.s32 @!p0 s3, s7;
	s7 =	simm.s32 @!p0 $0x108  }
0x21: {  	s3 =	sadd.s32 s3, s9;
	s6 =	sadd.s32 @!p0 $0x88, s6;
	s7 =	simm.s32 @p2 $0x1082  }
0x22: {  	[simem:s7], [sflag:s8] =	dma.local @!p0 [hbm:s6], $0xF7A  }
0x23: {  	s9 =	sor.u32 $0xD0000000, s2;
	s6 =	simm.s32 $0x108;
	_ =	swait.ge @!p0 [sflag:s8], $0x0  }
0x24: {  	s3 =	sadd.s32 $0x88, s3;
	s6 =	simm.s32 @!p1 $0x1082;
	[sflag:s4] =	ssyncset.s32 $0xFFFFF086  }
0x25: {  	[simem:s6], [sflag:s4] =	dma.local [hbm:s3], $0xF7A  }
0x26: {  	[smem:$0x3F9D] =	sst s1;
	(tag) =	ssettag s2;
	_ =	strace s9  }
0x27: {  	s1 =	sld [smem:$0x3FAD]  }
0x28: {  	s2 =	sld [smem:$0x3FAE]  }
0x29: {  	s4 =	sld [smem:$0x3FB0]  }
0x2a: {  	p0 =	seq.s32 s5, $0x0;
	s5 =	sld [smem:$0x3FB1]  }
0x2b: {  	s6 =	sld [smem:$0x3FB2]  }
0x2c: {  	s7 =	sld [smem:$0x3FB3]  }
0x2d: {  	s3 =	simm.s32 $0x108;
	s8 =	sld [smem:$0x3FB4]  }
0x2e: {  	s3 =	simm.s32 @!p0 $0x1082;
	s9 =	sld [smem:$0x3FB5]  }
0x2f: {  	lr =	sadd.s32 s0, s3;
	s0 =	sld [smem:$0x3FAC]  }
0x30: {  	s3 =	sld [smem:$0x3FAF]  }
0x31: {  	[smem:$0x3FB8] =	sst s10  }
0x32: {  	s10 =	sld [smem:$0x3FB6];
	_ =	sdelay $0x3  }
0x33: {  	p0 =	seq.s32 s10, $0x1;
	s10 =	sld [smem:$0x3FB8];
	_ =	sdelay $0x3  }
0x34: {  	[smem:$0x3FB8] =	sst s10  }
0x35: {  	s10 =	sld [smem:$0x3FB7];
	_ =	sdelay $0x3  }
0x36: {  	p1 =	seq.s32 s10, $0x1;
	s10 =	sld [smem:$0x3FB8];
	_ =	sdelay $0x3  }
0x37: {  	[smem:$0x3FB8] =	sst s10  }
0x38: {  	s10 =	sld [smem:$0x3FB9]  }
0x39: {  	_ = 	snop;
	(pc) =	sbr.ind lr, $3  }
0x3a: {  	_ = 	snop  }
0x3b: {  	_ = 	snop  }
0x3c: {  	p2 =	seq.s32 s10, $0x1;
	s10 =	sld [smem:$0x3FB8]  }
0x3d: {  	_ =	shalt  }
0x3e: {  	_ =	shalt  }
0x3f: {  	_ =	shalt  }
0x40: {  	_ =	shalt  }
0x41: {  	_ =	shalt  }
0x42: {  	_ =	shalt  }
0x43: {  	_ =	shalt  }
0x44: {  	_ =	shalt  }
0x45: {  	_ =	shalt  }
0x46: {  	_ =	shalt  }
0x47: {  	_ =	shalt  }
0x48: {  	_ =	shalt  }
0x49: {  	_ =	shalt  }
0x4a: {  	_ =	shalt  }
0x4b: {  	_ =	shalt  }
0x4c: {  	_ =	shalt  }
0x4d: {  	_ =	shalt  }
0x4e: {  	_ =	shalt  }
0x4f: {  	_ =	shalt  }
0x50: {  	_ =	shalt  }
0x51: {  	_ =	shalt  }
0x52: {  	_ =	shalt  }
0x53: {  	_ =	shalt  }
0x54: {  	_ =	shalt  }
0x55: {  	_ =	shalt  }
0x56: {  	_ =	shalt  }
0x57: {  	_ =	shalt  }
0x58: {  	_ =	shalt  }
0x59: {  	_ =	shalt  }
0x5a: {  	_ =	shalt  }
0x5b: {  	_ =	shalt  }
0x5c: {  	_ =	shalt  }
0x5d: {  	_ =	shalt  }
0x5e: {  	_ =	shalt  }
0x5f: {  	_ =	shalt  }
0x60: {  	_ =	shalt  }
0x61: {  	_ =	shalt  }
0x62: {  	_ =	shalt  }
0x63: {  	_ =	shalt  }
0x64: {  	_ =	shalt  }
0x65: {  	_ =	shalt  }
0x66: {  	_ =	shalt  }
0x67: {  	_ =	shalt  }
0x68: {  	_ =	shalt  }
0x69: {  	_ =	shalt  }
0x6a: {  	_ =	shalt  }
0x6b: {  	_ =	shalt  }
0x6c: {  	_ =	shalt  }
0x6d: {  	_ =	shalt  }
0x6e: {  	_ =	shalt  }
0x6f: {  	_ =	shalt  }
0x70: {  	_ =	shalt  }
0x71: {  	_ =	shalt  }
0x72: {  	_ =	shalt  }
0x73: {  	_ =	shalt  }
0x74: {  	_ =	shalt  }
0x75: {  	_ =	shalt  }
0x76: {  	_ =	shalt  }
0x77: {  	_ =	shalt  }
0x78: {  	_ =	shalt  }
0x79: {  	_ =	shalt  }
0x7a: {  	_ =	shalt  }
0x7b: {  	_ =	shalt  }
0x7c: {  	_ =	shalt  }
0x7d: {  	_ =	shalt  }
0x7e: {  	_ =	shalt  }
0x7f: {  	_ =	shalt  }
0x80: {  	_ =	shalt  }
0x81: {  	_ =	shalt  }
0x82: {  	_ =	shalt  }
0x83: {  	_ =	shalt  }
0x84: {  	_ =	shalt  }
0x85: {  	_ =	shalt  }
0x86: {  	_ =	shalt  }
0x87: {  	_ =	shalt  }
.Lfunc_end0:
.L_simem_size_0:
called_computation_lowered:
.L_overlay_start_0:
0x88: {  	s2 =	sld [smem:$0x3FD9]  }
0x89: {  	s3 =	sld [smem:$0x3FFE];
	_ =	sdelay $0x1  }
0x8a: {  	s1 =	srdreg.scid  }
0x8b: {  	s0 =	sand.u32 $0x1, s1  }
0x8c: {  	s17 =	sshll.u32 s0, $0xA;
	s2 =	sadd.s32 s3, s2  }
0x8d: {  	s2 =	sadd.s32 s2, s17  }
0x8e: {  	[smem:$0x3FC4] =	sst s2  }
0x8f: {  	_ = 	snop  }
0x90: {  	s2 =	sld [smem:$0x3FC9]  }
0x91: {  	s18 =	sld [smem:$0x3FD0];
	(tm) =	ssettm $0x1  }
0x92: {  	s4 =	sld [smem:$0x3FFB];
	_ =	sdelay $0x3  }
0x93: {  	_ =	strace s4  }
0x94: {  	s4 =	sld [smem:$0x3FFC];
	_ =	sdelay $0x3  }
0x95: {  	_ =	strace s4  }
0x96: {  	s4 =	sld [smem:$0x3FFD];
	_ =	sdelay $0x3  }
0x97: {  	_ =	strace s4  }
0x98: {  	_ =	strace $0x8FFFFFFF  }
0x99: {  	s19 =	sld [smem:$0x3FDB];
	_ =	sdelay $0x1  }
0x9a: {  	s5 =	simm.s32 $_scs_section_size  }
0x9b: {  	s6 =	simm.s32 $_size__tile_overlayer_lowered;
	s7 =	simm.s32 $_tile_overlayer_lowered  }
0x9c: {  	s22 =	simm.s32 $0x1BFF;
	s21 =	sshll.u32 s7, $0x1;
	s4 =	sadd.s32 s5, s19  }
0x9d: {  	s8 =	simm.s32 $0x0;
	s20 =	sshll.u32 s6, $0x1;
	s6 =	sadd.s32 s21, s4  }
0x9e: {  	[timem:s8], [sflag:s22] =	dma.local [hbm:s6], s20  }
0x9f: {  	_ =	swait.ge [sflag:s22], s20  }
0xa0: {  	s5 =	ssub.s32 $0x0, s20;
	[sflag:s22] =	ssyncset.done $0x0  }
0xa1: {  	[sflag:s22] =	ssyncadd.s32 s5;
	_ =	sdelay $0x1  }
0xa2: {  	s23 =	simm.s32 $0x1B8B  }
0xa3: {  	_ =	swait.ge [sflag:s23], $0x1  }
0xa4: {  	[sflag:s23] =	ssyncset.done $0x0  }
0xa5: {  	s25 =	simm.s32 $0x1B8E;
	s24 =	sld [smem:$0x3FFE];
	[sflag:s23] =	ssyncadd.s32 $0xFFFFFFFF  }
0xa6: {  	s26 =	simm.s32 $execute0_lowered;
	[smem:$0x3FD2] =	sst s25  }
0xa7: {  	s6 =	sshll.u32 s26, $0x1;
	_ =	strace $0x80000046;
	[dreg:$0x1] =	wrdreg $0xFFFFFFFF  }
0xa8: {  	s28 =	simm.s32 $_size_execute0_lowered;
	s4 =	sadd.s32 s4, s6;
	[dreg:$0x0] =	wrdreg $0x0  }
0xa9: {  	s6 =	sshll.u32 s28, $0x1;
	[dreg:$0x2] =	wrdreg s4  }
0xaa: {  	[dreg:$0x3] =	wrdreg s6  }
0xab: {  	[dreg:$0x4] =	wrdreg $0xC0  }
0xac: {  	_ =	task [dreg:s8], $0x5FFFF  }
0xad: {  	[dreg:$0x1] =	wrdreg $0xFFFFFFFF  }
0xae: {  	[dreg:$0x0] =	wrdreg $0x60  }
0xaf: {  	[dreg:$0x2] =	wrdreg s2  }
0xb0: {  	[dreg:$0x3] =	wrdreg s24  }
0xb1: {  	[dreg:$0x4] =	wrdreg s18  }
0xb2: {  	[dreg:$0x5] =	wrdreg $0x9  }
0xb3: {  	_ =	task.clear_ibuf [dreg:s8], $0x6FFFF;
	_ =	strace $0x90000046  }
0xb4: {  	s29 =	simm.s32 $0x9;
	_ =	strace $0x80000048  }
0xb5: {  	_ =	swait.ge [sflag:s29], $0x1  }
0xb6: {  	[sflag:s29] =	ssyncadd.s32 $0xFFFFFFFF  }
0xb7: {  	_ =	strace $0x90000048  }
0xb8: {  	_ =	sfence  }
0xb9: {  	s30 =	sld [smem:$0x0];
	_ =	sdelay $0x2  }
0xba: {  	s31 =	sshll.u32 s1, $0xD;
	s1 =	sshrl.u32 s1, $0x2  }
0xbb: {  	s3 =	sand.u32 $0x4000, s31;
	s1 =	sadd.s32 s1, s30  }
0xbc: {  	s0 =	sor.u32 s3, s0;
	s1 =	sshll.u32 s1, $0x11  }
0xbd: {  	s0 =	sor.u32 s1, s0  }
0xbe: {  	s0 =	sadd.s32 $0x8F2B, s0  }
0xbf: {  	[sflag:s0] =	ssyncadd.remote.s32 $0x1  }
0xc0: {  	_ =	sfence.sel $0xFFFF  }
0xc1: {  	[dreg:$0x0] =	wrdreg $0xFFFFFFFF;
	(pc) =	sbr.abs _section_cstart, $3  }
0xc2: {  	[dreg:$0x1] =	wrdreg $0xFFFFFFFF  }
0xc3: {  	_ =	task.clear_ibuf [dreg:s8], $0x2FFFF;
	_ =	strace $0x9FFFFFFF  }
0xc4: {  	(tm) =	ssettm $0x7FFFFFFF  }
0xc5: {  	_ =	shalt  }
tec
execute0_lowered:
.L_overlay_start_1:
0x0: {  	(tag) =	ssettag $0x1  }
0x1: {  	s8 =	rddreg [dreg:$0x0]  }
0x2: {  	s7 =	rddreg [dreg:$0x1]  }
0x3: {  	s1 =	rddreg [dreg:$0x2]  }
0x4: {  	s0 =	rddreg [dreg:$0x3];
	s3 =	simm.s32 $0x0;
	s4 =	srdreg.scid  }
0x5: {  	s2 =	stileid.u32;
	s12 =	simm.s32 $0x80;
	s13 =	simm.s32 $0xB060  }
0x6: {  	s14 =	simm.s32 $0xB860;
	s15 =	simm.s32 $0xC060;
	s16 =	simm.s32 $0xD060  }
0x7: {  	s17 =	simm.s32 $0xD860;
	s18 =	simm.s32 $0x1;
	s19 =	simm.s32 $0xE060  }
0x8: {  	s20 =	simm.s32 $0x0;
	[smem:$0x7FF] =	sst s3;
	s5 =	sand.u32 $0x1, s4  }
0x9: {  	s6 =	sshll.u32 s2, $0xD;
	s4 =	sadd.s32 $0x100800, s7;
	s9 =	sshll.u32 s5, $0xC  }
0xa: {  	_ =	strace $0x80000047;
	s10 =	ssub.s32 $0x2, s5;
	s5 =	sor.u32 s9, s6  }
0xb: {  	s6 =	sadd.s32 $0x600, s7;
	s31 =	sshrl.u32 s10, $0x1;
	s7 =	sadd.s32 $0x800, s7  }
0xc: {  	s11 =	sshrl.u32 s5, $0x3;
	s9 =	ssub.s32 s10, s31;
	s10 =	simm.s32 $0x2  }
0xd: {  	s8 =	sadd.s32 s8, s11;
	s9 =	smax.u32 s9, $0x1;
	s11 =	simm.s32 $0xB000  }
.LBB2_1:
0xe: {  	[tilespmem:s3], [sflag:$0x2] =	stream.linear.gather [hbm4b:s8+s3], $0x1000, $0x38;
	[tilespmem:$0xE860] =	vst v63  }
0xf: {  	_ =	swait.ge [sflag:s10], $0x1000  }
0x10: {  	[sflag:s10] =	ssyncset.done $0x0  }
0x11: {  	[sflag:s10] =	ssyncadd.s32 $0xFFFFF000  }
0x12: {  	[tilespmem:s11], [sflag:$0x2] =	stream.linear.gather [hbm4b:s6+s3], $0x60, $0x38;
	[tilespmem:$0xE860] =	vst v63  }
0x13: {  	_ =	swait.ge [sflag:s10], $0x60  }
0x14: {  	[sflag:s10] =	ssyncset.done $0x0  }
0x15: {  	[sflag:s10] =	ssyncadd.s32 $0xFFFFFFA0  }
0x16: {  	v15 =	vld [tilespmem:$0xB010]  }
0x17: {  	v22 =	vld [tilespmem:$0xB030]  }
0x18: {  	v30 =	vld [tilespmem:$0xB050]  }
0x19: {  	v33 =	vld [tilespmem:$0xB040]  }
0x1a: {  	v36 =	vld [tilespmem:$0xB020]  }
0x1b: {  	v37 =	vld [tilespmem:$0xB000];
	_ =	sdelay $0x1  }
0x1c: {  	v23 =	vbroadcast v30, $0x0  }
0x1d: {  	v19 =	vbroadcast v33, $0x0;
	v14 =	vbroadcast v22, $0x0  }
0x1e: {  	v9 =	vbroadcast v36, $0x0;
	v3 =	vbroadcast v15, $0x0  }
0x1f: {  	v0 =	vbroadcast v37, $0x0;
	v25 =	vbroadcast v30, $0x1  }
0x20: {  	s21 =	simm.s32 $0x0;
	v21 =	vbroadcast v33, $0x1;
	v17 =	vbroadcast v22, $0x1  }
0x21: {  	v38 =	vld [tilespmem:s21+$0x0];
	v11 =	vbroadcast v36, $0x1;
	v5 =	vbroadcast v15, $0x1  }
0x22: {  	v1 =	vbroadcast v37, $0x1;
	v28 =	vbroadcast v30, $0x2  }
0x23: {  	v26 =	vbroadcast v33, $0x2;
	v18 =	vbroadcast v22, $0x2  }
0x24: {  	v12 =	vbroadcast v36, $0x2;
	v6 =	vbroadcast v15, $0x2  }
0x25: {  	v2 =	vbroadcast v37, $0x2;
	v29 =	vbroadcast v30, $0x3  }
0x26: {  	v27 =	vbroadcast v33, $0x3;
	v4 =	vtrunc.f32 v38  }
0x27: {  	v20 =	vbroadcast v22, $0x3;
	v7 =	vcvt.f32.s32 v4  }
0x28: {  	v13 =	vbroadcast v36, $0x3;
	v8 =	vbroadcast v15, $0x3  }
0x29: {  	v32 =	vbroadcast v30, $0x4;
	v31 =	vbroadcast v33, $0x4;
	vm0 =	vgt.s32 v7, $0x0  }
0x2a: {  	v24 =	vbroadcast v22, $0x4;
	v16 =	vbroadcast v36, $0x4;
	v7 =	vnsel vm0, $0x0, v7  }
0x2b: {  	v10 =	vbroadcast v15, $0x4;
	v35 =	vbroadcast v30, $0x5;
	v39 =	vmin.u32 v7, $0xFFFE  }
0x2c: {  	v34 =	vbroadcast v33, $0x5;
	v40 =	vcvt.s32.f32 v39  }
0x2d: {  	v33 =	vbroadcast v22, $0x5;
	v30 =	vbroadcast v36, $0x5  }
0x2e: {  	v22 =	vbroadcast v15, $0x5;
	v15 =	vbroadcast v37, $0x5;
	v36 =	vsub.f32 v38, v40  }
0x2f: {  	v4 =	vbroadcast v37, $0x3;
	v7 =	vbroadcast v37, $0x4  }
0x30: {  	v58 =	vadd.s32 $0x1, v39;
	v59 =	vor.u32 $0x10000, v39;
	v40 =	vmul.f32 v36, v35  }
0x31: {  	v41 =	vadd.s32 $0x10001, v39;
	v42 =	vmul.f32 v36, v23;
	v43 =	vmul.f32 v36, v25  }
0x32: {  	v44 =	vmul.f32 v36, v28;
	v45 =	vmul.f32 v36, v29;
	v40 =	vadd.f32 v40, v34  }
0x33: {  	v46 =	vmul.f32 v36, v32;
	v42 =	vadd.f32 v42, v19;
	v43 =	vadd.f32 v43, v21  }
0x34: {  	v44 =	vadd.f32 v44, v26;
	v45 =	vadd.f32 v45, v27;
	v40 =	vmul.f32 v40, v36  }
0x35: {  	[tilespmem:s21+$0x1000] =	vst v39;
	v62 =	vadd.f32 v46, v31;
	v60 =	vmul.f32 v42, v36;
	v61 =	vmul.f32 v43, v36  }
0x36: {  	[tilespmem:s21+$0x2000] =	vst v58;
	v44 =	vmul.f32 v44, v36;
	v45 =	vmul.f32 v45, v36;
	v63 =	vadd.f32 v40, v33  }
0x37: {  	[tilespmem:s21+$0x3000] =	vst v59;
	v39 =	vmul.f32 v62, v36;
	v37 =	vadd.f32 v60, v14;
	v38 =	vadd.f32 v61, v17  }
0x38: {  	s22 =	simm.s32 $0x10;
	s23 =	simm.s32 $0x80;
	[tilespmem:s21+$0x4000] =	vst v41;
	v40 =	vadd.f32 v44, v18;
	v41 =	vadd.f32 v45, v20;
	v42 =	vmul.f32 v63, v36  }
.LBB2_2:
0x39: {  	p0 =	sne.s32 s23, $0x3FC0;
	v43 =	vld [tilespmem:s22+$0x0];
	v37 =	vmul.f32 v37, v36;
	v38 =	vmul.f32 v38, v36;
	v39 =	vadd.f32 v39, v24  }
0x3a: {  	v40 =	vmul.f32 v40, v36;
	v41 =	vmul.f32 v41, v36;
	v42 =	vadd.f32 v42, v30  }
0x3b: {  	v37 =	vadd.f32 v37, v9;
	v38 =	vadd.f32 v38, v11;
	v39 =	vmul.f32 v39, v36  }
0x3c: {  	v40 =	vadd.f32 v40, v12;
	v41 =	vadd.f32 v41, v13;
	v42 =	vmul.f32 v42, v36  }
0x3d: {  	v37 =	vmul.f32 v37, v36;
	v38 =	vmul.f32 v38, v36;
	v39 =	vadd.f32 v39, v16  }
0x3e: {  	v44 =	vtrunc.f32 v43;
	v40 =	vmul.f32 v40, v36;
	v42 =	vadd.f32 v42, v22  }
0x3f: {  	v41 =	vmul.f32 v41, v36;
	v44 =	vcvt.f32.s32 v44;
	v37 =	vadd.f32 v37, v3  }
0x40: {  	v38 =	vadd.f32 v38, v5;
	v39 =	vmul.f32 v39, v36;
	v42 =	vmul.f32 v42, v36  }
0x41: {  	v40 =	vadd.f32 v40, v6;
	v41 =	vadd.f32 v41, v8;
	vm0 =	vgt.s32 v44, $0x0  }
0x42: {  	v39 =	vadd.f32 v39, v10;
	v44 =	vnsel vm0, $0x0, v44;
	v42 =	vadd.f32 v42, v15  }
0x43: {  	v37 =	vmul.f32 v37, v36;
	v38 =	vmul.f32 v38, v36;
	v44 =	vmin.u32 v44, $0xFFFE  }
0x44: {  	v40 =	vmul.f32 v40, v36;
	v45 =	vcvt.s32.f32 v44;
	v46 =	vadd.s32 $0x1, v44;
	[tilespmem:s21+$0xA000] =	vst v42  }
0x45: {  	v41 =	vmul.f32 v41, v36;
	v37 =	vadd.f32 v37, v0;
	v39 =	vmul.f32 v39, v36;
	[tilespmem:s22+$0x2000] =	vst v46  }
0x46: {  	v38 =	vadd.f32 v38, v1;
	v42 =	vor.u32 $0x10000, v44;
	v36 =	vsub.f32 v43, v45;
	[tilespmem:s22+$0x1000] =	vst v44  }
0x47: {  	v43 =	vadd.s32 $0x10001, v44;
	[tilespmem:s21+$0x5000] =	vst v37;
	v37 =	vadd.f32 v40, v2;
	v40 =	vadd.f32 v41, v4  }
0x48: {  	v41 =	vmul.f32 v36, v23;
	v44 =	vmul.f32 v36, v35;
	[tilespmem:s21+$0x6000] =	vst v38;
	v38 =	vadd.f32 v39, v7  }
0x49: {  	v39 =	vmul.f32 v36, v25;
	v45 =	vmul.f32 v36, v28;
	[tilespmem:s21+$0x7000] =	vst v37  }
0x4a: {  	v46 =	vmul.f32 v36, v32;
	v37 =	vmul.f32 v36, v29;
	v44 =	vadd.f32 v44, v34;
	[tilespmem:s21+$0x8000] =	vst v40  }
0x4b: {  	v40 =	vadd.f32 v41, v19;
	v39 =	vadd.f32 v39, v21;
	[tilespmem:s21+$0x9000] =	vst v38;
	s21 =	smov.u32 s22  }
.Ltmp0:
0x4c: {  	v38 =	vadd.f32 v45, v26;
	v37 =	vadd.f32 v37, v27;
	[tilespmem:s21+$0x3000] =	vst v42;
	v41 =	vmul.f32 v44, v36;
	(pc) =	sbr.rel @p0 .LBB2_2-.Ltmp0, $4  }
0x4d: {  	v40 =	vmul.f32 v40, v36;
	v39 =	vmul.f32 v39, v36;
	v42 =	vadd.f32 v46, v31;
	[tilespmem:s21+$0x4000] =	vst v43  }
0x4e: {  	v43 =	vmul.f32 v38, v36;
	v44 =	vmul.f32 v37, v36;
	v45 =	vadd.f32 v41, v33  }
0x4f: {  	v37 =	vadd.f32 v40, v14;
	v38 =	vadd.f32 v39, v17;
	v39 =	vmul.f32 v42, v36  }
0x50: {  	s22 =	sshra.s32 s23, $0x2;
	s23 =	sadd.s32 $0x40, s23;
	v40 =	vadd.f32 v43, v18;
	v41 =	vadd.f32 v44, v20;
	v42 =	vmul.f32 v45, v36  }
0x51: {  	v43 =	vld [tilespmem:s22+$0x0]  }
0x52: {  	v37 =	vmul.f32 v37, v36  }
0x53: {  	v38 =	vmul.f32 v38, v36;
	v39 =	vadd.f32 v39, v24;
	v42 =	vadd.f32 v42, v30  }
0x54: {  	v40 =	vmul.f32 v40, v36;
	v41 =	vmul.f32 v41, v36;
	v37 =	vadd.f32 v37, v9  }
0x55: {  	v38 =	vadd.f32 v38, v11;
	v39 =	vmul.f32 v39, v36;
	v42 =	vmul.f32 v42, v36  }
0x56: {  	v40 =	vadd.f32 v40, v12;
	v37 =	vmul.f32 v37, v36;
	v44 =	vtrunc.f32 v43  }
0x57: {  	v41 =	vadd.f32 v41, v13;
	v38 =	vmul.f32 v38, v36;
	v44 =	vcvt.f32.s32 v44  }
0x58: {  	v39 =	vadd.f32 v39, v16;
	v40 =	vmul.f32 v40, v36;
	v42 =	vadd.f32 v42, v22  }
0x59: {  	v41 =	vmul.f32 v41, v36;
	v37 =	vadd.f32 v37, v3;
	vm0 =	vgt.s32 v44, $0x0  }
0x5a: {  	v38 =	vadd.f32 v38, v5;
	v39 =	vmul.f32 v39, v36;
	v44 =	vnsel vm0, $0x0, v44  }
0x5b: {  	v42 =	vmul.f32 v42, v36;
	v40 =	vadd.f32 v40, v6;
	v44 =	vmin.u32 v44, $0xFFFE  }
0x5c: {  	v41 =	vadd.f32 v41, v8;
	v39 =	vadd.f32 v39, v10;
	v45 =	vcvt.s32.f32 v44  }
0x5d: {  	v37 =	vmul.f32 v37, v36;
	v38 =	vmul.f32 v38, v36;
	v42 =	vadd.f32 v42, v15  }
0x5e: {  	v40 =	vmul.f32 v40, v36;
	v41 =	vmul.f32 v41, v36;
	v43 =	vsub.f32 v43, v45  }
0x5f: {  	v37 =	vadd.f32 v37, v0;
	v55 =	vmul.f32 v39, v36;
	v38 =	vadd.f32 v38, v1  }
0x60: {  	v46 =	vadd.s32 $0x1, v44;
	v56 =	vor.u32 $0x10000, v44;
	v35 =	vmul.f32 v43, v35  }
0x61: {  	v57 =	vadd.s32 $0x10001, v44;
	v40 =	vadd.f32 v40, v2;
	v23 =	vmul.f32 v43, v23  }
0x62: {  	v41 =	vadd.f32 v41, v4;
	v25 =	vmul.f32 v43, v25;
	v34 =	vadd.f32 v35, v34  }
0x63: {  	v58 =	vadd.f32 v55, v7;
	v28 =	vmul.f32 v43, v28;
	v19 =	vadd.f32 v23, v19  }
0x64: {  	v59 =	vmul.f32 v43, v29;
	v21 =	vadd.f32 v25, v21;
	v60 =	vmul.f32 v34, v43  }
0x65: {  	v61 =	vmul.f32 v43, v32;
	v26 =	vadd.f32 v28, v26;
	v19 =	vmul.f32 v19, v43  }
0x66: {  	v23 =	vadd.f32 v59, v27;
	v21 =	vmul.f32 v21, v43;
	v25 =	vadd.f32 v60, v33  }
0x67: {  	v62 =	vadd.f32 v61, v31;
	v26 =	vmul.f32 v26, v43;
	v14 =	vadd.f32 v19, v14  }
0x68: {  	v63 =	vmul.f32 v23, v43;
	v17 =	vadd.f32 v21, v17;
	v28 =	vmul.f32 v25, v43  }
0x69: {  	v29 =	vmul.f32 v62, v43;
	v18 =	vadd.f32 v26, v18;
	v14 =	vmul.f32 v14, v43  }
0x6a: {  	[tilespmem:s21+$0xA000] =	vst v42;
	v19 =	vadd.f32 v63, v20;
	v17 =	vmul.f32 v17, v43;
	v30 =	vadd.f32 v28, v30  }
0x6b: {  	[tilespmem:s22+$0x2000] =	vst v46;
	v31 =	vadd.f32 v29, v24;
	v18 =	vmul.f32 v18, v43;
	v32 =	vadd.f32 v14, v9  }
0x6c: {  	[tilespmem:s22+$0x1000] =	vst v44;
	v33 =	vmul.f32 v19, v43;
	v34 =	vadd.f32 v17, v11;
	v36 =	vmul.f32 v30, v43  }
0x6d: {  	[tilespmem:s21+$0x5000] =	vst v37;
	v37 =	vmul.f32 v31, v43;
	v42 =	vadd.f32 v18, v12;
	v9 =	vmul.f32 v32, v43  }
0x6e: {  	[tilespmem:s21+$0x6000] =	vst v38;
	v44 =	vadd.f32 v33, v13;
	v11 =	vmul.f32 v34, v43;
	v46 =	vadd.f32 v36, v22  }
0x6f: {  	[tilespmem:s21+$0x7000] =	vst v40;
	v47 =	vadd.f32 v37, v16;
	v12 =	vmul.f32 v42, v43;
	v48 =	vadd.f32 v9, v3  }
0x70: {  	[tilespmem:s21+$0x8000] =	vst v41;
	v49 =	vmul.f32 v44, v43;
	v50 =	vadd.f32 v11, v5;
	v51 =	vmul.f32 v46, v43  }
0x71: {  	[tilespmem:s21+$0x9000] =	vst v58;
	v52 =	vmul.f32 v47, v43;
	v53 =	vadd.f32 v12, v6;
	v3 =	vmul.f32 v48, v43  }
0x72: {  	[tilespmem:s22+$0x3000] =	vst v56;
	v54 =	vadd.f32 v49, v8;
	v5 =	vmul.f32 v50, v43;
	v55 =	vadd.f32 v51, v15  }
0x73: {  	[tilespmem:s22+$0x4000] =	vst v57;
	v56 =	vadd.f32 v52, v10;
	v6 =	vmul.f32 v53, v43;
	v57 =	vadd.f32 v3, v0  }
0x74: {  	v58 =	vmul.f32 v54, v43;
	v59 =	vadd.f32 v5, v1;
	[tilespmem:s22+$0xA000] =	vst v55  }
0x75: {  	v60 =	vmul.f32 v56, v43;
	v61 =	vadd.f32 v6, v2;
	[tilespmem:s22+$0x5000] =	vst v57  }
0x76: {  	v62 =	vadd.f32 v58, v4;
	[tilespmem:s22+$0x6000] =	vst v59  }
0x77: {  	v63 =	vadd.f32 v60, v7;
	[tilespmem:s22+$0x7000] =	vst v61  }
0x78: {  	[tilespmem:s22+$0x8000] =	vst v62  }
0x79: {  	s21 =	simm.s32 $0x0;
	[tilespmem:s22+$0x9000] =	vst v63;
	s22 =	simm.s32 $0x5000  }
.LBB2_4:
0x7a: {  	s23 =	sshll.u32 s21, $0x7  }
0x7b: {  	s24 =	sadd.s32 $0x1000, s23  }
0x7c: {  	[tilespmem:s13], [sflag:$0x1] =	stream.indirect.gather [hbm4b:s4+s12], $0x10, s24, s12, $0xb8;
	[tilespmem:$0xE860] =	vst v63  }
0x7d: {  	_ = 	snop  }
0x7e: {  	[tilespmem:s14], [sflag:$0x1] =	stream.indirect.gather [hbm4b:s1+s12], $0x10, s24, s12, $0xb8;
	[tilespmem:$0xE860] =	vst v63  }
0x7f: {  	s26 =	sadd.s32 $0x3000, s23  }
0x80: {  	[tilespmem:s15], [sflag:$0x1] =	stream.indirect.gather [hbm4b:s1+s12], $0x10, s26, s12, $0xb8;
	[tilespmem:$0xE860] =	vst v63  }
0x81: {  	s25 =	sadd.s32 $0x2000, s23;
	s24 =	simm.s32 $0xC860  }
0x82: {  	[tilespmem:s24], [sflag:$0x1] =	stream.indirect.gather [hbm4b:s4+s12], $0x10, s25, s12, $0xb8;
	[tilespmem:$0xE860] =	vst v63  }
0x83: {  	_ = 	snop  }
0x84: {  	[tilespmem:s16], [sflag:$0x1] =	stream.indirect.gather [hbm4b:s1+s12], $0x10, s25, s12, $0xb8;
	[tilespmem:$0xE860] =	vst v63  }
0x85: {  	s30 =	sadd.s32 $0x4000, s23  }
0x86: {  	[tilespmem:s17], [sflag:$0x1] =	stream.indirect.gather [hbm4b:s1+s12], $0x10, s30, s12, $0xb8;
	[tilespmem:$0xE860] =	vst v63  }
0x87: {  	_ =	swait.ge [sflag:s18], $0x800  }
0x88: {  	[sflag:s18] =	ssyncset.done $0x0  }
0x89: {  	[sflag:s18] =	ssyncadd.s32 $0xFFFFF800  }
0x8a: {  	_ =	swait.ge [sflag:s18], $0x800  }
0x8b: {  	[sflag:s18] =	ssyncset.done $0x0  }
0x8c: {  	[sflag:s18] =	ssyncadd.s32 $0xFFFFF800  }
0x8d: {  	_ =	swait.ge [sflag:s18], $0x800  }
0x8e: {  	[sflag:s18] =	ssyncset.done $0x0  }
0x8f: {  	[sflag:s18] =	ssyncadd.s32 $0xFFFFF800  }
0x90: {  	_ =	swait.ge [sflag:s18], $0x800  }
0x91: {  	[sflag:s18] =	ssyncset.done $0x0  }
0x92: {  	[sflag:s18] =	ssyncadd.s32 $0xFFFFF800  }
0x93: {  	_ =	swait.ge [sflag:s18], $0x800  }
0x94: {  	v0 =	vmov s22;
	[sflag:s18] =	ssyncset.done $0x0  }
0x95: {  	[sflag:s18] =	ssyncadd.s32 $0xFFFFF800  }
0x96: {  	_ =	swait.ge [sflag:s18], $0x800  }
0x97: {  	[sflag:s18] =	ssyncset.done $0x0  }
0x98: {  	s31 =	simm.s32 $0x0;
	[sflag:s18] =	ssyncadd.s32 $0xFFFFF800  }
0x99: {  	v5 =	vld.idx.msk [tilespmem:v0+s31+$0x1000 ss:$0x1], $0xffff  }
0x9a: {  	v1 =	vld.idx.msk [tilespmem:v0+s31+$0x2000 ss:$0x1], $0xffff  }
0x9b: {  	v6 =	vld.idx.msk [tilespmem:v0+s31+$0x0 ss:$0x1], $0xffff  }
0x9c: {  	v7 =	vld [tilespmem:s24+$0xFFFFE800]  }
0x9d: {  	v8 =	vld [tilespmem:s24+$0xFFFFF000]  }
0x9e: {  	v9 =	vld [tilespmem:s24+$0xFFFFF800]  }
0x9f: {  	v4 =	vld.idx.msk [tilespmem:v0+s31+$0x3000 ss:$0x1], $0xffff  }
0xa0: {  	v2 =	vld.idx.msk [tilespmem:v0+s31+$0x4000 ss:$0x1], $0xffff;
	v10 =	vbroadcast v5, $0x0;
	v11 =	vbroadcast v6, $0x0  }
0xa1: {  	v13 =	vld [tilespmem:s24+$0x0];
	v12 =	vbroadcast v1, $0x0  }
0xa2: {  	v3 =	vld.idx.msk [tilespmem:v0+s31+$0x5000 ss:$0x1], $0xffff;
	v8 =	vmul.f32 v8, v10;
	v7 =	vmul.f32 v7, v11  }
0xa3: {  	v10 =	vld [tilespmem:s24+$0x800]  }
0xa4: {  	v9 =	vmul.f32 v9, v12;
	v11 =	vbroadcast v4, $0x0;
	v7 =	vadd.f32 v8, v7  }
0xa5: {  	v8 =	vld [tilespmem:s24+$0x1000]  }
0xa6: {  	v44 =	vbroadcast v2, $0x0;
	v11 =	vmul.f32 v13, v11;
	v7 =	vadd.f32 v9, v7;
	_ =	sdelay $0x1  }
0xa7: {  	v9 =	vmul.f32 v10, v44;
	v10 =	vbroadcast v3, $0x0;
	v7 =	vadd.f32 v11, v7;
	_ =	sdelay $0x1  }
0xa8: {  	v8 =	vmul.f32 v8, v10;
	v7 =	vadd.f32 v9, v7;
	_ =	sdelay $0x1  }
0xa9: {  	v7 =	vadd.f32 v8, v7  }
0xaa: {  	s25 =	simm.s32 $0xE0E0  }
0xab: {  	[tilespmem:s25+$0xFFFFFF80] =	vst v7  }
0xac: {  	v7 =	vld [tilespmem:s24+$0xFFFFE810]  }
0xad: {  	v8 =	vld [tilespmem:s24+$0xFFFFF010];
	_ =	sdelay $0x1  }
0xae: {  	v9 =	vld [tilespmem:s24+$0xFFFFF810]  }
0xaf: {  	v11 =	vbroadcast v5, $0x1;
	v10 =	vbroadcast v6, $0x1  }
0xb0: {  	v45 =	vbroadcast v1, $0x1;
	v46 =	vld [tilespmem:s24+$0x10]  }
0xb1: {  	v7 =	vmul.f32 v7, v10;
	v8 =	vmul.f32 v8, v11  }
0xb2: {  	v10 =	vld [tilespmem:s24+$0x810]  }
0xb3: {  	v7 =	vadd.f32 v8, v7;
	v8 =	vmul.f32 v9, v45;
	v9 =	vbroadcast v4, $0x1  }
0xb4: {  	v11 =	vld [tilespmem:s24+$0x1010]  }
0xb5: {  	v7 =	vadd.f32 v8, v7;
	v8 =	vmul.f32 v46, v9;
	v9 =	vbroadcast v2, $0x1;
	_ =	sdelay $0x1  }
0xb6: {  	v7 =	vadd.f32 v8, v7;
	v8 =	vmul.f32 v10, v9;
	v9 =	vbroadcast v3, $0x1;
	_ =	sdelay $0x1  }
0xb7: {  	v7 =	vadd.f32 v8, v7;
	v8 =	vmul.f32 v11, v9;
	_ =	sdelay $0x1  }
0xb8: {  	v7 =	vadd.f32 v8, v7;
	_ =	sdelay $0x1  }
0xb9: {  	[tilespmem:s25+$0xFFFFFF90] =	vst v7  }
0xba: {  	v7 =	vld [tilespmem:s24+$0xFFFFE820]  }
0xbb: {  	v8 =	vld [tilespmem:s24+$0xFFFFF020];
	_ =	sdelay $0x1  }
0xbc: {  	v9 =	vbroadcast v6, $0x2;
	v10 =	vld [tilespmem:s24+$0xFFFFF820]  }
0xbd: {  	v11 =	vbroadcast v5, $0x2  }
0xbe: {  	v7 =	vmul.f32 v7, v9;
	v9 =	vld [tilespmem:s24+$0x20]  }
0xbf: {  	v8 =	vmul.f32 v8, v11;
	v11 =	vbroadcast v1, $0x2  }
0xc0: {  	v47 =	vld [tilespmem:s24+$0x820]  }
0xc1: {  	v7 =	vadd.f32 v8, v7;
	v8 =	vmul.f32 v10, v11;
	v10 =	vbroadcast v4, $0x2  }
0xc2: {  	v11 =	vld [tilespmem:s24+$0x1020]  }
0xc3: {  	v7 =	vadd.f32 v8, v7;
	v8 =	vmul.f32 v9, v10;
	v9 =	vbroadcast v2, $0x2;
	_ =	sdelay $0x1  }
0xc4: {  	v7 =	vadd.f32 v8, v7;
	v8 =	vmul.f32 v47, v9;
	v9 =	vbroadcast v3, $0x2;
	_ =	sdelay $0x1  }
0xc5: {  	v7 =	vadd.f32 v8, v7;
	v8 =	vmul.f32 v11, v9;
	_ =	sdelay $0x1  }
0xc6: {  	v7 =	vadd.f32 v8, v7;
	_ =	sdelay $0x1  }
0xc7: {  	[tilespmem:s25+$0xFFFFFFA0] =	vst v7  }
0xc8: {  	v7 =	vld [tilespmem:s24+$0xFFFFE830]  }
0xc9: {  	v8 =	vld [tilespmem:s24+$0xFFFFF030];
	_ =	sdelay $0x1  }
0xca: {  	v9 =	vld [tilespmem:s24+$0xFFFFF830]  }
0xcb: {  	v10 =	vbroadcast v6, $0x3;
	v11 =	vbroadcast v5, $0x3  }
0xcc: {  	v48 =	vbroadcast v1, $0x3;
	v49 =	vld [tilespmem:s24+$0x30]  }
0xcd: {  	v7 =	vmul.f32 v7, v10;
	v8 =	vmul.f32 v8, v11  }
0xce: {  	v10 =	vld [tilespmem:s24+$0x830]  }
0xcf: {  	v7 =	vadd.f32 v8, v7;
	v8 =	vmul.f32 v9, v48;
	v9 =	vbroadcast v4, $0x3  }
0xd0: {  	v11 =	vld [tilespmem:s24+$0x1030]  }
0xd1: {  	v7 =	vadd.f32 v8, v7;
	v8 =	vmul.f32 v49, v9;
	v9 =	vbroadcast v2, $0x3;
	_ =	sdelay $0x1  }
0xd2: {  	v7 =	vadd.f32 v8, v7;
	v8 =	vmul.f32 v10, v9;
	v9 =	vbroadcast v3, $0x3;
	_ =	sdelay $0x1  }
0xd3: {  	v7 =	vadd.f32 v8, v7;
	v8 =	vmul.f32 v11, v9;
	_ =	sdelay $0x1  }
0xd4: {  	v7 =	vadd.f32 v8, v7;
	_ =	sdelay $0x1  }
0xd5: {  	[tilespmem:s25+$0xFFFFFFB0] =	vst v7  }
0xd6: {  	v7 =	vld [tilespmem:s24+$0xFFFFE840]  }
0xd7: {  	v8 =	vld [tilespmem:s24+$0xFFFFF040];
	_ =	sdelay $0x1  }
0xd8: {  	v10 =	vbroadcast v6, $0x4;
	v9 =	vld [tilespmem:s24+$0xFFFFF840]  }
0xd9: {  	v11 =	vbroadcast v5, $0x4  }
0xda: {  	v50 =	vld [tilespmem:s24+$0x40];
	v7 =	vmul.f32 v7, v10  }
0xdb: {  	v8 =	vmul.f32 v8, v11;
	v10 =	vbroadcast v1, $0x4  }
0xdc: {  	v11 =	vld [tilespmem:s24+$0x840]  }
0xdd: {  	v7 =	vadd.f32 v8, v7;
	v8 =	vmul.f32 v9, v10;
	v9 =	vbroadcast v4, $0x4  }
0xde: {  	v10 =	vld [tilespmem:s24+$0x1040]  }
0xdf: {  	v7 =	vadd.f32 v8, v7;
	v8 =	vmul.f32 v50, v9;
	v9 =	vbroadcast v2, $0x4;
	_ =	sdelay $0x1  }
0xe0: {  	v7 =	vadd.f32 v8, v7;
	v8 =	vmul.f32 v11, v9;
	v9 =	vbroadcast v3, $0x4;
	_ =	sdelay $0x1  }
0xe1: {  	v7 =	vadd.f32 v8, v7;
	v8 =	vmul.f32 v10, v9;
	_ =	sdelay $0x1  }
0xe2: {  	v7 =	vadd.f32 v8, v7;
	_ =	sdelay $0x1  }
0xe3: {  	[tilespmem:s25+$0xFFFFFFC0] =	vst v7  }
0xe4: {  	v7 =	vld [tilespmem:s24+$0xFFFFE850]  }
0xe5: {  	v8 =	vld [tilespmem:s24+$0xFFFFF050];
	_ =	sdelay $0x1  }
0xe6: {  	v10 =	vbroadcast v6, $0x5;
	v9 =	vld [tilespmem:s24+$0xFFFFF850]  }
0xe7: {  	v11 =	vbroadcast v5, $0x5  }
0xe8: {  	v51 =	vld [tilespmem:s24+$0x50];
	v7 =	vmul.f32 v7, v10  }
0xe9: {  	v8 =	vmul.f32 v8, v11;
	v10 =	vbroadcast v1, $0x5  }
0xea: {  	v11 =	vld [tilespmem:s24+$0x850]  }
0xeb: {  	v7 =	vadd.f32 v8, v7;
	v8 =	vmul.f32 v9, v10;
	v9 =	vbroadcast v4, $0x5  }
0xec: {  	v10 =	vld [tilespmem:s24+$0x1050]  }
0xed: {  	v7 =	vadd.f32 v8, v7;
	v8 =	vmul.f32 v51, v9;
	v9 =	vbroadcast v2, $0x5;
	_ =	sdelay $0x1  }
0xee: {  	v7 =	vadd.f32 v8, v7;
	v8 =	vmul.f32 v11, v9;
	v9 =	vbroadcast v3, $0x5;
	_ =	sdelay $0x1  }
0xef: {  	v7 =	vadd.f32 v8, v7;
	v8 =	vmul.f32 v10, v9;
	_ =	sdelay $0x1  }
0xf0: {  	v7 =	vadd.f32 v8, v7;
	_ =	sdelay $0x1  }
0xf1: {  	[tilespmem:s25+$0xFFFFFFD0] =	vst v7  }
0xf2: {  	v7 =	vld [tilespmem:s24+$0xFFFFE860]  }
0xf3: {  	v8 =	vld [tilespmem:s24+$0xFFFFF060];
	_ =	sdelay $0x1  }
0xf4: {  	v10 =	vbroadcast v6, $0x6;
	v9 =	vld [tilespmem:s24+$0xFFFFF860]  }
0xf5: {  	v11 =	vbroadcast v5, $0x6  }
0xf6: {  	v52 =	vld [tilespmem:s24+$0x60];
	v7 =	vmul.f32 v7, v10  }
0xf7: {  	v8 =	vmul.f32 v8, v11;
	v10 =	vbroadcast v1, $0x6  }
0xf8: {  	v11 =	vld [tilespmem:s24+$0x860]  }
0xf9: {  	v7 =	vadd.f32 v8, v7;
	v8 =	vmul.f32 v9, v10;
	v9 =	vbroadcast v4, $0x6  }
0xfa: {  	v10 =	vld [tilespmem:s24+$0x1060]  }
0xfb: {  	v7 =	vadd.f32 v8, v7;
	v8 =	vmul.f32 v52, v9;
	v9 =	vbroadcast v2, $0x6;
	_ =	sdelay $0x1  }
0xfc: {  	v7 =	vadd.f32 v8, v7;
	v8 =	vmul.f32 v11, v9;
	v9 =	vbroadcast v3, $0x6;
	_ =	sdelay $0x1  }
0xfd: {  	v7 =	vadd.f32 v8, v7;
	v8 =	vmul.f32 v10, v9;
	_ =	sdelay $0x1  }
0xfe: {  	v7 =	vadd.f32 v8, v7;
	_ =	sdelay $0x1  }
0xff: {  	[tilespmem:s25+$0xFFFFFFE0] =	vst v7  }
0x100: {  	v7 =	vld [tilespmem:s24+$0xFFFFE870]  }
0x101: {  	v8 =	vld [tilespmem:s24+$0xFFFFF070];
	_ =	sdelay $0x1  }
0x102: {  	v9 =	vld [tilespmem:s24+$0xFFFFF870]  }
0x103: {  	v11 =	vbroadcast v5, $0x7;
	v10 =	vbroadcast v6, $0x7  }
0x104: {  	v53 =	vbroadcast v1, $0x7;
	v54 =	vld [tilespmem:s24+$0x70]  }
0x105: {  	v7 =	vmul.f32 v7, v10;
	v8 =	vmul.f32 v8, v11  }
0x106: {  	v10 =	vld [tilespmem:s24+$0x870]  }
0x107: {  	v7 =	vadd.f32 v8, v7;
	v8 =	vmul.f32 v9, v53;
	v9 =	vbroadcast v4, $0x7  }
0x108: {  	v11 =	vld [tilespmem:s24+$0x1070]  }
0x109: {  	v7 =	vadd.f32 v8, v7;
	v8 =	vmul.f32 v54, v9;
	v9 =	vbroadcast v2, $0x7;
	_ =	sdelay $0x1  }
0x10a: {  	v7 =	vadd.f32 v8, v7;
	v8 =	vmul.f32 v10, v9;
	v9 =	vbroadcast v3, $0x7;
	_ =	sdelay $0x1  }
0x10b: {  	v7 =	vadd.f32 v8, v7;
	v8 =	vmul.f32 v11, v9;
	_ =	sdelay $0x1  }
0x10c: {  	v7 =	vadd.f32 v8, v7;
	_ =	sdelay $0x1  }
0x10d: {  	[tilespmem:s25+$0xFFFFFFF0] =	vst v7  }
0x10e: {  	v7 =	vld [tilespmem:s24+$0xFFFFE880]  }
0x10f: {  	v8 =	vld [tilespmem:s24+$0xFFFFF080];
	_ =	sdelay $0x1  }
0x110: {  	v10 =	vbroadcast v6, $0x8;
	v9 =	vld [tilespmem:s24+$0xFFFFF880]  }
0x111: {  	v11 =	vbroadcast v5, $0x8  }
0x112: {  	v55 =	vld [tilespmem:s24+$0x80];
	v7 =	vmul.f32 v7, v10  }
0x113: {  	v8 =	vmul.f32 v8, v11;
	v10 =	vbroadcast v1, $0x8  }
0x114: {  	v11 =	vld [tilespmem:s24+$0x880]  }
0x115: {  	v7 =	vadd.f32 v8, v7;
	v8 =	vmul.f32 v9, v10;
	v9 =	vbroadcast v4, $0x8  }
0x116: {  	v10 =	vld [tilespmem:s24+$0x1080]  }
0x117: {  	v7 =	vadd.f32 v8, v7;
	v8 =	vmul.f32 v55, v9;
	v9 =	vbroadcast v2, $0x8;
	_ =	sdelay $0x1  }
0x118: {  	v7 =	vadd.f32 v8, v7;
	v8 =	vmul.f32 v11, v9;
	v9 =	vbroadcast v3, $0x8;
	_ =	sdelay $0x1  }
0x119: {  	v7 =	vadd.f32 v8, v7;
	v8 =	vmul.f32 v10, v9;
	_ =	sdelay $0x1  }
0x11a: {  	v7 =	vadd.f32 v8, v7;
	_ =	sdelay $0x1  }
0x11b: {  	[tilespmem:s25+$0x0] =	vst v7  }
0x11c: {  	v7 =	vld [tilespmem:s24+$0xFFFFE890]  }
0x11d: {  	v8 =	vld [tilespmem:s24+$0xFFFFF090];
	_ =	sdelay $0x1  }
0x11e: {  	v10 =	vbroadcast v6, $0x9;
	v9 =	vld [tilespmem:s24+$0xFFFFF890]  }
0x11f: {  	v11 =	vbroadcast v5, $0x9  }
0x120: {  	v56 =	vld [tilespmem:s24+$0x90];
	v7 =	vmul.f32 v7, v10  }
0x121: {  	v8 =	vmul.f32 v8, v11;
	v10 =	vbroadcast v1, $0x9  }
0x122: {  	v11 =	vld [tilespmem:s24+$0x890]  }
0x123: {  	v7 =	vadd.f32 v8, v7;
	v8 =	vmul.f32 v9, v10;
	v9 =	vbroadcast v4, $0x9  }
0x124: {  	v10 =	vld [tilespmem:s24+$0x1090]  }
0x125: {  	v7 =	vadd.f32 v8, v7;
	v8 =	vmul.f32 v56, v9;
	v9 =	vbroadcast v2, $0x9;
	_ =	sdelay $0x1  }
0x126: {  	v7 =	vadd.f32 v8, v7;
	v8 =	vmul.f32 v11, v9;
	v9 =	vbroadcast v3, $0x9;
	_ =	sdelay $0x1  }
0x127: {  	v7 =	vadd.f32 v8, v7;
	v8 =	vmul.f32 v10, v9;
	_ =	sdelay $0x1  }
0x128: {  	v7 =	vadd.f32 v8, v7;
	_ =	sdelay $0x1  }
0x129: {  	[tilespmem:s25+$0x10] =	vst v7  }
0x12a: {  	v7 =	vld [tilespmem:s24+$0xFFFFE8A0]  }
0x12b: {  	v8 =	vld [tilespmem:s24+$0xFFFFF0A0];
	_ =	sdelay $0x1  }
0x12c: {  	v9 =	vld [tilespmem:s24+$0xFFFFF8A0]  }
0x12d: {  	v11 =	vbroadcast v5, $0xA;
	v10 =	vbroadcast v6, $0xA  }
0x12e: {  	v58 =	vbroadcast v1, $0xA;
	v57 =	vld [tilespmem:s24+$0xA0]  }
0x12f: {  	v7 =	vmul.f32 v7, v10;
	v8 =	vmul.f32 v8, v11  }
0x130: {  	v10 =	vld [tilespmem:s24+$0x8A0]  }
0x131: {  	v7 =	vadd.f32 v8, v7;
	v8 =	vmul.f32 v9, v58;
	v9 =	vbroadcast v4, $0xA  }
0x132: {  	v11 =	vld [tilespmem:s24+$0x10A0]  }
0x133: {  	v7 =	vadd.f32 v8, v7;
	v8 =	vmul.f32 v57, v9;
	v9 =	vbroadcast v2, $0xA;
	_ =	sdelay $0x1  }
0x134: {  	v7 =	vadd.f32 v8, v7;
	v8 =	vmul.f32 v10, v9;
	v9 =	vbroadcast v3, $0xA;
	_ =	sdelay $0x1  }
0x135: {  	v7 =	vadd.f32 v8, v7;
	v8 =	vmul.f32 v11, v9;
	_ =	sdelay $0x1  }
0x136: {  	v7 =	vadd.f32 v8, v7;
	_ =	sdelay $0x1  }
0x137: {  	[tilespmem:s25+$0x20] =	vst v7  }
0x138: {  	v7 =	vld [tilespmem:s24+$0xFFFFE8B0]  }
0x139: {  	v8 =	vld [tilespmem:s24+$0xFFFFF0B0];
	_ =	sdelay $0x1  }
0x13a: {  	v9 =	vbroadcast v6, $0xB;
	v10 =	vld [tilespmem:s24+$0xFFFFF8B0]  }
0x13b: {  	v11 =	vbroadcast v5, $0xB  }
0x13c: {  	v59 =	vld [tilespmem:s24+$0xB0];
	v7 =	vmul.f32 v7, v9  }
0x13d: {  	v8 =	vmul.f32 v8, v11;
	v9 =	vbroadcast v1, $0xB  }
0x13e: {  	v11 =	vld [tilespmem:s24+$0x8B0]  }
0x13f: {  	v7 =	vadd.f32 v8, v7;
	v8 =	vmul.f32 v10, v9;
	v9 =	vbroadcast v4, $0xB  }
0x140: {  	v10 =	vld [tilespmem:s24+$0x10B0]  }
0x141: {  	v7 =	vadd.f32 v8, v7;
	v8 =	vmul.f32 v59, v9;
	v9 =	vbroadcast v2, $0xB;
	_ =	sdelay $0x1  }
0x142: {  	v7 =	vadd.f32 v8, v7;
	v8 =	vmul.f32 v11, v9;
	v9 =	vbroadcast v3, $0xB;
	_ =	sdelay $0x1  }
0x143: {  	v7 =	vadd.f32 v8, v7;
	v8 =	vmul.f32 v10, v9;
	_ =	sdelay $0x1  }
0x144: {  	v7 =	vadd.f32 v8, v7;
	_ =	sdelay $0x1  }
0x145: {  	[tilespmem:s25+$0x30] =	vst v7  }
0x146: {  	v7 =	vld [tilespmem:s24+$0xFFFFF0C0]  }
0x147: {  	v8 =	vld [tilespmem:s24+$0xFFFFE8C0];
	_ =	sdelay $0x1  }
0x148: {  	v10 =	vbroadcast v5, $0xC;
	v9 =	vld [tilespmem:s24+$0xFFFFF8C0]  }
0x149: {  	v11 =	vbroadcast v6, $0xC  }
0x14a: {  	v60 =	vld [tilespmem:s24+$0xC0];
	v7 =	vmul.f32 v7, v10  }
0x14b: {  	v8 =	vmul.f32 v8, v11;
	v10 =	vbroadcast v1, $0xC  }
0x14c: {  	v11 =	vld [tilespmem:s24+$0x8C0]  }
0x14d: {  	v7 =	vadd.f32 v7, v8;
	v8 =	vmul.f32 v9, v10;
	v9 =	vbroadcast v4, $0xC  }
0x14e: {  	v10 =	vld [tilespmem:s24+$0x10C0]  }
0x14f: {  	v7 =	vadd.f32 v8, v7;
	v8 =	vmul.f32 v60, v9;
	v9 =	vbroadcast v2, $0xC;
	_ =	sdelay $0x1  }
0x150: {  	v7 =	vadd.f32 v8, v7;
	v8 =	vmul.f32 v11, v9;
	v9 =	vbroadcast v3, $0xC;
	_ =	sdelay $0x1  }
0x151: {  	v7 =	vadd.f32 v8, v7;
	v8 =	vmul.f32 v10, v9;
	_ =	sdelay $0x1  }
0x152: {  	v7 =	vadd.f32 v8, v7;
	_ =	sdelay $0x1  }
0x153: {  	[tilespmem:s25+$0x40] =	vst v7  }
0x154: {  	v7 =	vld [tilespmem:s24+$0xFFFFE8D0]  }
0x155: {  	v8 =	vld [tilespmem:s24+$0xFFFFF0D0];
	_ =	sdelay $0x1  }
0x156: {  	v9 =	vld [tilespmem:s24+$0xFFFFF8D0]  }
0x157: {  	v11 =	vbroadcast v5, $0xD;
	v10 =	vbroadcast v6, $0xD  }
0x158: {  	v62 =	vbroadcast v1, $0xD;
	v61 =	vld [tilespmem:s24+$0xD0]  }
0x159: {  	v7 =	vmul.f32 v7, v10;
	v8 =	vmul.f32 v8, v11  }
0x15a: {  	v10 =	vld [tilespmem:s24+$0x8D0]  }
0x15b: {  	v7 =	vadd.f32 v8, v7;
	v8 =	vmul.f32 v9, v62;
	v9 =	vbroadcast v4, $0xD  }
0x15c: {  	v11 =	vld [tilespmem:s24+$0x10D0]  }
0x15d: {  	v7 =	vadd.f32 v8, v7;
	v8 =	vmul.f32 v61, v9;
	v9 =	vbroadcast v2, $0xD;
	_ =	sdelay $0x1  }
0x15e: {  	v7 =	vadd.f32 v8, v7;
	v8 =	vmul.f32 v10, v9;
	v9 =	vbroadcast v3, $0xD;
	_ =	sdelay $0x1  }
0x15f: {  	v7 =	vadd.f32 v8, v7;
	v8 =	vmul.f32 v11, v9;
	_ =	sdelay $0x1  }
0x160: {  	v7 =	vadd.f32 v8, v7;
	_ =	sdelay $0x1  }
0x161: {  	[tilespmem:s25+$0x50] =	vst v7  }
0x162: {  	v7 =	vld [tilespmem:s24+$0xFFFFE8E0]  }
0x163: {  	v8 =	vld [tilespmem:s24+$0xFFFFF0E0];
	_ =	sdelay $0x1  }
0x164: {  	v10 =	vbroadcast v6, $0xE;
	v9 =	vld [tilespmem:s24+$0xFFFFF8E0]  }
0x165: {  	v11 =	vbroadcast v5, $0xE  }
0x166: {  	v63 =	vld [tilespmem:s24+$0xE0];
	v7 =	vmul.f32 v7, v10  }
0x167: {  	v8 =	vmul.f32 v8, v11;
	v10 =	vbroadcast v1, $0xE  }
0x168: {  	v11 =	vld [tilespmem:s24+$0x8E0]  }
0x169: {  	v7 =	vadd.f32 v8, v7;
	v8 =	vmul.f32 v9, v10;
	v9 =	vbroadcast v4, $0xE  }
0x16a: {  	v10 =	vld [tilespmem:s24+$0x10E0]  }
0x16b: {  	v7 =	vadd.f32 v8, v7;
	v8 =	vmul.f32 v63, v9;
	v9 =	vbroadcast v2, $0xE;
	_ =	sdelay $0x1  }
0x16c: {  	v7 =	vadd.f32 v8, v7;
	v8 =	vmul.f32 v11, v9;
	v9 =	vbroadcast v3, $0xE;
	_ =	sdelay $0x1  }
0x16d: {  	s29 =	simm.s32 $0x40;
	s28 =	simm.s32 $0xC860;
	s26 =	simm.s32 $0xE0E0;
	v7 =	vadd.f32 v8, v7;
	v8 =	vmul.f32 v10, v9  }
.LBB2_5:
0x16e: {  	p0 =	sne.s32 s29, $0x1C0;
	s24 =	sadd.s32 $0x100, s24;
	s25 =	sadd.s32 $0x100, s25  }
0x16f: {  	s30 =	smov.u32 s29;
	s29 =	sadd.s32 $0x40, s29;
	v7 =	vadd.f32 v8, v7;
	_ =	sdelay $0x1  }
0x170: {  	[tilespmem:s26+$0x60] =	vst v7  }
0x171: {  	v7 =	vld [tilespmem:s28+$0xFFFFE8F0]  }
0x172: {  	v8 =	vld [tilespmem:s28+$0xFFFFF0F0]  }
0x173: {  	v9 =	vld [tilespmem:s28+$0xFFFFF8F0]  }
0x174: {  	v6 =	vbroadcast v6, $0xF;
	v10 =	vld [tilespmem:s28+$0xF0]  }
0x175: {  	v5 =	vbroadcast v5, $0xF;
	v11 =	vld [tilespmem:s28+$0x8F0]  }
0x176: {  	v6 =	vmul.f32 v7, v6;
	v7 =	vld [tilespmem:s28+$0x10F0];
	s28 =	smov.u32 s24  }
0x177: {  	v1 =	vbroadcast v1, $0xF;
	v5 =	vmul.f32 v8, v5;
	_ =	sdelay $0x1  }
0x178: {  	v4 =	vbroadcast v4, $0xF;
	v1 =	vmul.f32 v9, v1;
	v5 =	vadd.f32 v5, v6;
	_ =	sdelay $0x1  }
0x179: {  	v2 =	vbroadcast v2, $0xF;
	v4 =	vmul.f32 v10, v4;
	v1 =	vadd.f32 v1, v5;
	_ =	sdelay $0x1  }
0x17a: {  	v3 =	vbroadcast v3, $0xF;
	v2 =	vmul.f32 v11, v2;
	v1 =	vadd.f32 v4, v1;
	_ =	sdelay $0x1  }
0x17b: {  	v1 =	vadd.f32 v2, v1;
	v2 =	vmul.f32 v7, v3;
	_ =	sdelay $0x1  }
0x17c: {  	v1 =	vadd.f32 v2, v1;
	_ =	sdelay $0x1  }
0x17d: {  	s30 =	sshra.s32 s30, $0x2;
	[tilespmem:s26+$0x70] =	vst v1;
	s26 =	smov.u32 s25  }
0x17e: {  	v5 =	vld.idx.msk [tilespmem:v0+s30+$0x1000 ss:$0x1], $0xffff  }
0x17f: {  	v1 =	vld.idx.msk [tilespmem:v0+s30+$0x2000 ss:$0x1], $0xffff  }
0x180: {  	v6 =	vld.idx.msk [tilespmem:v0+s30+$0x0 ss:$0x1], $0xffff  }
0x181: {  	v7 =	vld [tilespmem:s24+$0xFFFFF800]  }
0x182: {  	v8 =	vld [tilespmem:s24+$0xFFFFE800]  }
0x183: {  	v9 =	vld [tilespmem:s24+$0xFFFFF000]  }
0x184: {  	v4 =	vld.idx.msk [tilespmem:v0+s30+$0x3000 ss:$0x1], $0xffff;
	_ =	sdelay $0x1  }
0x185: {  	v10 =	vbroadcast v5, $0x0;
	v11 =	vbroadcast v1, $0x0;
	v2 =	vld.idx.msk [tilespmem:v0+s30+$0x4000 ss:$0x1], $0xffff  }
0x186: {  	v12 =	vbroadcast v6, $0x0;
	v13 =	vld [tilespmem:s24+$0x0]  }
0x187: {  	v7 =	vmul.f32 v7, v11;
	v3 =	vld.idx.msk [tilespmem:v0+s30+$0x5000 ss:$0x1], $0xffff;
	v9 =	vmul.f32 v9, v10  }
0x188: {  	v8 =	vmul.f32 v8, v12;
	v10 =	vld [tilespmem:s24+$0x800]  }
0x189: {  	v11 =	vbroadcast v4, $0x0  }
0x18a: {  	v8 =	vadd.f32 v9, v8;
	v9 =	vld [tilespmem:s24+$0x1000]  }
0x18b: {  	v12 =	vbroadcast v2, $0x0;
	v11 =	vmul.f32 v13, v11  }
0x18c: {  	v7 =	vadd.f32 v7, v8  }
0x18d: {  	v8 =	vmul.f32 v10, v12;
	v10 =	vbroadcast v3, $0x0  }
0x18e: {  	v7 =	vadd.f32 v11, v7  }
0x18f: {  	v9 =	vmul.f32 v9, v10  }
0x190: {  	v7 =	vadd.f32 v8, v7;
	_ =	sdelay $0x1  }
0x191: {  	v7 =	vadd.f32 v9, v7;
	_ =	sdelay $0x1  }
0x192: {  	[tilespmem:s25+$0xFFFFFF80] =	vst v7  }
0x193: {  	v7 =	vld [tilespmem:s24+$0xFFFFE810]  }
0x194: {  	v8 =	vld [tilespmem:s24+$0xFFFFF010];
	_ =	sdelay $0x1  }
0x195: {  	v9 =	vld [tilespmem:s24+$0xFFFFF810]  }
0x196: {  	v11 =	vbroadcast v5, $0x1;
	v10 =	vbroadcast v6, $0x1  }
0x197: {  	v12 =	vbroadcast v1, $0x1;
	v13 =	vld [tilespmem:s24+$0x10]  }
0x198: {  	v7 =	vmul.f32 v7, v10;
	v8 =	vmul.f32 v8, v11  }
0x199: {  	v10 =	vld [tilespmem:s24+$0x810]  }
0x19a: {  	v7 =	vadd.f32 v8, v7;
	v8 =	vmul.f32 v9, v12;
	v9 =	vbroadcast v4, $0x1  }
0x19b: {  	v11 =	vld [tilespmem:s24+$0x1010]  }
0x19c: {  	v7 =	vadd.f32 v8, v7;
	v8 =	vmul.f32 v13, v9;
	v9 =	vbroadcast v2, $0x1;
	_ =	sdelay $0x1  }
0x19d: {  	v7 =	vadd.f32 v8, v7;
	v8 =	vmul.f32 v10, v9;
	v9 =	vbroadcast v3, $0x1;
	_ =	sdelay $0x1  }
0x19e: {  	v7 =	vadd.f32 v8, v7;
	v8 =	vmul.f32 v11, v9;
	_ =	sdelay $0x1  }
0x19f: {  	v7 =	vadd.f32 v8, v7;
	_ =	sdelay $0x1  }
0x1a0: {  	[tilespmem:s25+$0xFFFFFF90] =	vst v7  }
0x1a1: {  	v7 =	vld [tilespmem:s24+$0xFFFFE820]  }
0x1a2: {  	v8 =	vld [tilespmem:s24+$0xFFFFF020];
	_ =	sdelay $0x1  }
0x1a3: {  	v9 =	vbroadcast v6, $0x2;
	v10 =	vld [tilespmem:s24+$0xFFFFF820]  }
0x1a4: {  	v11 =	vbroadcast v5, $0x2  }
0x1a5: {  	v7 =	vmul.f32 v7, v9;
	v9 =	vld [tilespmem:s24+$0x20]  }
0x1a6: {  	v8 =	vmul.f32 v8, v11;
	v11 =	vbroadcast v1, $0x2  }
0x1a7: {  	v12 =	vld [tilespmem:s24+$0x820]  }
0x1a8: {  	v7 =	vadd.f32 v8, v7;
	v8 =	vmul.f32 v10, v11;
	v10 =	vbroadcast v4, $0x2  }
0x1a9: {  	v11 =	vld [tilespmem:s24+$0x1020]  }
0x1aa: {  	v7 =	vadd.f32 v8, v7;
	v8 =	vmul.f32 v9, v10;
	v9 =	vbroadcast v2, $0x2;
	_ =	sdelay $0x1  }
0x1ab: {  	v7 =	vadd.f32 v8, v7;
	v8 =	vmul.f32 v12, v9;
	v9 =	vbroadcast v3, $0x2;
	_ =	sdelay $0x1  }
0x1ac: {  	v7 =	vadd.f32 v8, v7;
	v8 =	vmul.f32 v11, v9;
	_ =	sdelay $0x1  }
0x1ad: {  	v7 =	vadd.f32 v8, v7;
	_ =	sdelay $0x1  }
0x1ae: {  	[tilespmem:s25+$0xFFFFFFA0] =	vst v7  }
0x1af: {  	v7 =	vld [tilespmem:s24+$0xFFFFE830]  }
0x1b0: {  	v8 =	vld [tilespmem:s24+$0xFFFFF030];
	_ =	sdelay $0x1  }
0x1b1: {  	v9 =	vld [tilespmem:s24+$0xFFFFF830]  }
0x1b2: {  	v10 =	vbroadcast v6, $0x3;
	v11 =	vbroadcast v5, $0x3  }
0x1b3: {  	v12 =	vbroadcast v1, $0x3;
	v13 =	vld [tilespmem:s24+$0x30]  }
0x1b4: {  	v7 =	vmul.f32 v7, v10;
	v8 =	vmul.f32 v8, v11  }
0x1b5: {  	v10 =	vld [tilespmem:s24+$0x830]  }
0x1b6: {  	v7 =	vadd.f32 v8, v7;
	v8 =	vmul.f32 v9, v12;
	v9 =	vbroadcast v4, $0x3  }
0x1b7: {  	v11 =	vld [tilespmem:s24+$0x1030]  }
0x1b8: {  	v7 =	vadd.f32 v8, v7;
	v8 =	vmul.f32 v13, v9;
	v9 =	vbroadcast v2, $0x3;
	_ =	sdelay $0x1  }
0x1b9: {  	v7 =	vadd.f32 v8, v7;
	v8 =	vmul.f32 v10, v9;
	v9 =	vbroadcast v3, $0x3;
	_ =	sdelay $0x1  }
0x1ba: {  	v7 =	vadd.f32 v8, v7;
	v8 =	vmul.f32 v11, v9;
	_ =	sdelay $0x1  }
0x1bb: {  	v7 =	vadd.f32 v8, v7;
	_ =	sdelay $0x1  }
0x1bc: {  	[tilespmem:s25+$0xFFFFFFB0] =	vst v7  }
0x1bd: {  	v7 =	vld [tilespmem:s24+$0xFFFFE840]  }
0x1be: {  	v8 =	vld [tilespmem:s24+$0xFFFFF040]  }
0x1bf: {  	v9 =	vld [tilespmem:s24+$0xFFFFF840]  }
0x1c0: {  	v10 =	vbroadcast v6, $0x4;
	v11 =	vld [tilespmem:s24+$0x40]  }
0x1c1: {  	v12 =	vbroadcast v5, $0x4;
	v13 =	vld [tilespmem:s24+$0x840]  }
0x1c2: {  	v7 =	vmul.f32 v7, v10;
	v10 =	vld [tilespmem:s24+$0x1040]  }
0x1c3: {  	v8 =	vmul.f32 v8, v12;
	v12 =	vbroadcast v1, $0x4;
	_ =	sdelay $0x1  }
0x1c4: {  	v7 =	vadd.f32 v8, v7;
	v8 =	vmul.f32 v9, v12;
	v9 =	vbroadcast v4, $0x4;
	_ =	sdelay $0x1  }
0x1c5: {  	v7 =	vadd.f32 v8, v7;
	v8 =	vmul.f32 v11, v9;
	v9 =	vbroadcast v2, $0x4;
	_ =	sdelay $0x1  }
0x1c6: {  	v7 =	vadd.f32 v8, v7;
	v8 =	vmul.f32 v13, v9;
	v9 =	vbroadcast v3, $0x4;
	_ =	sdelay $0x1  }
0x1c7: {  	v7 =	vadd.f32 v8, v7;
	v8 =	vmul.f32 v10, v9;
	_ =	sdelay $0x1  }
0x1c8: {  	v7 =	vadd.f32 v8, v7;
	_ =	sdelay $0x1  }
0x1c9: {  	[tilespmem:s25+$0xFFFFFFC0] =	vst v7  }
0x1ca: {  	v7 =	vld [tilespmem:s24+$0xFFFFE850]  }
0x1cb: {  	v8 =	vld [tilespmem:s24+$0xFFFFF050]  }
0x1cc: {  	v9 =	vld [tilespmem:s24+$0xFFFFF850]  }
0x1cd: {  	v10 =	vbroadcast v6, $0x5;
	v11 =	vld [tilespmem:s24+$0x50]  }
0x1ce: {  	v12 =	vbroadcast v5, $0x5;
	v13 =	vld [tilespmem:s24+$0x850]  }
0x1cf: {  	v7 =	vmul.f32 v7, v10;
	v10 =	vld [tilespmem:s24+$0x1050]  }
0x1d0: {  	v8 =	vmul.f32 v8, v12;
	v12 =	vbroadcast v1, $0x5;
	_ =	sdelay $0x1  }
0x1d1: {  	v7 =	vadd.f32 v8, v7;
	v8 =	vmul.f32 v9, v12;
	v9 =	vbroadcast v4, $0x5;
	_ =	sdelay $0x1  }
0x1d2: {  	v7 =	vadd.f32 v8, v7;
	v8 =	vmul.f32 v11, v9;
	v9 =	vbroadcast v2, $0x5;
	_ =	sdelay $0x1  }
0x1d3: {  	v7 =	vadd.f32 v8, v7;
	v8 =	vmul.f32 v13, v9;
	v9 =	vbroadcast v3, $0x5;
	_ =	sdelay $0x1  }
0x1d4: {  	v7 =	vadd.f32 v8, v7;
	v8 =	vmul.f32 v10, v9;
	_ =	sdelay $0x1  }
0x1d5: {  	v7 =	vadd.f32 v8, v7;
	_ =	sdelay $0x1  }
0x1d6: {  	[tilespmem:s25+$0xFFFFFFD0] =	vst v7  }
0x1d7: {  	v7 =	vld [tilespmem:s24+$0xFFFFE860]  }
0x1d8: {  	v8 =	vld [tilespmem:s24+$0xFFFFF060]  }
0x1d9: {  	v9 =	vld [tilespmem:s24+$0xFFFFF860]  }
0x1da: {  	v10 =	vbroadcast v6, $0x6;
	v11 =	vld [tilespmem:s24+$0x60]  }
0x1db: {  	v12 =	vbroadcast v5, $0x6;
	v13 =	vld [tilespmem:s24+$0x860]  }
0x1dc: {  	v7 =	vmul.f32 v7, v10;
	v10 =	vld [tilespmem:s24+$0x1060]  }
0x1dd: {  	v8 =	vmul.f32 v8, v12;
	v12 =	vbroadcast v1, $0x6;
	_ =	sdelay $0x1  }
0x1de: {  	v7 =	vadd.f32 v8, v7;
	v8 =	vmul.f32 v9, v12;
	v9 =	vbroadcast v4, $0x6;
	_ =	sdelay $0x1  }
0x1df: {  	v7 =	vadd.f32 v8, v7;
	v8 =	vmul.f32 v11, v9;
	v9 =	vbroadcast v2, $0x6;
	_ =	sdelay $0x1  }
0x1e0: {  	v7 =	vadd.f32 v8, v7;
	v8 =	vmul.f32 v13, v9;
	v9 =	vbroadcast v3, $0x6;
	_ =	sdelay $0x1  }
0x1e1: {  	v7 =	vadd.f32 v8, v7;
	v8 =	vmul.f32 v10, v9;
	_ =	sdelay $0x1  }
0x1e2: {  	v7 =	vadd.f32 v8, v7;
	_ =	sdelay $0x1  }
0x1e3: {  	[tilespmem:s25+$0xFFFFFFE0] =	vst v7  }
0x1e4: {  	v7 =	vld [tilespmem:s24+$0xFFFFE870]  }
0x1e5: {  	v8 =	vld [tilespmem:s24+$0xFFFFF870];
	_ =	sdelay $0x1  }
0x1e6: {  	v9 =	vld [tilespmem:s24+$0xFFFFF070];
	_ =	sdelay $0x2  }
0x1e7: {  	v11 =	vbroadcast v5, $0x7;
	v10 =	vbroadcast v6, $0x7  }
0x1e8: {  	v12 =	vbroadcast v1, $0x7;
	v13 =	vld [tilespmem:s24+$0x70]  }
0x1e9: {  	v7 =	vmul.f32 v7, v10;
	v9 =	vmul.f32 v9, v11  }
0x1ea: {  	v10 =	vld [tilespmem:s24+$0x870]  }
0x1eb: {  	v8 =	vmul.f32 v8, v12;
	v7 =	vadd.f32 v9, v7;
	v9 =	vbroadcast v4, $0x7  }
0x1ec: {  	v11 =	vld [tilespmem:s24+$0x1070]  }
0x1ed: {  	v7 =	vadd.f32 v8, v7;
	v8 =	vmul.f32 v13, v9;
	v9 =	vbroadcast v2, $0x7;
	_ =	sdelay $0x1  }
0x1ee: {  	v7 =	vadd.f32 v8, v7;
	v8 =	vmul.f32 v10, v9;
	v9 =	vbroadcast v3, $0x7;
	_ =	sdelay $0x1  }
0x1ef: {  	v7 =	vadd.f32 v8, v7;
	v8 =	vmul.f32 v11, v9;
	_ =	sdelay $0x1  }
0x1f0: {  	v7 =	vadd.f32 v8, v7;
	_ =	sdelay $0x1  }
0x1f1: {  	[tilespmem:s25+$0xFFFFFFF0] =	vst v7  }
0x1f2: {  	v7 =	vld [tilespmem:s24+$0xFFFFE880]  }
0x1f3: {  	v8 =	vld [tilespmem:s24+$0xFFFFF080]  }
0x1f4: {  	v9 =	vld [tilespmem:s24+$0xFFFFF880]  }
0x1f5: {  	v10 =	vbroadcast v6, $0x8;
	v11 =	vld [tilespmem:s24+$0x80]  }
0x1f6: {  	v12 =	vbroadcast v5, $0x8  }
0x1f7: {  	v7 =	vmul.f32 v7, v10  }
0x1f8: {  	v10 =	vbroadcast v1, $0x8;
	v8 =	vmul.f32 v8, v12  }
0x1f9: {  	v12 =	vld [tilespmem:s24+$0x880]  }
0x1fa: {  	v7 =	vadd.f32 v8, v7;
	v8 =	vmul.f32 v9, v10;
	v9 =	vbroadcast v4, $0x8  }
0x1fb: {  	v10 =	vld [tilespmem:s24+$0x1080]  }
0x1fc: {  	v7 =	vadd.f32 v8, v7;
	v8 =	vmul.f32 v11, v9;
	v9 =	vbroadcast v2, $0x8;
	_ =	sdelay $0x1  }
0x1fd: {  	v7 =	vadd.f32 v8, v7;
	v8 =	vmul.f32 v12, v9;
	v9 =	vbroadcast v3, $0x8;
	_ =	sdelay $0x1  }
0x1fe: {  	v7 =	vadd.f32 v8, v7;
	v8 =	vmul.f32 v10, v9;
	_ =	sdelay $0x1  }
0x1ff: {  	v7 =	vadd.f32 v8, v7;
	_ =	sdelay $0x1  }
0x200: {  	[tilespmem:s25+$0x0] =	vst v7  }
0x201: {  	v7 =	vld [tilespmem:s24+$0xFFFFE890]  }
0x202: {  	v8 =	vld [tilespmem:s24+$0xFFFFF090]  }
0x203: {  	v9 =	vld [tilespmem:s24+$0xFFFFF890]  }
0x204: {  	v10 =	vbroadcast v6, $0x9;
	v11 =	vld [tilespmem:s24+$0x90]  }
0x205: {  	v12 =	vbroadcast v5, $0x9;
	v13 =	vld [tilespmem:s24+$0x890]  }
0x206: {  	v7 =	vmul.f32 v7, v10;
	v10 =	vld [tilespmem:s24+$0x1090]  }
0x207: {  	v8 =	vmul.f32 v8, v12;
	v12 =	vbroadcast v1, $0x9;
	_ =	sdelay $0x1  }
0x208: {  	v7 =	vadd.f32 v8, v7;
	v8 =	vmul.f32 v9, v12;
	v9 =	vbroadcast v4, $0x9;
	_ =	sdelay $0x1  }
0x209: {  	v7 =	vadd.f32 v8, v7;
	v8 =	vmul.f32 v11, v9;
	v9 =	vbroadcast v2, $0x9;
	_ =	sdelay $0x1  }
0x20a: {  	v7 =	vadd.f32 v8, v7;
	v8 =	vmul.f32 v13, v9;
	v9 =	vbroadcast v3, $0x9;
	_ =	sdelay $0x1  }
0x20b: {  	v7 =	vadd.f32 v8, v7;
	v8 =	vmul.f32 v10, v9;
	_ =	sdelay $0x1  }
0x20c: {  	v7 =	vadd.f32 v8, v7;
	_ =	sdelay $0x1  }
0x20d: {  	[tilespmem:s25+$0x10] =	vst v7  }
0x20e: {  	v7 =	vld [tilespmem:s24+$0xFFFFE8A0]  }
0x20f: {  	v8 =	vld [tilespmem:s24+$0xFFFFF8A0]  }
0x210: {  	v9 =	vld [tilespmem:s24+$0xFFFFF0A0]  }
0x211: {  	v10 =	vld [tilespmem:s24+$0xA0]  }
0x212: {  	v11 =	vld [tilespmem:s24+$0x8A0]  }
0x213: {  	v12 =	vbroadcast v6, $0xA;
	v13 =	vbroadcast v5, $0xA;
	v14 =	vld [tilespmem:s24+$0x10A0]  }
0x214: {  	v15 =	vbroadcast v1, $0xA  }
0x215: {  	v7 =	vmul.f32 v7, v12;
	v9 =	vmul.f32 v9, v13;
	_ =	sdelay $0x1  }
0x216: {  	v8 =	vmul.f32 v8, v15;
	v7 =	vadd.f32 v9, v7;
	v9 =	vbroadcast v4, $0xA;
	_ =	sdelay $0x1  }
0x217: {  	v7 =	vadd.f32 v8, v7;
	v8 =	vmul.f32 v10, v9;
	v9 =	vbroadcast v2, $0xA;
	_ =	sdelay $0x1  }
0x218: {  	v7 =	vadd.f32 v8, v7;
	v8 =	vmul.f32 v11, v9;
	v9 =	vbroadcast v3, $0xA;
	_ =	sdelay $0x1  }
0x219: {  	v7 =	vadd.f32 v8, v7;
	v8 =	vmul.f32 v14, v9;
	_ =	sdelay $0x1  }
0x21a: {  	v7 =	vadd.f32 v8, v7;
	_ =	sdelay $0x1  }
0x21b: {  	[tilespmem:s25+$0x20] =	vst v7  }
0x21c: {  	v7 =	vld [tilespmem:s24+$0xFFFFE8B0]  }
0x21d: {  	v8 =	vld [tilespmem:s24+$0xFFFFF0B0]  }
0x21e: {  	v9 =	vld [tilespmem:s24+$0xB0]  }
0x21f: {  	v10 =	vbroadcast v6, $0xB;
	v11 =	vld [tilespmem:s24+$0xFFFFF8B0]  }
0x220: {  	v12 =	vbroadcast v5, $0xB;
	v13 =	vld [tilespmem:s24+$0x8B0]  }
0x221: {  	v7 =	vmul.f32 v7, v10;
	v10 =	vld [tilespmem:s24+$0x10B0]  }
0x222: {  	v8 =	vmul.f32 v8, v12;
	v12 =	vbroadcast v1, $0xB;
	_ =	sdelay $0x1  }
0x223: {  	v7 =	vadd.f32 v8, v7;
	v8 =	vmul.f32 v11, v12;
	v11 =	vbroadcast v4, $0xB;
	_ =	sdelay $0x1  }
0x224: {  	v7 =	vadd.f32 v8, v7;
	v8 =	vmul.f32 v9, v11;
	v9 =	vbroadcast v2, $0xB;
	_ =	sdelay $0x1  }
0x225: {  	v7 =	vadd.f32 v8, v7;
	v8 =	vmul.f32 v13, v9;
	v9 =	vbroadcast v3, $0xB;
	_ =	sdelay $0x1  }
0x226: {  	v7 =	vadd.f32 v8, v7;
	v8 =	vmul.f32 v10, v9;
	_ =	sdelay $0x1  }
0x227: {  	v7 =	vadd.f32 v8, v7;
	_ =	sdelay $0x1  }
0x228: {  	[tilespmem:s25+$0x30] =	vst v7  }
0x229: {  	v7 =	vld [tilespmem:s24+$0xFFFFF0C0]  }
0x22a: {  	v8 =	vld [tilespmem:s24+$0xFFFFE8C0]  }
0x22b: {  	v9 =	vld [tilespmem:s24+$0xFFFFF8C0]  }
0x22c: {  	v10 =	vbroadcast v5, $0xC;
	v11 =	vld [tilespmem:s24+$0xC0]  }
0x22d: {  	v12 =	vbroadcast v6, $0xC;
	v13 =	vld [tilespmem:s24+$0x8C0]  }
0x22e: {  	v7 =	vmul.f32 v7, v10;
	v10 =	vld [tilespmem:s24+$0x10C0]  }
0x22f: {  	v8 =	vmul.f32 v8, v12;
	v12 =	vbroadcast v1, $0xC;
	_ =	sdelay $0x1  }
0x230: {  	v7 =	vadd.f32 v7, v8;
	v8 =	vmul.f32 v9, v12;
	v9 =	vbroadcast v4, $0xC;
	_ =	sdelay $0x1  }
0x231: {  	v7 =	vadd.f32 v8, v7;
	v8 =	vmul.f32 v11, v9;
	v9 =	vbroadcast v2, $0xC;
	_ =	sdelay $0x1  }
0x232: {  	v7 =	vadd.f32 v8, v7;
	v8 =	vmul.f32 v13, v9;
	v9 =	vbroadcast v3, $0xC;
	_ =	sdelay $0x1  }
0x233: {  	v7 =	vadd.f32 v8, v7;
	v8 =	vmul.f32 v10, v9;
	_ =	sdelay $0x1  }
0x234: {  	v7 =	vadd.f32 v8, v7;
	_ =	sdelay $0x1  }
0x235: {  	[tilespmem:s25+$0x40] =	vst v7  }
0x236: {  	v7 =	vld [tilespmem:s24+$0xFFFFE8D0]  }
0x237: {  	v8 =	vld [tilespmem:s24+$0xFFFFF8D0]  }
0x238: {  	v9 =	vld [tilespmem:s24+$0xFFFFF0D0]  }
0x239: {  	v10 =	vld [tilespmem:s24+$0xD0]  }
0x23a: {  	v11 =	vld [tilespmem:s24+$0x8D0]  }
0x23b: {  	v12 =	vbroadcast v6, $0xD;
	v13 =	vbroadcast v5, $0xD;
	v14 =	vld [tilespmem:s24+$0x10D0]  }
0x23c: {  	v15 =	vbroadcast v1, $0xD  }
0x23d: {  	v7 =	vmul.f32 v7, v12;
	v9 =	vmul.f32 v9, v13;
	_ =	sdelay $0x1  }
0x23e: {  	v8 =	vmul.f32 v8, v15;
	v7 =	vadd.f32 v9, v7;
	v9 =	vbroadcast v4, $0xD;
	_ =	sdelay $0x1  }
0x23f: {  	v7 =	vadd.f32 v8, v7;
	v8 =	vmul.f32 v10, v9;
	v9 =	vbroadcast v2, $0xD;
	_ =	sdelay $0x1  }
0x240: {  	v7 =	vadd.f32 v8, v7;
	v8 =	vmul.f32 v11, v9;
	v9 =	vbroadcast v3, $0xD;
	_ =	sdelay $0x1  }
0x241: {  	v7 =	vadd.f32 v8, v7;
	v8 =	vmul.f32 v14, v9;
	_ =	sdelay $0x1  }
0x242: {  	v7 =	vadd.f32 v8, v7;
	_ =	sdelay $0x1  }
0x243: {  	[tilespmem:s25+$0x50] =	vst v7  }
0x244: {  	v7 =	vld [tilespmem:s24+$0xFFFFE8E0]  }
0x245: {  	v8 =	vld [tilespmem:s24+$0xFFFFF0E0]  }
0x246: {  	v9 =	vld [tilespmem:s24+$0xFFFFF8E0]  }
0x247: {  	v10 =	vbroadcast v6, $0xE;
	v11 =	vld [tilespmem:s24+$0xE0]  }
0x248: {  	v12 =	vbroadcast v5, $0xE;
	v13 =	vld [tilespmem:s24+$0x8E0]  }
0x249: {  	v7 =	vmul.f32 v7, v10;
	v10 =	vld [tilespmem:s24+$0x10E0]  }
0x24a: {  	v8 =	vmul.f32 v8, v12;
	v12 =	vbroadcast v1, $0xE;
	_ =	sdelay $0x1  }
0x24b: {  	v7 =	vadd.f32 v8, v7;
	v8 =	vmul.f32 v9, v12;
	v9 =	vbroadcast v4, $0xE;
	_ =	sdelay $0x1  }
.Ltmp1:
0x24c: {  	v7 =	vadd.f32 v8, v7;
	v8 =	vmul.f32 v11, v9;
	v9 =	vbroadcast v2, $0xE;
	(pc) =	sbr.rel @p0 .LBB2_5-.Ltmp1, $3  }
0x24d: {  	_ = 	snop  }
0x24e: {  	v7 =	vadd.f32 v8, v7;
	v8 =	vmul.f32 v13, v9;
	v9 =	vbroadcast v3, $0xE;
	_ =	sdelay $0x1  }
0x24f: {  	v7 =	vadd.f32 v8, v7;
	v8 =	vmul.f32 v10, v9  }
0x250: {  	_ = 	snop  }
0x251: {  	v0 =	vadd.f32 v8, v7;
	_ =	sdelay $0x1  }
0x252: {  	[tilespmem:s26+$0x60] =	vst v0  }
0x253: {  	v0 =	vld [tilespmem:s28+$0xFFFFE8F0]  }
0x254: {  	v56 =	vld [tilespmem:s28+$0xFFFFF0F0];
	_ =	sdelay $0x1  }
0x255: {  	v57 =	vld [tilespmem:s28+$0xFFFFF8F0]  }
0x256: {  	v6 =	vbroadcast v6, $0xF;
	v5 =	vbroadcast v5, $0xF  }
0x257: {  	v1 =	vbroadcast v1, $0xF;
	v9 =	vld [tilespmem:s28+$0xF0]  }
0x258: {  	v0 =	vmul.f32 v0, v6;
	v5 =	vmul.f32 v56, v5  }
0x259: {  	v58 =	vld [tilespmem:s28+$0x8F0]  }
0x25a: {  	v4 =	vbroadcast v4, $0xF;
	v1 =	vmul.f32 v57, v1;
	v0 =	vadd.f32 v5, v0  }
0x25b: {  	v59 =	vld [tilespmem:s28+$0x10F0]  }
0x25c: {  	v2 =	vbroadcast v2, $0xF;
	v60 =	vmul.f32 v9, v4;
	v0 =	vadd.f32 v1, v0;
	_ =	sdelay $0x1  }
0x25d: {  	v62 =	vbroadcast v3, $0xF;
	v61 =	vmul.f32 v58, v2;
	v0 =	vadd.f32 v60, v0;
	_ =	sdelay $0x1  }
0x25e: {  	v63 =	vmul.f32 v59, v62;
	v0 =	vadd.f32 v61, v0;
	_ =	sdelay $0x1  }
0x25f: {  	s23 =	sadd.s32 s5, s23;
	s21 =	sadd.s32 $0x1, s21;
	v0 =	vadd.f32 v63, v0  }
0x260: {  	s23 =	sshll.u32 s23, $0x1;
	p0 =	sne.s32 s21, $0x20  }
.Ltmp2:
0x261: {  	s23 =	sadd.s32 s7, s23;
	[tilespmem:s26+$0x70] =	vst v0;
	(pc) =	sbr.rel @p0 .LBB2_4-.Ltmp2, $4  }
0x262: {  	[hbm4b:s23+s3] =	stream.linear.scatter [tilespmem:s19], [sflag:$0x2], $0x800, $0x38;
	[tilespmem:$0xE860] =	vst v63  }
0x263: {  	_ =	swait.ge [sflag:s10], $0x800  }
0x264: {  	[sflag:s10] =	ssyncset.done $0x0  }
0x265: {  	s22 =	sadd.s32 $0x80, s22;
	[sflag:s10] =	ssyncadd.s32 $0xFFFFF800  }
0x266: {  	s20 =	sadd.s32 $0x1, s20  }
0x267: {  	p0 =	sne.s32 s20, s9  }
.Ltmp3:
0x268: {  	_ = 	snop;
	(pc) =	sbr.rel @p0 .LBB2_1-.Ltmp3, $1  }
0x269: {  	_ =	sdelay $0x3  }
0x26a: {  	_ =	sfence.sel $0x180000  }
0x26b: {  	[bflag:$0x0] =	sbarrier.arrive $0xFFFF  }
0x26c: {  	p0 =	sne.s32 s2, $0x0;
	_ =	strace $0x90000047  }
0x26d: {  	s0 =	sadd.s32 @!p0 $0x100000, s0;
	[bflag:$0x2] =	sbarrier.arrive $0xFFFF  }
0x26e: {  	[sflag:s0] =	ssyncadd.tile.s32 @!p0 $0x1;
	_ =	shalt  }
.Lfunc_end2:
_tile_overlayer_lowered:
.L_overlay_start_2:
0x26f: {  	(tag) =	ssettag $0x2  }
0x270: {  	s0 =	rddreg [dreg:$0x0];
	s2 =	stileid.u32  }
0x271: {  	s1 =	rddreg [dreg:$0x1];
	p0 =	sne.s32 s2, $0x0  }
0x272: {  	s3 =	rddreg [dreg:$0x2];
	[bflag:$0x3] =	sbarrier.arrive $0xFFFF;
	s2 =	simm.s32 @!p0 $0x1C02  }
0x273: {  	[timem:s3], [sflag:s2] =	dma.local @!p0 [hbm:s0], s1  }
0x274: {  	s0 =	simm.s32 @!p0 $0x2  }
0x275: {  	_ =	swait.ge @!p0 [sflag:s0], s1  }
0x276: {  	s1 =	ssub.s32 @!p0 $0x0, s1;
	[sflag:s0] =	ssyncset.done @!p0 $0x0  }
0x277: {  	[sflag:s0] =	ssyncadd.s32 @!p0 s1  }
0x278: {  	[bflag:$0x3] =	sbarrier.arrive $0xFFFF  }
0x279: {  	_ =	shalt  }

</sc_bundles>
